<compile_context>
chip_gen: v7x
topology: tpu7x:2x2x1
jax: 0.10.2.dev20260603
libtpu: 0.0.44.dev20260713+nightly
codegen_flags: <defaults>
</compile_context>

<pallas_src>
import functools
import jax
import jax.numpy as jnp
from jax import lax
from jax.experimental import pallas as pl
from jax.experimental.pallas import tpu as pltpu
from jax.experimental.pallas import tpu_sc as plsc

_N, _D, _OUT = 16384, 4096, 4
_NC, _NS, _L = 2, 16, 16
_NW = _NC * _NS
_R = 8


def _sc_call(x, wt, comb16, row0, S):
    rw = S // _NW
    nchunks = rw // _R
    mesh = plsc.VectorSubcoreMesh(
        core_axis_name="c", subcore_axis_name="s",
        num_cores=_NC, num_subcores=_NS,
    )

    @functools.partial(
        pl.kernel,
        out_type=jax.ShapeDtypeStruct((S // 4, 4 * _OUT), jnp.float32),
        mesh=mesh,
        scratch_types=[
            pltpu.VMEM((2, _R, _D), jnp.float32),
            pltpu.VMEM((_OUT, _D), jnp.float32),
            pltpu.VMEM((rw // 4, 4 * _OUT), jnp.float32),
            pltpu.VMEM((_L,), jnp.float32),
            pltpu.SemaphoreType.DMA,
            pltpu.SemaphoreType.DMA,
            pltpu.SemaphoreType.DMA,
        ],
    )
    def sck(x_hbm, wt_hbm, comb_hbm, out_hbm, xbuf, wbuf, obuf, cbuf,
            sem0, sem1, osem):
        wid = lax.axis_index("s") * _NC + lax.axis_index("c")
        base = pl.multiple_of(row0 + wid * rw, _R)
        obase = pl.multiple_of(wid * (rw // 4), rw // 4)
        pltpu.sync_copy(wt_hbm, wbuf)
        pltpu.sync_copy(comb_hbm, cbuf)
        sems = (sem0, sem1)

        def start_copy(ci, b):
            pltpu.make_async_copy(
                x_hbm.at[pl.ds(pl.multiple_of(base + ci * _R, _R), _R)],
                xbuf.at[b], sems[b],
            ).start()

        start_copy(0, 0)

        zero = jnp.zeros((_L,), jnp.float32)
        init = tuple(tuple(zero for _ in range(_OUT)) for _ in range(_R))

        def make_kbody(b):
            def kbody(k, accs):
                off = k * _L
                ws = tuple(wbuf[j, pl.ds(off, _L)] for j in range(_OUT))
                new = []
                for r in range(_R):
                    xv = xbuf[b, r, pl.ds(off, _L)]
                    new.append(
                        tuple(accs[r][j] + xv * ws[j] for j in range(_OUT))
                    )
                return tuple(new)
            return kbody

        gd = lax.GatherDimensionNumbers(
            offset_dims=(), collapsed_slice_dims=(0,), start_index_map=(0,))

        def lane_sum(v, lanes):
            for k in (1, 2, 4, 8):
                perm = jnp.bitwise_xor(lanes, k)
                v = v + lax.gather(
                    v, perm[:, None], gd, slice_sizes=(1,),
                    mode=lax.GatherScatterMode.PROMISE_IN_BOUNDS)
            return v

        def pair_body(p, _):
            cv = cbuf[pl.ds(0, _L)]
            lanes = lax.iota(jnp.int32, _L)
            for b in range(2):
                ci = p * 2 + b
                pltpu.make_async_copy(
                    x_hbm.at[pl.ds(pl.multiple_of(base + ci * _R, _R), _R)], xbuf.at[b], sems[b]
                ).wait()

                @pl.when(ci + 1 < nchunks)
                def _():
                    start_copy(ci + 1, 1 - b)

                accs = lax.fori_loop(0, _D // _L, make_kbody(b), init)
                for g in range(_R // 4):
                    vec = jnp.zeros((_L,), jnp.float32)
                    for l in range(_L):
                        r, j = g * 4 + l // 4, l % 4
                        s = lane_sum(accs[r][j], lanes) + cv[j]
                        vec = jnp.where(lanes == l, s, vec)
                    obuf[ci * (_R // 4) + g, :] = vec
            return 0

        lax.fori_loop(0, nchunks // 2, pair_body, 0)
        cp = pltpu.make_async_copy(
            obuf, out_hbm.at[pl.ds(obase, rw // 4)], osem)
        cp.start()
        cp.wait()

    return sck(x, wt, comb16).reshape(S, _OUT)


_BN = 512
_SC_ROWS = 2048


def _tc_body(x_ref, w_ref, b_ref, o_ref):
    xh = x_ref[...].astype(jnp.bfloat16)
    o_ref[...] = (
        jnp.dot(xh, w_ref[...], preferred_element_type=jnp.float32)
        + b_ref[...]
    )


def _tc_call(x, w, comb, n):
    return pl.pallas_call(
        _tc_body,
        grid=(n // _BN,),
        in_specs=[
            pl.BlockSpec((_BN, _D), lambda i: (i, 0)),
            pl.BlockSpec((_D, _OUT), lambda i: (0, 0)),
            pl.BlockSpec((1, _OUT), lambda i: (0, 0)),
        ],
        out_specs=pl.BlockSpec((_BN, _OUT), lambda i: (i, 0)),
        out_shape=jax.ShapeDtypeStruct((n, _OUT), jnp.float32),
        compiler_params=pltpu.CompilerParams(
            dimension_semantics=("arbitrary",),
        ),
    )(x, w, comb)


def kernel(inputs, kernel, bias, a, c):
    comb = bias + a + c
    comb16 = jnp.pad(comb, (0, _L - _OUT))
    wt = kernel.T
    n_tc = _N - _SC_ROWS
    sc_out = _sc_call(inputs, wt, comb16, n_tc, _SC_ROWS)
    tc_out = _tc_call(inputs, kernel.astype(jnp.bfloat16),
                      comb.reshape(1, _OUT), n_tc)
    return jnp.concatenate([tc_out, sc_out], axis=0)

# --- scband reference (transcript-rebuilt; emitter-appended) ---
"""Pipeline reference for scband-subclassed-sparse-model-no-config-24412594110698 (READ-ONLY COPY).

The authoritative reference and input builder live on the scoring server;
editing this copy changes nothing except your own understanding.
"""

import jax, jax.numpy as jnp
import numpy as np

N, D, OUT = 16384, 4096, 4
DENSITY = 0.01

def setup_inputs(seed: int = 0) -> dict:
    key = jax.random.key(seed)
    k1, k2, k3 = jax.random.split(key, 3)
    # Dense-equivalent of the SparseTensor input (density ~1%)
    vals = jax.random.uniform(k1, (N, D), dtype=jnp.float32)
    mask = (jax.random.uniform(k2, (N, D)) < DENSITY).astype(jnp.float32)
    inputs = vals * mask
    # SparseDense(4) parameters (glorot-ish init)
    kernel = jax.random.normal(k3, (D, OUT), dtype=jnp.float32) * (1.0 / np.sqrt(D))
    bias = jnp.zeros((OUT,), dtype=jnp.float32)
    # CustomLayerNoConfig built variable c: shape = input_shape[1:] = [OUT], init 1.0
    c = jnp.ones((OUT,), dtype=jnp.float32)
    # model-level scalar a (python float passed to __init__)
    a = jnp.asarray(1.0, dtype=jnp.float32)
    return {"inputs": inputs, "kernel": kernel, "bias": bias, "a": a, "c": c}

def reference(inputs, kernel, bias, a, c):
    # SparseDense.call: sparse_dense_matmul(x, kernel) + bias, linear activation.
    # Dense-equivalent math is identical: inputs @ kernel + bias.
    x = jnp.matmul(inputs, kernel) + bias
    # model.call: self.shared(x + self.a); CustomLayerNoConfig.call returns inputs + self.c
    # (add_loss / add_metric are side effects, not part of forward output)
    return (x + a) + c

if __name__ == "__main__":
    import jax
    _d = setup_inputs()
    print(jax.jit(kernel)(*tuple(_d.values())))

</pallas_src>

<mosaic_0001>
#map = affine_map<(d0, d1) -> (0, 0)>
#map1 = affine_map<(d0, d1) -> (0)>
module attributes {stable_mosaic.version = 14 : i64} {
  func.func @sck(%arg0: i32, %arg1: i32, %arg2: memref<16384x4096xf32, #tpu.memory_space<hbm>>, %arg3: memref<4x4096xf32, #tpu.memory_space<hbm>>, %arg4: memref<16xf32, #tpu.memory_space<hbm>>, %arg5: memref<512x16xf32, #tpu.memory_space<hbm>>, %arg6: memref<2x8x4096xf32, #tpu.memory_space<vmem>>, %arg7: memref<4x4096xf32, #tpu.memory_space<vmem>>, %arg8: memref<16x16xf32, #tpu.memory_space<vmem>>, %arg9: memref<16xf32, #tpu.memory_space<vmem>>, %arg10: memref<!tpu.dma_semaphore, #tpu.memory_space<semaphore_mem>>, %arg11: memref<!tpu.dma_semaphore, #tpu.memory_space<semaphore_mem>>, %arg12: memref<!tpu.dma_semaphore, #tpu.memory_space<semaphore_mem>>) attributes {dimension_semantics = [#tpu.dimension_semantics<core_parallel>, #tpu.dimension_semantics<subcore_parallel>], iteration_bounds = array<i64: 2, 16>, scalar_prefetch = 0 : i64, scratch_operands = 7 : i64, tpu.core_type = #tpu.core_type<sc_vector_subcore>, window_params = [{transform_indices = #map}, {transform_indices = #map}, {transform_indices = #map1}, {transform_indices = #map}]} {
    %mul3A = arith.constant 2 : i32
    %mul3A_0 = arith.muli %arg1, %mul3A : i32
    %add3A = arith.addi %mul3A_0, %arg0 : i32
    %mul3A_1 = arith.constant 64 : i32
    %mul3A_2 = arith.muli %add3A, %mul3A_1 : i32
    %add3A_3 = arith.constant 14336 : i32
    %add3A_4 = arith.addi %add3A_3, %mul3A_2 : i32
    %multiple_of3A = tpu.assume_multiple %add3A_4, 8 : i32
    %mul3A_5 = arith.constant 16 : i32
    %mul3A_6 = arith.muli %add3A, %mul3A_5 : i32
    %multiple_of3A_7 = tpu.assume_multiple %mul3A_6, 16 : i32
    "tpu.region"() ({
      %run_scoped3A = tpu.sem_alloc : memref<!tpu.dma_semaphore, #tpu.memory_space<semaphore_mem>>
      tpu.enqueue_dma source(%arg3 : memref<4x4096xf32, #tpu.memory_space<hbm>>) target(%arg7 : memref<4x4096xf32, #tpu.memory_space<vmem>>) target_semaphore(%run_scoped3A : memref<!tpu.dma_semaphore, #tpu.memory_space<semaphore_mem>>)
      tpu.wait_dma2 semaphore(%run_scoped3A : memref<!tpu.dma_semaphore, #tpu.memory_space<semaphore_mem>>) src(%arg3 : memref<4x4096xf32, #tpu.memory_space<hbm>>) dst(%arg7 : memref<4x4096xf32, #tpu.memory_space<vmem>>)
      tpu.yield
    }) : () -> ()
    "tpu.region"() ({
      %run_scoped3A = tpu.sem_alloc : memref<!tpu.dma_semaphore, #tpu.memory_space<semaphore_mem>>
      tpu.enqueue_dma source(%arg4 : memref<16xf32, #tpu.memory_space<hbm>>) target(%arg9 : memref<16xf32, #tpu.memory_space<vmem>>) target_semaphore(%run_scoped3A : memref<!tpu.dma_semaphore, #tpu.memory_space<semaphore_mem>>)
      tpu.wait_dma2 semaphore(%run_scoped3A : memref<!tpu.dma_semaphore, #tpu.memory_space<semaphore_mem>>) src(%arg4 : memref<16xf32, #tpu.memory_space<hbm>>) dst(%arg9 : memref<16xf32, #tpu.memory_space<vmem>>)
      tpu.yield
    }) : () -> ()
    %add3A_8 = arith.constant 0 : i32
    %add3A_9 = arith.addi %multiple_of3A, %add3A_8 : i32
    %multiple_of3A_10 = tpu.assume_multiple %add3A_9, 8 : i32
    %dma_start3A = arith.constant 0 : i32
    %dma_start3A_11 = arith.constant 0 : i32
    %dma_start3A_12 = arith.constant 0 : i32
    %dma_start3A_13 = tpu.memref_slice %arg6[%dma_start3A, %dma_start3A_11, %dma_start3A_12] : memref<2x8x4096xf32, #tpu.memory_space<vmem>> -> memref<1x8x4096xf32, #tpu.memory_space<vmem>>
    %dma_start3A_14 = tpu.memref_squeeze %dma_start3A_13 : memref<1x8x4096xf32, #tpu.memory_space<vmem>> -> memref<8x4096xf32, #tpu.memory_space<vmem>>
    %dma_start3A_15 = arith.constant 0 : i32
    %dma_start3A_16 = tpu.memref_slice %arg2[%multiple_of3A_10, %dma_start3A_15] : memref<16384x4096xf32, #tpu.memory_space<hbm>> -> memref<8x4096xf32, #tpu.memory_space<hbm>>
    %dma_start3A_17 = arith.constant 0 : i32
    %dma_start3A_18 = arith.constant 0 : i32
    %dma_start3A_19 = tpu.memref_slice %arg6[%dma_start3A, %dma_start3A_17, %dma_start3A_18] : memref<2x8x4096xf32, #tpu.memory_space<vmem>> -> memref<1x8x4096xf32, #tpu.memory_space<vmem>>
    %dma_start3A_20 = tpu.memref_squeeze %dma_start3A_19 : memref<1x8x4096xf32, #tpu.memory_space<vmem>> -> memref<8x4096xf32, #tpu.memory_space<vmem>>
    %dma_start3A_21 = arith.constant 0 : i32
    %dma_start3A_22 = tpu.memref_slice %arg2[%multiple_of3A_10, %dma_start3A_21] : memref<16384x4096xf32, #tpu.memory_space<hbm>> -> memref<8x4096xf32, #tpu.memory_space<hbm>>
    tpu.enqueue_dma source(%dma_start3A_22 : memref<8x4096xf32, #tpu.memory_space<hbm>>) target(%dma_start3A_20 : memref<8x4096xf32, #tpu.memory_space<vmem>>) target_semaphore(%arg10 : memref<!tpu.dma_semaphore, #tpu.memory_space<semaphore_mem>>)
    %broadcast_in_dim3A = arith.constant 0.000000e+00 : f32
    %broadcast_in_dim3A_23 = vector.broadcast %broadcast_in_dim3A : f32 to vector<16xf32>
    %scan3A = arith.constant 0 : i32
    %scan3A_24 = arith.constant 0 : i32
    %scan3A_25 = arith.constant 4 : i32
    %scan3A_26 = arith.addi %scan3A_24, %scan3A_25 : i32
    %scan3A_27 = arith.constant 1 : i32
    %scan3A_28 = scf.for %scan3A_37 = %scan3A_24 to %scan3A_26 step %scan3A_27 iter_args(%scan3A_38 = %scan3A) -> (i32)  : i32 {
      %get3A = arith.constant 0 : index
      %get3A_39 = tpu.vector_load %arg9[%get3A] {strides = array<i32>} : memref<16xf32, #tpu.memory_space<vmem>>, vector<16xf32>,
      %get3A_40 = vector.shape_cast %get3A_39 : vector<16xf32> to vector<16xf32>
      %iota3A = tpu.iota {dimensions = array<i32: 0>} : vector<16xi32>
      %mul3A_41 = arith.constant 2 : i32
      %mul3A_42 = arith.muli %scan3A_37, %mul3A_41 : i32
      %add3A_43 = arith.constant 0 : i32
      %add3A_44 = arith.addi %mul3A_42, %add3A_43 : i32
      %mul3A_45 = arith.constant 8 : i32
      %mul3A_46 = arith.muli %add3A_44, %mul3A_45 : i32
      %add3A_47 = arith.addi %multiple_of3A, %mul3A_46 : i32
      %multiple_of3A_48 = tpu.assume_multiple %add3A_47, 8 : i32
      %dma_wait3A_49 = arith.constant 0 : i32
      %dma_wait3A_50 = arith.constant 0 : i32
      %dma_wait3A_51 = arith.constant 0 : i32
      %dma_wait3A_52 = tpu.memref_slice %arg6[%dma_wait3A_49, %dma_wait3A_50, %dma_wait3A_51] : memref<2x8x4096xf32, #tpu.memory_space<vmem>> -> memref<1x8x4096xf32, #tpu.memory_space<vmem>>
      %dma_wait3A_53 = tpu.memref_squeeze %dma_wait3A_52 : memref<1x8x4096xf32, #tpu.memory_space<vmem>> -> memref<8x4096xf32, #tpu.memory_space<vmem>>
      %dma_wait3A_54 = arith.constant 0 : i32
      %dma_wait3A_55 = tpu.memref_slice %arg2[%multiple_of3A_48, %dma_wait3A_54] : memref<16384x4096xf32, #tpu.memory_space<hbm>> -> memref<8x4096xf32, #tpu.memory_space<hbm>>
      %dma_wait3A_56 = arith.constant 0 : i32
      %dma_wait3A_57 = arith.constant 0 : i32
      %dma_wait3A_58 = tpu.memref_slice %arg6[%dma_wait3A_49, %dma_wait3A_56, %dma_wait3A_57] : memref<2x8x4096xf32, #tpu.memory_space<vmem>> -> memref<1x8x4096xf32, #tpu.memory_space<vmem>>
      %dma_wait3A_59 = tpu.memref_squeeze %dma_wait3A_58 : memref<1x8x4096xf32, #tpu.memory_space<vmem>> -> memref<8x4096xf32, #tpu.memory_space<vmem>>
      %dma_wait3A_60 = arith.constant 0 : i32
      %dma_wait3A_61 = tpu.memref_slice %arg2[%multiple_of3A_48, %dma_wait3A_60] : memref<16384x4096xf32, #tpu.memory_space<hbm>> -> memref<8x4096xf32, #tpu.memory_space<hbm>>
      tpu.wait_dma2 semaphore(%arg10 : memref<!tpu.dma_semaphore, #tpu.memory_space<semaphore_mem>>) src(%dma_wait3A_61 : memref<8x4096xf32, #tpu.memory_space<hbm>>) dst(%dma_wait3A_59 : memref<8x4096xf32, #tpu.memory_space<vmem>>)
      %add3A_62 = arith.constant 1 : i32
      %add3A_63 = arith.addi %add3A_44, %add3A_62 : i32
      %lt3A = arith.constant 8 : i32
      %lt3A_64 = arith.cmpi slt, %add3A_63, %lt3A : i32
      %convert_element_type3A = arith.extui %lt3A_64 : i1 to i32
      %cond3A = arith.constant 0 : i32
      %cond3A_65 = arith.cmpi ne, %convert_element_type3A, %cond3A : i32
      scf.if %cond3A_65 {
        %add3A_2448 = arith.constant 1 : i32
        %add3A_2449 = arith.addi %add3A_44, %add3A_2448 : i32
        %mul3A_2450 = arith.constant 8 : i32
        %mul3A_2451 = arith.muli %add3A_2449, %mul3A_2450 : i32
        %add3A_2452 = arith.addi %multiple_of3A, %mul3A_2451 : i32
        %multiple_of3A_2453 = tpu.assume_multiple %add3A_2452, 8 : i32
        %dma_start3A_2454 = arith.constant 1 : i32
        %dma_start3A_2455 = arith.constant 0 : i32
        %dma_start3A_2456 = arith.constant 0 : i32
        %dma_start3A_2457 = tpu.memref_slice %arg6[%dma_start3A_2454, %dma_start3A_2455, %dma_start3A_2456] : memref<2x8x4096xf32, #tpu.memory_space<vmem>> -> memref<1x8x4096xf32, #tpu.memory_space<vmem>>
        %dma_start3A_2458 = tpu.memref_squeeze %dma_start3A_2457 : memref<1x8x4096xf32, #tpu.memory_space<vmem>> -> memref<8x4096xf32, #tpu.memory_space<vmem>>
        %dma_start3A_2459 = arith.constant 0 : i32
        %dma_start3A_2460 = tpu.memref_slice %arg2[%multiple_of3A_2453, %dma_start3A_2459] : memref<16384x4096xf32, #tpu.memory_space<hbm>> -> memref<8x4096xf32, #tpu.memory_space<hbm>>
        %dma_start3A_2461 = arith.constant 0 : i32
        %dma_start3A_2462 = arith.constant 0 : i32
        %dma_start3A_2463 = tpu.memref_slice %arg6[%dma_start3A_2454, %dma_start3A_2461, %dma_start3A_2462] : memref<2x8x4096xf32, #tpu.memory_space<vmem>> -> memref<1x8x4096xf32, #tpu.memory_space<vmem>>
        %dma_start3A_2464 = tpu.memref_squeeze %dma_start3A_2463 : memref<1x8x4096xf32, #tpu.memory_space<vmem>> -> memref<8x4096xf32, #tpu.memory_space<vmem>>
        %dma_start3A_2465 = arith.constant 0 : i32
        %dma_start3A_2466 = tpu.memref_slice %arg2[%multiple_of3A_2453, %dma_start3A_2465] : memref<16384x4096xf32, #tpu.memory_space<hbm>> -> memref<8x4096xf32, #tpu.memory_space<hbm>>
        tpu.enqueue_dma source(%dma_start3A_2466 : memref<8x4096xf32, #tpu.memory_space<hbm>>) target(%dma_start3A_2464 : memref<8x4096xf32, #tpu.memory_space<vmem>>) target_semaphore(%arg11 : memref<!tpu.dma_semaphore, #tpu.memory_space<semaphore_mem>>)
      } else {
      }
      %scan3A_66 = arith.constant 0 : i32
      %scan3A_67 = arith.constant 256 : i32
      %scan3A_68 = arith.addi %scan3A_66, %scan3A_67 : i32
      %scan3A_69 = arith.constant 1 : i32
      %scan3A_70:32 = scf.for %scan3A_2448 = %scan3A_66 to %scan3A_68 step %scan3A_69 iter_args(%scan3A_2449 = %broadcast_in_dim3A_23, %scan3A_2450 = %broadcast_in_dim3A_23, %scan3A_2451 = %broadcast_in_dim3A_23, %scan3A_2452 = %broadcast_in_dim3A_23, %scan3A_2453 = %broadcast_in_dim3A_23, %scan3A_2454 = %broadcast_in_dim3A_23, %scan3A_2455 = %broadcast_in_dim3A_23, %scan3A_2456 = %broadcast_in_dim3A_23, %scan3A_2457 = %broadcast_in_dim3A_23, %scan3A_2458 = %broadcast_in_dim3A_23, %scan3A_2459 = %broadcast_in_dim3A_23, %scan3A_2460 = %broadcast_in_dim3A_23, %scan3A_2461 = %broadcast_in_dim3A_23, %scan3A_2462 = %broadcast_in_dim3A_23, %scan3A_2463 = %broadcast_in_dim3A_23, %scan3A_2464 = %broadcast_in_dim3A_23, %scan3A_2465 = %broadcast_in_dim3A_23, %scan3A_2466 = %broadcast_in_dim3A_23, %scan3A_2467 = %broadcast_in_dim3A_23, %scan3A_2468 = %broadcast_in_dim3A_23, %scan3A_2469 = %broadcast_in_dim3A_23, %scan3A_2470 = %broadcast_in_dim3A_23, %scan3A_2471 = %broadcast_in_dim3A_23, %scan3A_2472 = %broadcast_in_dim3A_23, %scan3A_2473 = %broadcast_in_dim3A_23, %scan3A_2474 = %broadcast_in_dim3A_23, %scan3A_2475 = %broadcast_in_dim3A_23, %scan3A_2476 = %broadcast_in_dim3A_23, %scan3A_2477 = %broadcast_in_dim3A_23, %scan3A_2478 = %broadcast_in_dim3A_23, %scan3A_2479 = %broadcast_in_dim3A_23, %scan3A_2480 = %broadcast_in_dim3A_23) -> (vector<16xf32>, vector<16xf32>, vector<16xf32>, vector<16xf32>, vector<16xf32>, vector<16xf32>, vector<16xf32>, vector<16xf32>, vector<16xf32>, vector<16xf32>, vector<16xf32>, vector<16xf32>, vector<16xf32>, vector<16xf32>, vector<16xf32>, vector<16xf32>, vector<16xf32>, vector<16xf32>, vector<16xf32>, vector<16xf32>, vector<16xf32>, vector<16xf32>, vector<16xf32>, vector<16xf32>, vector<16xf32>, vector<16xf32>, vector<16xf32>, vector<16xf32>, vector<16xf32>, vector<16xf32>, vector<16xf32>, vector<16xf32>)  : i32 {
        %mul3A_2481 = arith.constant 16 : i32
        %mul3A_2482 = arith.muli %scan3A_2448, %mul3A_2481 : i32
        %get3A_2483 = arith.constant 0 : i32
        %get3A_2484 = arith.index_cast %get3A_2483 : i32 to index
        %get3A_2485 = arith.index_cast %mul3A_2482 : i32 to index
        %get3A_2486 = tpu.vector_load %arg7[%get3A_2484, %get3A_2485] {strides = array<i32>} : memref<4x4096xf32, #tpu.memory_space<vmem>>, vector<1x16xf32>,
        %get3A_2487 = vector.shape_cast %get3A_2486 : vector<1x16xf32> to vector<16xf32>
        %get3A_2488 = arith.constant 1 : i32
        %get3A_2489 = arith.index_cast %get3A_2488 : i32 to index
        %get3A_2490 = arith.index_cast %mul3A_2482 : i32 to index
        %get3A_2491 = tpu.vector_load %arg7[%get3A_2489, %get3A_2490] {strides = array<i32>} : memref<4x4096xf32, #tpu.memory_space<vmem>>, vector<1x16xf32>,
        %get3A_2492 = vector.shape_cast %get3A_2491 : vector<1x16xf32> to vector<16xf32>
        %get3A_2493 = arith.constant 2 : i32
        %get3A_2494 = arith.index_cast %get3A_2493 : i32 to index
        %get3A_2495 = arith.index_cast %mul3A_2482 : i32 to index
        %get3A_2496 = tpu.vector_load %arg7[%get3A_2494, %get3A_2495] {strides = array<i32>} : memref<4x4096xf32, #tpu.memory_space<vmem>>, vector<1x16xf32>,
        %get3A_2497 = vector.shape_cast %get3A_2496 : vector<1x16xf32> to vector<16xf32>
        %get3A_2498 = arith.constant 3 : i32
        %get3A_2499 = arith.index_cast %get3A_2498 : i32 to index
        %get3A_2500 = arith.index_cast %mul3A_2482 : i32 to index
        %get3A_2501 = tpu.vector_load %arg7[%get3A_2499, %get3A_2500] {strides = array<i32>} : memref<4x4096xf32, #tpu.memory_space<vmem>>, vector<1x16xf32>,
        %get3A_2502 = vector.shape_cast %get3A_2501 : vector<1x16xf32> to vector<16xf32>
        %get3A_2503 = arith.constant 0 : i32
        %get3A_2504 = arith.constant 0 : i32
        %get3A_2505 = arith.index_cast %get3A_2503 : i32 to index
        %get3A_2506 = arith.index_cast %get3A_2504 : i32 to index
        %get3A_2507 = arith.index_cast %mul3A_2482 : i32 to index
        %get3A_2508 = tpu.vector_load %arg6[%get3A_2505, %get3A_2506, %get3A_2507] {strides = array<i32>} : memref<2x8x4096xf32, #tpu.memory_space<vmem>>, vector<1x1x16xf32>,
        %get3A_2509 = vector.shape_cast %get3A_2508 : vector<1x1x16xf32> to vector<16xf32>
        %mul3A_2510 = arith.mulf %get3A_2509, %get3A_2487 : vector<16xf32>
        %add3A_2511 = arith.addf %scan3A_2449, %mul3A_2510 : vector<16xf32>
        %mul3A_2512 = arith.mulf %get3A_2509, %get3A_2492 : vector<16xf32>
        %add3A_2513 = arith.addf %scan3A_2450, %mul3A_2512 : vector<16xf32>
        %mul3A_2514 = arith.mulf %get3A_2509, %get3A_2497 : vector<16xf32>
        %add3A_2515 = arith.addf %scan3A_2451, %mul3A_2514 : vector<16xf32>
        %mul3A_2516 = arith.mulf %get3A_2509, %get3A_2502 : vector<16xf32>
        %add3A_2517 = arith.addf %scan3A_2452, %mul3A_2516 : vector<16xf32>
        %get3A_2518 = arith.constant 0 : i32
        %get3A_2519 = arith.constant 1 : i32
        %get3A_2520 = arith.index_cast %get3A_2518 : i32 to index
        %get3A_2521 = arith.index_cast %get3A_2519 : i32 to index
        %get3A_2522 = arith.index_cast %mul3A_2482 : i32 to index
        %get3A_2523 = tpu.vector_load %arg6[%get3A_2520, %get3A_2521, %get3A_2522] {strides = array<i32>} : memref<2x8x4096xf32, #tpu.memory_space<vmem>>, vector<1x1x16xf32>,
        %get3A_2524 = vector.shape_cast %get3A_2523 : vector<1x1x16xf32> to vector<16xf32>
        %mul3A_2525 = arith.mulf %get3A_2524, %get3A_2487 : vector<16xf32>
        %add3A_2526 = arith.addf %scan3A_2453, %mul3A_2525 : vector<16xf32>
        %mul3A_2527 = arith.mulf %get3A_2524, %get3A_2492 : vector<16xf32>
        %add3A_2528 = arith.addf %scan3A_2454, %mul3A_2527 : vector<16xf32>
        %mul3A_2529 = arith.mulf %get3A_2524, %get3A_2497 : vector<16xf32>
        %add3A_2530 = arith.addf %scan3A_2455, %mul3A_2529 : vector<16xf32>
        %mul3A_2531 = arith.mulf %get3A_2524, %get3A_2502 : vector<16xf32>
        %add3A_2532 = arith.addf %scan3A_2456, %mul3A_2531 : vector<16xf32>
        %get3A_2533 = arith.constant 0 : i32
        %get3A_2534 = arith.constant 2 : i32
        %get3A_2535 = arith.index_cast %get3A_2533 : i32 to index
        %get3A_2536 = arith.index_cast %get3A_2534 : i32 to index
        %get3A_2537 = arith.index_cast %mul3A_2482 : i32 to index
        %get3A_2538 = tpu.vector_load %arg6[%get3A_2535, %get3A_2536, %get3A_2537] {strides = array<i32>} : memref<2x8x4096xf32, #tpu.memory_space<vmem>>, vector<1x1x16xf32>,
        %get3A_2539 = vector.shape_cast %get3A_2538 : vector<1x1x16xf32> to vector<16xf32>
        %mul3A_2540 = arith.mulf %get3A_2539, %get3A_2487 : vector<16xf32>
        %add3A_2541 = arith.addf %scan3A_2457, %mul3A_2540 : vector<16xf32>
        %mul3A_2542 = arith.mulf %get3A_2539, %get3A_2492 : vector<16xf32>
        %add3A_2543 = arith.addf %scan3A_2458, %mul3A_2542 : vector<16xf32>
        %mul3A_2544 = arith.mulf %get3A_2539, %get3A_2497 : vector<16xf32>
        %add3A_2545 = arith.addf %scan3A_2459, %mul3A_2544 : vector<16xf32>
        %mul3A_2546 = arith.mulf %get3A_2539, %get3A_2502 : vector<16xf32>
        %add3A_2547 = arith.addf %scan3A_2460, %mul3A_2546 : vector<16xf32>
        %get3A_2548 = arith.constant 0 : i32
        %get3A_2549 = arith.constant 3 : i32
        %get3A_2550 = arith.index_cast %get3A_2548 : i32 to index
        %get3A_2551 = arith.index_cast %get3A_2549 : i32 to index
        %get3A_2552 = arith.index_cast %mul3A_2482 : i32 to index
        %get3A_2553 = tpu.vector_load %arg6[%get3A_2550, %get3A_2551, %get3A_2552] {strides = array<i32>} : memref<2x8x4096xf32, #tpu.memory_space<vmem>>, vector<1x1x16xf32>,
        %get3A_2554 = vector.shape_cast %get3A_2553 : vector<1x1x16xf32> to vector<16xf32>
        %mul3A_2555 = arith.mulf %get3A_2554, %get3A_2487 : vector<16xf32>
        %add3A_2556 = arith.addf %scan3A_2461, %mul3A_2555 : vector<16xf32>
        %mul3A_2557 = arith.mulf %get3A_2554, %get3A_2492 : vector<16xf32>
        %add3A_2558 = arith.addf %scan3A_2462, %mul3A_2557 : vector<16xf32>
        %mul3A_2559 = arith.mulf %get3A_2554, %get3A_2497 : vector<16xf32>
        %add3A_2560 = arith.addf %scan3A_2463, %mul3A_2559 : vector<16xf32>
        %mul3A_2561 = arith.mulf %get3A_2554, %get3A_2502 : vector<16xf32>
        %add3A_2562 = arith.addf %scan3A_2464, %mul3A_2561 : vector<16xf32>
        %get3A_2563 = arith.constant 0 : i32
        %get3A_2564 = arith.constant 4 : i32
        %get3A_2565 = arith.index_cast %get3A_2563 : i32 to index
        %get3A_2566 = arith.index_cast %get3A_2564 : i32 to index
        %get3A_2567 = arith.index_cast %mul3A_2482 : i32 to index
        %get3A_2568 = tpu.vector_load %arg6[%get3A_2565, %get3A_2566, %get3A_2567] {strides = array<i32>} : memref<2x8x4096xf32, #tpu.memory_space<vmem>>, vector<1x1x16xf32>,
        %get3A_2569 = vector.shape_cast %get3A_2568 : vector<1x1x16xf32> to vector<16xf32>
        %mul3A_2570 = arith.mulf %get3A_2569, %get3A_2487 : vector<16xf32>
        %add3A_2571 = arith.addf %scan3A_2465, %mul3A_2570 : vector<16xf32>
        %mul3A_2572 = arith.mulf %get3A_2569, %get3A_2492 : vector<16xf32>
        %add3A_2573 = arith.addf %scan3A_2466, %mul3A_2572 : vector<16xf32>
        %mul3A_2574 = arith.mulf %get3A_2569, %get3A_2497 : vector<16xf32>
        %add3A_2575 = arith.addf %scan3A_2467, %mul3A_2574 : vector<16xf32>
        %mul3A_2576 = arith.mulf %get3A_2569, %get3A_2502 : vector<16xf32>
        %add3A_2577 = arith.addf %scan3A_2468, %mul3A_2576 : vector<16xf32>
        %get3A_2578 = arith.constant 0 : i32
        %get3A_2579 = arith.constant 5 : i32
        %get3A_2580 = arith.index_cast %get3A_2578 : i32 to index
        %get3A_2581 = arith.index_cast %get3A_2579 : i32 to index
        %get3A_2582 = arith.index_cast %mul3A_2482 : i32 to index
        %get3A_2583 = tpu.vector_load %arg6[%get3A_2580, %get3A_2581, %get3A_2582] {strides = array<i32>} : memref<2x8x4096xf32, #tpu.memory_space<vmem>>, vector<1x1x16xf32>,
        %get3A_2584 = vector.shape_cast %get3A_2583 : vector<1x1x16xf32> to vector<16xf32>
        %mul3A_2585 = arith.mulf %get3A_2584, %get3A_2487 : vector<16xf32>
        %add3A_2586 = arith.addf %scan3A_2469, %mul3A_2585 : vector<16xf32>
        %mul3A_2587 = arith.mulf %get3A_2584, %get3A_2492 : vector<16xf32>
        %add3A_2588 = arith.addf %scan3A_2470, %mul3A_2587 : vector<16xf32>
        %mul3A_2589 = arith.mulf %get3A_2584, %get3A_2497 : vector<16xf32>
        %add3A_2590 = arith.addf %scan3A_2471, %mul3A_2589 : vector<16xf32>
        %mul3A_2591 = arith.mulf %get3A_2584, %get3A_2502 : vector<16xf32>
        %add3A_2592 = arith.addf %scan3A_2472, %mul3A_2591 : vector<16xf32>
        %get3A_2593 = arith.constant 0 : i32
        %get3A_2594 = arith.constant 6 : i32
        %get3A_2595 = arith.index_cast %get3A_2593 : i32 to index
        %get3A_2596 = arith.index_cast %get3A_2594 : i32 to index
        %get3A_2597 = arith.index_cast %mul3A_2482 : i32 to index
        %get3A_2598 = tpu.vector_load %arg6[%get3A_2595, %get3A_2596, %get3A_2597] {strides = array<i32>} : memref<2x8x4096xf32, #tpu.memory_space<vmem>>, vector<1x1x16xf32>,
        %get3A_2599 = vector.shape_cast %get3A_2598 : vector<1x1x16xf32> to vector<16xf32>
        %mul3A_2600 = arith.mulf %get3A_2599, %get3A_2487 : vector<16xf32>
        %add3A_2601 = arith.addf %scan3A_2473, %mul3A_2600 : vector<16xf32>
        %mul3A_2602 = arith.mulf %get3A_2599, %get3A_2492 : vector<16xf32>
        %add3A_2603 = arith.addf %scan3A_2474, %mul3A_2602 : vector<16xf32>
        %mul3A_2604 = arith.mulf %get3A_2599, %get3A_2497 : vector<16xf32>
        %add3A_2605 = arith.addf %scan3A_2475, %mul3A_2604 : vector<16xf32>
        %mul3A_2606 = arith.mulf %get3A_2599, %get3A_2502 : vector<16xf32>
        %add3A_2607 = arith.addf %scan3A_2476, %mul3A_2606 : vector<16xf32>
        %get3A_2608 = arith.constant 0 : i32
        %get3A_2609 = arith.constant 7 : i32
        %get3A_2610 = arith.index_cast %get3A_2608 : i32 to index
        %get3A_2611 = arith.index_cast %get3A_2609 : i32 to index
        %get3A_2612 = arith.index_cast %mul3A_2482 : i32 to index
        %get3A_2613 = tpu.vector_load %arg6[%get3A_2610, %get3A_2611, %get3A_2612] {strides = array<i32>} : memref<2x8x4096xf32, #tpu.memory_space<vmem>>, vector<1x1x16xf32>,
        %get3A_2614 = vector.shape_cast %get3A_2613 : vector<1x1x16xf32> to vector<16xf32>
        %mul3A_2615 = arith.mulf %get3A_2614, %get3A_2487 : vector<16xf32>
        %add3A_2616 = arith.addf %scan3A_2477, %mul3A_2615 : vector<16xf32>
        %mul3A_2617 = arith.mulf %get3A_2614, %get3A_2492 : vector<16xf32>
        %add3A_2618 = arith.addf %scan3A_2478, %mul3A_2617 : vector<16xf32>
        %mul3A_2619 = arith.mulf %get3A_2614, %get3A_2497 : vector<16xf32>
        %add3A_2620 = arith.addf %scan3A_2479, %mul3A_2619 : vector<16xf32>
        %mul3A_2621 = arith.mulf %get3A_2614, %get3A_2502 : vector<16xf32>
        %add3A_2622 = arith.addf %scan3A_2480, %mul3A_2621 : vector<16xf32>
        scf.yield %add3A_2511, %add3A_2513, %add3A_2515, %add3A_2517, %add3A_2526, %add3A_2528, %add3A_2530, %add3A_2532, %add3A_2541, %add3A_2543, %add3A_2545, %add3A_2547, %add3A_2556, %add3A_2558, %add3A_2560, %add3A_2562, %add3A_2571, %add3A_2573, %add3A_2575, %add3A_2577, %add3A_2586, %add3A_2588, %add3A_2590, %add3A_2592, %add3A_2601, %add3A_2603, %add3A_2605, %add3A_2607, %add3A_2616, %add3A_2618, %add3A_2620, %add3A_2622 : vector<16xf32>, vector<16xf32>, vector<16xf32>, vector<16xf32>, vector<16xf32>, vector<16xf32>, vector<16xf32>, vector<16xf32>, vector<16xf32>, vector<16xf32>, vector<16xf32>, vector<16xf32>, vector<16xf32>, vector<16xf32>, vector<16xf32>, vector<16xf32>, vector<16xf32>, vector<16xf32>, vector<16xf32>, vector<16xf32>, vector<16xf32>, vector<16xf32>, vector<16xf32>, vector<16xf32>, vector<16xf32>, vector<16xf32>, vector<16xf32>, vector<16xf32>, vector<16xf32>, vector<16xf32>, vector<16xf32>, vector<16xf32>
      }
      %scan3A_71 = arith.constant 256 : i32
      %broadcast_in_dim3A_72 = arith.constant 0.000000e+00 : f32
      %broadcast_in_dim3A_73 = vector.broadcast %broadcast_in_dim3A_72 : f32 to vector<16xf32>
      %xor3A = arith.constant 1 : i32
      %xor3A_74 = vector.broadcast %xor3A : i32 to vector<16xi32>
      %xor3A_75 = arith.xori %iota3A, %xor3A_74 : vector<16xi32>
      %broadcast_in_dim3A_76 = vector.shape_cast %xor3A_75 : vector<16xi32> to vector<16x1xi32>
      %gather3A = vector.shape_cast %broadcast_in_dim3A_76 : vector<16x1xi32> to vector<16xi32>
      %gather3A_77 = tpu.dynamic_gather %scan3A_70#0[%gather3A] in [0] : vector<16xf32>, vector<16xi32> -> vector<16xf32>
      %add3A_78 = arith.addf %scan3A_70#0, %gather3A_77 : vector<16xf32>
      %xor3A_79 = arith.constant 2 : i32
      %xor3A_80 = vector.broadcast %xor3A_79 : i32 to vector<16xi32>
      %xor3A_81 = arith.xori %iota3A, %xor3A_80 : vector<16xi32>
      %broadcast_in_dim3A_82 = vector.shape_cast %xor3A_81 : vector<16xi32> to vector<16x1xi32>
      %gather3A_83 = vector.shape_cast %broadcast_in_dim3A_82 : vector<16x1xi32> to vector<16xi32>
      %gather3A_84 = tpu.dynamic_gather %add3A_78[%gather3A_83] in [0] : vector<16xf32>, vector<16xi32> -> vector<16xf32>
      %add3A_85 = arith.addf %add3A_78, %gather3A_84 : vector<16xf32>
      %xor3A_86 = arith.constant 4 : i32
      %xor3A_87 = vector.broadcast %xor3A_86 : i32 to vector<16xi32>
      %xor3A_88 = arith.xori %iota3A, %xor3A_87 : vector<16xi32>
      %broadcast_in_dim3A_89 = vector.shape_cast %xor3A_88 : vector<16xi32> to vector<16x1xi32>
      %gather3A_90 = vector.shape_cast %broadcast_in_dim3A_89 : vector<16x1xi32> to vector<16xi32>
      %gather3A_91 = tpu.dynamic_gather %add3A_85[%gather3A_90] in [0] : vector<16xf32>, vector<16xi32> -> vector<16xf32>
      %add3A_92 = arith.addf %add3A_85, %gather3A_91 : vector<16xf32>
      %xor3A_93 = arith.constant 8 : i32
      %xor3A_94 = vector.broadcast %xor3A_93 : i32 to vector<16xi32>
      %xor3A_95 = arith.xori %iota3A, %xor3A_94 : vector<16xi32>
      %broadcast_in_dim3A_96 = vector.shape_cast %xor3A_95 : vector<16xi32> to vector<16x1xi32>
      %gather3A_97 = vector.shape_cast %broadcast_in_dim3A_96 : vector<16x1xi32> to vector<16xi32>
      %gather3A_98 = tpu.dynamic_gather %add3A_92[%gather3A_97] in [0] : vector<16xf32>, vector<16xi32> -> vector<16xf32>
      %add3A_99 = arith.addf %add3A_92, %gather3A_98 : vector<16xf32>
      %slice3A = vector.extract_strided_slice %get3A_40 {offsets = [0], sizes = [1], strides = [1]} : vector<16xf32> to vector<1xf32>
      %squeeze3A = vector.extract %slice3A[0] : f32 from vector<1xf32>
      %add3A_100 = vector.broadcast %squeeze3A : f32 to vector<16xf32>
      %add3A_101 = arith.addf %add3A_99, %add3A_100 : vector<16xf32>
      %eq3A = arith.constant 0 : i32
      %eq3A_102 = vector.broadcast %eq3A : i32 to vector<16xi32>
      %eq3A_103 = arith.cmpi eq, %iota3A, %eq3A_102 : vector<16xi32>
      %select_n3A = arith.select %eq3A_103, %add3A_101, %broadcast_in_dim3A_73 : vector<16xi1>, vector<16xf32>
      %xor3A_104 = arith.constant 1 : i32
      %xor3A_105 = vector.broadcast %xor3A_104 : i32 to vector<16xi32>
      %xor3A_106 = arith.xori %iota3A, %xor3A_105 : vector<16xi32>
      %broadcast_in_dim3A_107 = vector.shape_cast %xor3A_106 : vector<16xi32> to vector<16x1xi32>
      %gather3A_108 = vector.shape_cast %broadcast_in_dim3A_107 : vector<16x1xi32> to vector<16xi32>
      %gather3A_109 = tpu.dynamic_gather %scan3A_70#1[%gather3A_108] in [0] : vector<16xf32>, vector<16xi32> -> vector<16xf32>
      %add3A_110 = arith.addf %scan3A_70#1, %gather3A_109 : vector<16xf32>
      %xor3A_111 = arith.constant 2 : i32
      %xor3A_112 = vector.broadcast %xor3A_111 : i32 to vector<16xi32>
      %xor3A_113 = arith.xori %iota3A, %xor3A_112 : vector<16xi32>
      %broadcast_in_dim3A_114 = vector.shape_cast %xor3A_113 : vector<16xi32> to vector<16x1xi32>
      %gather3A_115 = vector.shape_cast %broadcast_in_dim3A_114 : vector<16x1xi32> to vector<16xi32>
      %gather3A_116 = tpu.dynamic_gather %add3A_110[%gather3A_115] in [0] : vector<16xf32>, vector<16xi32> -> vector<16xf32>
      %add3A_117 = arith.addf %add3A_110, %gather3A_116 : vector<16xf32>
      %xor3A_118 = arith.constant 4 : i32
      %xor3A_119 = vector.broadcast %xor3A_118 : i32 to vector<16xi32>
      %xor3A_120 = arith.xori %iota3A, %xor3A_119 : vector<16xi32>
      %broadcast_in_dim3A_121 = vector.shape_cast %xor3A_120 : vector<16xi32> to vector<16x1xi32>
      %gather3A_122 = vector.shape_cast %broadcast_in_dim3A_121 : vector<16x1xi32> to vector<16xi32>
      %gather3A_123 = tpu.dynamic_gather %add3A_117[%gather3A_122] in [0] : vector<16xf32>, vector<16xi32> -> vector<16xf32>
      %add3A_124 = arith.addf %add3A_117, %gather3A_123 : vector<16xf32>
      %xor3A_125 = arith.constant 8 : i32
      %xor3A_126 = vector.broadcast %xor3A_125 : i32 to vector<16xi32>
      %xor3A_127 = arith.xori %iota3A, %xor3A_126 : vector<16xi32>
      %broadcast_in_dim3A_128 = vector.shape_cast %xor3A_127 : vector<16xi32> to vector<16x1xi32>
      %gather3A_129 = vector.shape_cast %broadcast_in_dim3A_128 : vector<16x1xi32> to vector<16xi32>
      %gather3A_130 = tpu.dynamic_gather %add3A_124[%gather3A_129] in [0] : vector<16xf32>, vector<16xi32> -> vector<16xf32>
      %add3A_131 = arith.addf %add3A_124, %gather3A_130 : vector<16xf32>
      %slice3A_132 = vector.extract_strided_slice %get3A_40 {offsets = [1], sizes = [1], strides = [1]} : vector<16xf32> to vector<1xf32>
      %squeeze3A_133 = vector.extract %slice3A_132[0] : f32 from vector<1xf32>
      %add3A_134 = vector.broadcast %squeeze3A_133 : f32 to vector<16xf32>
      %add3A_135 = arith.addf %add3A_131, %add3A_134 : vector<16xf32>
      %eq3A_136 = arith.constant 1 : i32
      %eq3A_137 = vector.broadcast %eq3A_136 : i32 to vector<16xi32>
      %eq3A_138 = arith.cmpi eq, %iota3A, %eq3A_137 : vector<16xi32>
      %select_n3A_139 = arith.select %eq3A_138, %add3A_135, %select_n3A : vector<16xi1>, vector<16xf32>
      %xor3A_140 = arith.constant 1 : i32
      %xor3A_141 = vector.broadcast %xor3A_140 : i32 to vector<16xi32>
      %xor3A_142 = arith.xori %iota3A, %xor3A_141 : vector<16xi32>
      %broadcast_in_dim3A_143 = vector.shape_cast %xor3A_142 : vector<16xi32> to vector<16x1xi32>
      %gather3A_144 = vector.shape_cast %broadcast_in_dim3A_143 : vector<16x1xi32> to vector<16xi32>
      %gather3A_145 = tpu.dynamic_gather %scan3A_70#2[%gather3A_144] in [0] : vector<16xf32>, vector<16xi32> -> vector<16xf32>
      %add3A_146 = arith.addf %scan3A_70#2, %gather3A_145 : vector<16xf32>
      %xor3A_147 = arith.constant 2 : i32
      %xor3A_148 = vector.broadcast %xor3A_147 : i32 to vector<16xi32>
      %xor3A_149 = arith.xori %iota3A, %xor3A_148 : vector<16xi32>
      %broadcast_in_dim3A_150 = vector.shape_cast %xor3A_149 : vector<16xi32> to vector<16x1xi32>
      %gather3A_151 = vector.shape_cast %broadcast_in_dim3A_150 : vector<16x1xi32> to vector<16xi32>
      %gather3A_152 = tpu.dynamic_gather %add3A_146[%gather3A_151] in [0] : vector<16xf32>, vector<16xi32> -> vector<16xf32>
      %add3A_153 = arith.addf %add3A_146, %gather3A_152 : vector<16xf32>
      %xor3A_154 = arith.constant 4 : i32
      %xor3A_155 = vector.broadcast %xor3A_154 : i32 to vector<16xi32>
      %xor3A_156 = arith.xori %iota3A, %xor3A_155 : vector<16xi32>
      %broadcast_in_dim3A_157 = vector.shape_cast %xor3A_156 : vector<16xi32> to vector<16x1xi32>
      %gather3A_158 = vector.shape_cast %broadcast_in_dim3A_157 : vector<16x1xi32> to vector<16xi32>
      %gather3A_159 = tpu.dynamic_gather %add3A_153[%gather3A_158] in [0] : vector<16xf32>, vector<16xi32> -> vector<16xf32>
      %add3A_160 = arith.addf %add3A_153, %gather3A_159 : vector<16xf32>
      %xor3A_161 = arith.constant 8 : i32
      %xor3A_162 = vector.broadcast %xor3A_161 : i32 to vector<16xi32>
      %xor3A_163 = arith.xori %iota3A, %xor3A_162 : vector<16xi32>
      %broadcast_in_dim3A_164 = vector.shape_cast %xor3A_163 : vector<16xi32> to vector<16x1xi32>
      %gather3A_165 = vector.shape_cast %broadcast_in_dim3A_164 : vector<16x1xi32> to vector<16xi32>
      %gather3A_166 = tpu.dynamic_gather %add3A_160[%gather3A_165] in [0] : vector<16xf32>, vector<16xi32> -> vector<16xf32>
      %add3A_167 = arith.addf %add3A_160, %gather3A_166 : vector<16xf32>
      %slice3A_168 = vector.extract_strided_slice %get3A_40 {offsets = [2], sizes = [1], strides = [1]} : vector<16xf32> to vector<1xf32>
      %squeeze3A_169 = vector.extract %slice3A_168[0] : f32 from vector<1xf32>
      %add3A_170 = vector.broadcast %squeeze3A_169 : f32 to vector<16xf32>
      %add3A_171 = arith.addf %add3A_167, %add3A_170 : vector<16xf32>
      %eq3A_172 = arith.constant 2 : i32
      %eq3A_173 = vector.broadcast %eq3A_172 : i32 to vector<16xi32>
      %eq3A_174 = arith.cmpi eq, %iota3A, %eq3A_173 : vector<16xi32>
      %select_n3A_175 = arith.select %eq3A_174, %add3A_171, %select_n3A_139 : vector<16xi1>, vector<16xf32>
      %xor3A_176 = arith.constant 1 : i32
      %xor3A_177 = vector.broadcast %xor3A_176 : i32 to vector<16xi32>
      %xor3A_178 = arith.xori %iota3A, %xor3A_177 : vector<16xi32>
      %broadcast_in_dim3A_179 = vector.shape_cast %xor3A_178 : vector<16xi32> to vector<16x1xi32>
      %gather3A_180 = vector.shape_cast %broadcast_in_dim3A_179 : vector<16x1xi32> to vector<16xi32>
      %gather3A_181 = tpu.dynamic_gather %scan3A_70#3[%gather3A_180] in [0] : vector<16xf32>, vector<16xi32> -> vector<16xf32>
      %add3A_182 = arith.addf %scan3A_70#3, %gather3A_181 : vector<16xf32>
      %xor3A_183 = arith.constant 2 : i32
      %xor3A_184 = vector.broadcast %xor3A_183 : i32 to vector<16xi32>
      %xor3A_185 = arith.xori %iota3A, %xor3A_184 : vector<16xi32>
      %broadcast_in_dim3A_186 = vector.shape_cast %xor3A_185 : vector<16xi32> to vector<16x1xi32>
      %gather3A_187 = vector.shape_cast %broadcast_in_dim3A_186 : vector<16x1xi32> to vector<16xi32>
      %gather3A_188 = tpu.dynamic_gather %add3A_182[%gather3A_187] in [0] : vector<16xf32>, vector<16xi32> -> vector<16xf32>
      %add3A_189 = arith.addf %add3A_182, %gather3A_188 : vector<16xf32>
      %xor3A_190 = arith.constant 4 : i32
      %xor3A_191 = vector.broadcast %xor3A_190 : i32 to vector<16xi32>
      %xor3A_192 = arith.xori %iota3A, %xor3A_191 : vector<16xi32>
      %broadcast_in_dim3A_193 = vector.shape_cast %xor3A_192 : vector<16xi32> to vector<16x1xi32>
      %gather3A_194 = vector.shape_cast %broadcast_in_dim3A_193 : vector<16x1xi32> to vector<16xi32>
      %gather3A_195 = tpu.dynamic_gather %add3A_189[%gather3A_194] in [0] : vector<16xf32>, vector<16xi32> -> vector<16xf32>
      %add3A_196 = arith.addf %add3A_189, %gather3A_195 : vector<16xf32>
      %xor3A_197 = arith.constant 8 : i32
      %xor3A_198 = vector.broadcast %xor3A_197 : i32 to vector<16xi32>
      %xor3A_199 = arith.xori %iota3A, %xor3A_198 : vector<16xi32>
      %broadcast_in_dim3A_200 = vector.shape_cast %xor3A_199 : vector<16xi32> to vector<16x1xi32>
      %gather3A_201 = vector.shape_cast %broadcast_in_dim3A_200 : vector<16x1xi32> to vector<16xi32>
      %gather3A_202 = tpu.dynamic_gather %add3A_196[%gather3A_201] in [0] : vector<16xf32>, vector<16xi32> -> vector<16xf32>
      %add3A_203 = arith.addf %add3A_196, %gather3A_202 : vector<16xf32>
      %slice3A_204 = vector.extract_strided_slice %get3A_40 {offsets = [3], sizes = [1], strides = [1]} : vector<16xf32> to vector<1xf32>
      %squeeze3A_205 = vector.extract %slice3A_204[0] : f32 from vector<1xf32>
      %add3A_206 = vector.broadcast %squeeze3A_205 : f32 to vector<16xf32>
      %add3A_207 = arith.addf %add3A_203, %add3A_206 : vector<16xf32>
      %eq3A_208 = arith.constant 3 : i32
      %eq3A_209 = vector.broadcast %eq3A_208 : i32 to vector<16xi32>
      %eq3A_210 = arith.cmpi eq, %iota3A, %eq3A_209 : vector<16xi32>
      %select_n3A_211 = arith.select %eq3A_210, %add3A_207, %select_n3A_175 : vector<16xi1>, vector<16xf32>
      %xor3A_212 = arith.constant 1 : i32
      %xor3A_213 = vector.broadcast %xor3A_212 : i32 to vector<16xi32>
      %xor3A_214 = arith.xori %iota3A, %xor3A_213 : vector<16xi32>
      %broadcast_in_dim3A_215 = vector.shape_cast %xor3A_214 : vector<16xi32> to vector<16x1xi32>
      %gather3A_216 = vector.shape_cast %broadcast_in_dim3A_215 : vector<16x1xi32> to vector<16xi32>
      %gather3A_217 = tpu.dynamic_gather %scan3A_70#4[%gather3A_216] in [0] : vector<16xf32>, vector<16xi32> -> vector<16xf32>
      %add3A_218 = arith.addf %scan3A_70#4, %gather3A_217 : vector<16xf32>
      %xor3A_219 = arith.constant 2 : i32
      %xor3A_220 = vector.broadcast %xor3A_219 : i32 to vector<16xi32>
      %xor3A_221 = arith.xori %iota3A, %xor3A_220 : vector<16xi32>
      %broadcast_in_dim3A_222 = vector.shape_cast %xor3A_221 : vector<16xi32> to vector<16x1xi32>
      %gather3A_223 = vector.shape_cast %broadcast_in_dim3A_222 : vector<16x1xi32> to vector<16xi32>
      %gather3A_224 = tpu.dynamic_gather %add3A_218[%gather3A_223] in [0] : vector<16xf32>, vector<16xi32> -> vector<16xf32>
      %add3A_225 = arith.addf %add3A_218, %gather3A_224 : vector<16xf32>
      %xor3A_226 = arith.constant 4 : i32
      %xor3A_227 = vector.broadcast %xor3A_226 : i32 to vector<16xi32>
      %xor3A_228 = arith.xori %iota3A, %xor3A_227 : vector<16xi32>
      %broadcast_in_dim3A_229 = vector.shape_cast %xor3A_228 : vector<16xi32> to vector<16x1xi32>
      %gather3A_230 = vector.shape_cast %broadcast_in_dim3A_229 : vector<16x1xi32> to vector<16xi32>
      %gather3A_231 = tpu.dynamic_gather %add3A_225[%gather3A_230] in [0] : vector<16xf32>, vector<16xi32> -> vector<16xf32>
      %add3A_232 = arith.addf %add3A_225, %gather3A_231 : vector<16xf32>
      %xor3A_233 = arith.constant 8 : i32
      %xor3A_234 = vector.broadcast %xor3A_233 : i32 to vector<16xi32>
      %xor3A_235 = arith.xori %iota3A, %xor3A_234 : vector<16xi32>
      %broadcast_in_dim3A_236 = vector.shape_cast %xor3A_235 : vector<16xi32> to vector<16x1xi32>
      %gather3A_237 = vector.shape_cast %broadcast_in_dim3A_236 : vector<16x1xi32> to vector<16xi32>
      %gather3A_238 = tpu.dynamic_gather %add3A_232[%gather3A_237] in [0] : vector<16xf32>, vector<16xi32> -> vector<16xf32>
      %add3A_239 = arith.addf %add3A_232, %gather3A_238 : vector<16xf32>
      %slice3A_240 = vector.extract_strided_slice %get3A_40 {offsets = [0], sizes = [1], strides = [1]} : vector<16xf32> to vector<1xf32>
      %squeeze3A_241 = vector.extract %slice3A_240[0] : f32 from vector<1xf32>
      %add3A_242 = vector.broadcast %squeeze3A_241 : f32 to vector<16xf32>
      %add3A_243 = arith.addf %add3A_239, %add3A_242 : vector<16xf32>
      %eq3A_244 = arith.constant 4 : i32
      %eq3A_245 = vector.broadcast %eq3A_244 : i32 to vector<16xi32>
      %eq3A_246 = arith.cmpi eq, %iota3A, %eq3A_245 : vector<16xi32>
      %select_n3A_247 = arith.select %eq3A_246, %add3A_243, %select_n3A_211 : vector<16xi1>, vector<16xf32>
      %xor3A_248 = arith.constant 1 : i32
      %xor3A_249 = vector.broadcast %xor3A_248 : i32 to vector<16xi32>
      %xor3A_250 = arith.xori %iota3A, %xor3A_249 : vector<16xi32>
      %broadcast_in_dim3A_251 = vector.shape_cast %xor3A_250 : vector<16xi32> to vector<16x1xi32>
      %gather3A_252 = vector.shape_cast %broadcast_in_dim3A_251 : vector<16x1xi32> to vector<16xi32>
      %gather3A_253 = tpu.dynamic_gather %scan3A_70#5[%gather3A_252] in [0] : vector<16xf32>, vector<16xi32> -> vector<16xf32>
      %add3A_254 = arith.addf %scan3A_70#5, %gather3A_253 : vector<16xf32>
      %xor3A_255 = arith.constant 2 : i32
      %xor3A_256 = vector.broadcast %xor3A_255 : i32 to vector<16xi32>
      %xor3A_257 = arith.xori %iota3A, %xor3A_256 : vector<16xi32>
      %broadcast_in_dim3A_258 = vector.shape_cast %xor3A_257 : vector<16xi32> to vector<16x1xi32>
      %gather3A_259 = vector.shape_cast %broadcast_in_dim3A_258 : vector<16x1xi32> to vector<16xi32>
      %gather3A_260 = tpu.dynamic_gather %add3A_254[%gather3A_259] in [0] : vector<16xf32>, vector<16xi32> -> vector<16xf32>
      %add3A_261 = arith.addf %add3A_254, %gather3A_260 : vector<16xf32>
      %xor3A_262 = arith.constant 4 : i32
      %xor3A_263 = vector.broadcast %xor3A_262 : i32 to vector<16xi32>
      %xor3A_264 = arith.xori %iota3A, %xor3A_263 : vector<16xi32>
      %broadcast_in_dim3A_265 = vector.shape_cast %xor3A_264 : vector<16xi32> to vector<16x1xi32>
      %gather3A_266 = vector.shape_cast %broadcast_in_dim3A_265 : vector<16x1xi32> to vector<16xi32>
      %gather3A_267 = tpu.dynamic_gather %add3A_261[%gather3A_266] in [0] : vector<16xf32>, vector<16xi32> -> vector<16xf32>
      %add3A_268 = arith.addf %add3A_261, %gather3A_267 : vector<16xf32>
      %xor3A_269 = arith.constant 8 : i32
      %xor3A_270 = vector.broadcast %xor3A_269 : i32 to vector<16xi32>
      %xor3A_271 = arith.xori %iota3A, %xor3A_270 : vector<16xi32>
      %broadcast_in_dim3A_272 = vector.shape_cast %xor3A_271 : vector<16xi32> to vector<16x1xi32>
      %gather3A_273 = vector.shape_cast %broadcast_in_dim3A_272 : vector<16x1xi32> to vector<16xi32>
      %gather3A_274 = tpu.dynamic_gather %add3A_268[%gather3A_273] in [0] : vector<16xf32>, vector<16xi32> -> vector<16xf32>
      %add3A_275 = arith.addf %add3A_268, %gather3A_274 : vector<16xf32>
      %slice3A_276 = vector.extract_strided_slice %get3A_40 {offsets = [1], sizes = [1], strides = [1]} : vector<16xf32> to vector<1xf32>
      %squeeze3A_277 = vector.extract %slice3A_276[0] : f32 from vector<1xf32>
      %add3A_278 = vector.broadcast %squeeze3A_277 : f32 to vector<16xf32>
      %add3A_279 = arith.addf %add3A_275, %add3A_278 : vector<16xf32>
      %eq3A_280 = arith.constant 5 : i32
      %eq3A_281 = vector.broadcast %eq3A_280 : i32 to vector<16xi32>
      %eq3A_282 = arith.cmpi eq, %iota3A, %eq3A_281 : vector<16xi32>
      %select_n3A_283 = arith.select %eq3A_282, %add3A_279, %select_n3A_247 : vector<16xi1>, vector<16xf32>
      %xor3A_284 = arith.constant 1 : i32
      %xor3A_285 = vector.broadcast %xor3A_284 : i32 to vector<16xi32>
      %xor3A_286 = arith.xori %iota3A, %xor3A_285 : vector<16xi32>
      %broadcast_in_dim3A_287 = vector.shape_cast %xor3A_286 : vector<16xi32> to vector<16x1xi32>
      %gather3A_288 = vector.shape_cast %broadcast_in_dim3A_287 : vector<16x1xi32> to vector<16xi32>
      %gather3A_289 = tpu.dynamic_gather %scan3A_70#6[%gather3A_288] in [0] : vector<16xf32>, vector<16xi32> -> vector<16xf32>
      %add3A_290 = arith.addf %scan3A_70#6, %gather3A_289 : vector<16xf32>
      %xor3A_291 = arith.constant 2 : i32
      %xor3A_292 = vector.broadcast %xor3A_291 : i32 to vector<16xi32>
      %xor3A_293 = arith.xori %iota3A, %xor3A_292 : vector<16xi32>
      %broadcast_in_dim3A_294 = vector.shape_cast %xor3A_293 : vector<16xi32> to vector<16x1xi32>
      %gather3A_295 = vector.shape_cast %broadcast_in_dim3A_294 : vector<16x1xi32> to vector<16xi32>
      %gather3A_296 = tpu.dynamic_gather %add3A_290[%gather3A_295] in [0] : vector<16xf32>, vector<16xi32> -> vector<16xf32>
      %add3A_297 = arith.addf %add3A_290, %gather3A_296 : vector<16xf32>
      %xor3A_298 = arith.constant 4 : i32
      %xor3A_299 = vector.broadcast %xor3A_298 : i32 to vector<16xi32>
      %xor3A_300 = arith.xori %iota3A, %xor3A_299 : vector<16xi32>
      %broadcast_in_dim3A_301 = vector.shape_cast %xor3A_300 : vector<16xi32> to vector<16x1xi32>
      %gather3A_302 = vector.shape_cast %broadcast_in_dim3A_301 : vector<16x1xi32> to vector<16xi32>
      %gather3A_303 = tpu.dynamic_gather %add3A_297[%gather3A_302] in [0] : vector<16xf32>, vector<16xi32> -> vector<16xf32>
      %add3A_304 = arith.addf %add3A_297, %gather3A_303 : vector<16xf32>
      %xor3A_305 = arith.constant 8 : i32
      %xor3A_306 = vector.broadcast %xor3A_305 : i32 to vector<16xi32>
      %xor3A_307 = arith.xori %iota3A, %xor3A_306 : vector<16xi32>
      %broadcast_in_dim3A_308 = vector.shape_cast %xor3A_307 : vector<16xi32> to vector<16x1xi32>
      %gather3A_309 = vector.shape_cast %broadcast_in_dim3A_308 : vector<16x1xi32> to vector<16xi32>
      %gather3A_310 = tpu.dynamic_gather %add3A_304[%gather3A_309] in [0] : vector<16xf32>, vector<16xi32> -> vector<16xf32>
      %add3A_311 = arith.addf %add3A_304, %gather3A_310 : vector<16xf32>
      %slice3A_312 = vector.extract_strided_slice %get3A_40 {offsets = [2], sizes = [1], strides = [1]} : vector<16xf32> to vector<1xf32>
      %squeeze3A_313 = vector.extract %slice3A_312[0] : f32 from vector<1xf32>
      %add3A_314 = vector.broadcast %squeeze3A_313 : f32 to vector<16xf32>
      %add3A_315 = arith.addf %add3A_311, %add3A_314 : vector<16xf32>
      %eq3A_316 = arith.constant 6 : i32
      %eq3A_317 = vector.broadcast %eq3A_316 : i32 to vector<16xi32>
      %eq3A_318 = arith.cmpi eq, %iota3A, %eq3A_317 : vector<16xi32>
      %select_n3A_319 = arith.select %eq3A_318, %add3A_315, %select_n3A_283 : vector<16xi1>, vector<16xf32>
      %xor3A_320 = arith.constant 1 : i32
      %xor3A_321 = vector.broadcast %xor3A_320 : i32 to vector<16xi32>
      %xor3A_322 = arith.xori %iota3A, %xor3A_321 : vector<16xi32>
      %broadcast_in_dim3A_323 = vector.shape_cast %xor3A_322 : vector<16xi32> to vector<16x1xi32>
      %gather3A_324 = vector.shape_cast %broadcast_in_dim3A_323 : vector<16x1xi32> to vector<16xi32>
      %gather3A_325 = tpu.dynamic_gather %scan3A_70#7[%gather3A_324] in [0] : vector<16xf32>, vector<16xi32> -> vector<16xf32>
      %add3A_326 = arith.addf %scan3A_70#7, %gather3A_325 : vector<16xf32>
      %xor3A_327 = arith.constant 2 : i32
      %xor3A_328 = vector.broadcast %xor3A_327 : i32 to vector<16xi32>
      %xor3A_329 = arith.xori %iota3A, %xor3A_328 : vector<16xi32>
      %broadcast_in_dim3A_330 = vector.shape_cast %xor3A_329 : vector<16xi32> to vector<16x1xi32>
      %gather3A_331 = vector.shape_cast %broadcast_in_dim3A_330 : vector<16x1xi32> to vector<16xi32>
      %gather3A_332 = tpu.dynamic_gather %add3A_326[%gather3A_331] in [0] : vector<16xf32>, vector<16xi32> -> vector<16xf32>
      %add3A_333 = arith.addf %add3A_326, %gather3A_332 : vector<16xf32>
      %xor3A_334 = arith.constant 4 : i32
      %xor3A_335 = vector.broadcast %xor3A_334 : i32 to vector<16xi32>
      %xor3A_336 = arith.xori %iota3A, %xor3A_335 : vector<16xi32>
      %broadcast_in_dim3A_337 = vector.shape_cast %xor3A_336 : vector<16xi32> to vector<16x1xi32>
      %gather3A_338 = vector.shape_cast %broadcast_in_dim3A_337 : vector<16x1xi32> to vector<16xi32>
      %gather3A_339 = tpu.dynamic_gather %add3A_333[%gather3A_338] in [0] : vector<16xf32>, vector<16xi32> -> vector<16xf32>
      %add3A_340 = arith.addf %add3A_333, %gather3A_339 : vector<16xf32>
      %xor3A_341 = arith.constant 8 : i32
      %xor3A_342 = vector.broadcast %xor3A_341 : i32 to vector<16xi32>
      %xor3A_343 = arith.xori %iota3A, %xor3A_342 : vector<16xi32>
      %broadcast_in_dim3A_344 = vector.shape_cast %xor3A_343 : vector<16xi32> to vector<16x1xi32>
      %gather3A_345 = vector.shape_cast %broadcast_in_dim3A_344 : vector<16x1xi32> to vector<16xi32>
      %gather3A_346 = tpu.dynamic_gather %add3A_340[%gather3A_345] in [0] : vector<16xf32>, vector<16xi32> -> vector<16xf32>
      %add3A_347 = arith.addf %add3A_340, %gather3A_346 : vector<16xf32>
      %slice3A_348 = vector.extract_strided_slice %get3A_40 {offsets = [3], sizes = [1], strides = [1]} : vector<16xf32> to vector<1xf32>
      %squeeze3A_349 = vector.extract %slice3A_348[0] : f32 from vector<1xf32>
      %add3A_350 = vector.broadcast %squeeze3A_349 : f32 to vector<16xf32>
      %add3A_351 = arith.addf %add3A_347, %add3A_350 : vector<16xf32>
      %eq3A_352 = arith.constant 7 : i32
      %eq3A_353 = vector.broadcast %eq3A_352 : i32 to vector<16xi32>
      %eq3A_354 = arith.cmpi eq, %iota3A, %eq3A_353 : vector<16xi32>
      %select_n3A_355 = arith.select %eq3A_354, %add3A_351, %select_n3A_319 : vector<16xi1>, vector<16xf32>
      %xor3A_356 = arith.constant 1 : i32
      %xor3A_357 = vector.broadcast %xor3A_356 : i32 to vector<16xi32>
      %xor3A_358 = arith.xori %iota3A, %xor3A_357 : vector<16xi32>
      %broadcast_in_dim3A_359 = vector.shape_cast %xor3A_358 : vector<16xi32> to vector<16x1xi32>
      %gather3A_360 = vector.shape_cast %broadcast_in_dim3A_359 : vector<16x1xi32> to vector<16xi32>
      %gather3A_361 = tpu.dynamic_gather %scan3A_70#8[%gather3A_360] in [0] : vector<16xf32>, vector<16xi32> -> vector<16xf32>
      %add3A_362 = arith.addf %scan3A_70#8, %gather3A_361 : vector<16xf32>
      %xor3A_363 = arith.constant 2 : i32
      %xor3A_364 = vector.broadcast %xor3A_363 : i32 to vector<16xi32>
      %xor3A_365 = arith.xori %iota3A, %xor3A_364 : vector<16xi32>
      %broadcast_in_dim3A_366 = vector.shape_cast %xor3A_365 : vector<16xi32> to vector<16x1xi32>
      %gather3A_367 = vector.shape_cast %broadcast_in_dim3A_366 : vector<16x1xi32> to vector<16xi32>
      %gather3A_368 = tpu.dynamic_gather %add3A_362[%gather3A_367] in [0] : vector<16xf32>, vector<16xi32> -> vector<16xf32>
      %add3A_369 = arith.addf %add3A_362, %gather3A_368 : vector<16xf32>
      %xor3A_370 = arith.constant 4 : i32
      %xor3A_371 = vector.broadcast %xor3A_370 : i32 to vector<16xi32>
      %xor3A_372 = arith.xori %iota3A, %xor3A_371 : vector<16xi32>
      %broadcast_in_dim3A_373 = vector.shape_cast %xor3A_372 : vector<16xi32> to vector<16x1xi32>
      %gather3A_374 = vector.shape_cast %broadcast_in_dim3A_373 : vector<16x1xi32> to vector<16xi32>
      %gather3A_375 = tpu.dynamic_gather %add3A_369[%gather3A_374] in [0] : vector<16xf32>, vector<16xi32> -> vector<16xf32>
      %add3A_376 = arith.addf %add3A_369, %gather3A_375 : vector<16xf32>
      %xor3A_377 = arith.constant 8 : i32
      %xor3A_378 = vector.broadcast %xor3A_377 : i32 to vector<16xi32>
      %xor3A_379 = arith.xori %iota3A, %xor3A_378 : vector<16xi32>
      %broadcast_in_dim3A_380 = vector.shape_cast %xor3A_379 : vector<16xi32> to vector<16x1xi32>
      %gather3A_381 = vector.shape_cast %broadcast_in_dim3A_380 : vector<16x1xi32> to vector<16xi32>
      %gather3A_382 = tpu.dynamic_gather %add3A_376[%gather3A_381] in [0] : vector<16xf32>, vector<16xi32> -> vector<16xf32>
      %add3A_383 = arith.addf %add3A_376, %gather3A_382 : vector<16xf32>
      %slice3A_384 = vector.extract_strided_slice %get3A_40 {offsets = [0], sizes = [1], strides = [1]} : vector<16xf32> to vector<1xf32>
      %squeeze3A_385 = vector.extract %slice3A_384[0] : f32 from vector<1xf32>
      %add3A_386 = vector.broadcast %squeeze3A_385 : f32 to vector<16xf32>
      %add3A_387 = arith.addf %add3A_383, %add3A_386 : vector<16xf32>
      %eq3A_388 = arith.constant 8 : i32
      %eq3A_389 = vector.broadcast %eq3A_388 : i32 to vector<16xi32>
      %eq3A_390 = arith.cmpi eq, %iota3A, %eq3A_389 : vector<16xi32>
      %select_n3A_391 = arith.select %eq3A_390, %add3A_387, %select_n3A_355 : vector<16xi1>, vector<16xf32>
      %xor3A_392 = arith.constant 1 : i32
      %xor3A_393 = vector.broadcast %xor3A_392 : i32 to vector<16xi32>
      %xor3A_394 = arith.xori %iota3A, %xor3A_393 : vector<16xi32>
      %broadcast_in_dim3A_395 = vector.shape_cast %xor3A_394 : vector<16xi32> to vector<16x1xi32>
      %gather3A_396 = vector.shape_cast %broadcast_in_dim3A_395 : vector<16x1xi32> to vector<16xi32>
      %gather3A_397 = tpu.dynamic_gather %scan3A_70#9[%gather3A_396] in [0] : vector<16xf32>, vector<16xi32> -> vector<16xf32>
      %add3A_398 = arith.addf %scan3A_70#9, %gather3A_397 : vector<16xf32>
      %xor3A_399 = arith.constant 2 : i32
      %xor3A_400 = vector.broadcast %xor3A_399 : i32 to vector<16xi32>
      %xor3A_401 = arith.xori %iota3A, %xor3A_400 : vector<16xi32>
      %broadcast_in_dim3A_402 = vector.shape_cast %xor3A_401 : vector<16xi32> to vector<16x1xi32>
      %gather3A_403 = vector.shape_cast %broadcast_in_dim3A_402 : vector<16x1xi32> to vector<16xi32>
      %gather3A_404 = tpu.dynamic_gather %add3A_398[%gather3A_403] in [0] : vector<16xf32>, vector<16xi32> -> vector<16xf32>
      %add3A_405 = arith.addf %add3A_398, %gather3A_404 : vector<16xf32>
      %xor3A_406 = arith.constant 4 : i32
      %xor3A_407 = vector.broadcast %xor3A_406 : i32 to vector<16xi32>
      %xor3A_408 = arith.xori %iota3A, %xor3A_407 : vector<16xi32>
      %broadcast_in_dim3A_409 = vector.shape_cast %xor3A_408 : vector<16xi32> to vector<16x1xi32>
      %gather3A_410 = vector.shape_cast %broadcast_in_dim3A_409 : vector<16x1xi32> to vector<16xi32>
      %gather3A_411 = tpu.dynamic_gather %add3A_405[%gather3A_410] in [0] : vector<16xf32>, vector<16xi32> -> vector<16xf32>
      %add3A_412 = arith.addf %add3A_405, %gather3A_411 : vector<16xf32>
      %xor3A_413 = arith.constant 8 : i32
      %xor3A_414 = vector.broadcast %xor3A_413 : i32 to vector<16xi32>
      %xor3A_415 = arith.xori %iota3A, %xor3A_414 : vector<16xi32>
      %broadcast_in_dim3A_416 = vector.shape_cast %xor3A_415 : vector<16xi32> to vector<16x1xi32>
      %gather3A_417 = vector.shape_cast %broadcast_in_dim3A_416 : vector<16x1xi32> to vector<16xi32>
      %gather3A_418 = tpu.dynamic_gather %add3A_412[%gather3A_417] in [0] : vector<16xf32>, vector<16xi32> -> vector<16xf32>
      %add3A_419 = arith.addf %add3A_412, %gather3A_418 : vector<16xf32>
      %slice3A_420 = vector.extract_strided_slice %get3A_40 {offsets = [1], sizes = [1], strides = [1]} : vector<16xf32> to vector<1xf32>
      %squeeze3A_421 = vector.extract %slice3A_420[0] : f32 from vector<1xf32>
      %add3A_422 = vector.broadcast %squeeze3A_421 : f32 to vector<16xf32>
      %add3A_423 = arith.addf %add3A_419, %add3A_422 : vector<16xf32>
      %eq3A_424 = arith.constant 9 : i32
      %eq3A_425 = vector.broadcast %eq3A_424 : i32 to vector<16xi32>
      %eq3A_426 = arith.cmpi eq, %iota3A, %eq3A_425 : vector<16xi32>
      %select_n3A_427 = arith.select %eq3A_426, %add3A_423, %select_n3A_391 : vector<16xi1>, vector<16xf32>
      %xor3A_428 = arith.constant 1 : i32
      %xor3A_429 = vector.broadcast %xor3A_428 : i32 to vector<16xi32>
      %xor3A_430 = arith.xori %iota3A, %xor3A_429 : vector<16xi32>
      %broadcast_in_dim3A_431 = vector.shape_cast %xor3A_430 : vector<16xi32> to vector<16x1xi32>
      %gather3A_432 = vector.shape_cast %broadcast_in_dim3A_431 : vector<16x1xi32> to vector<16xi32>
      %gather3A_433 = tpu.dynamic_gather %scan3A_70#10[%gather3A_432] in [0] : vector<16xf32>, vector<16xi32> -> vector<16xf32>
      %add3A_434 = arith.addf %scan3A_70#10, %gather3A_433 : vector<16xf32>
      %xor3A_435 = arith.constant 2 : i32
      %xor3A_436 = vector.broadcast %xor3A_435 : i32 to vector<16xi32>
      %xor3A_437 = arith.xori %iota3A, %xor3A_436 : vector<16xi32>
      %broadcast_in_dim3A_438 = vector.shape_cast %xor3A_437 : vector<16xi32> to vector<16x1xi32>
      %gather3A_439 = vector.shape_cast %broadcast_in_dim3A_438 : vector<16x1xi32> to vector<16xi32>
      %gather3A_440 = tpu.dynamic_gather %add3A_434[%gather3A_439] in [0] : vector<16xf32>, vector<16xi32> -> vector<16xf32>
      %add3A_441 = arith.addf %add3A_434, %gather3A_440 : vector<16xf32>
      %xor3A_442 = arith.constant 4 : i32
      %xor3A_443 = vector.broadcast %xor3A_442 : i32 to vector<16xi32>
      %xor3A_444 = arith.xori %iota3A, %xor3A_443 : vector<16xi32>
      %broadcast_in_dim3A_445 = vector.shape_cast %xor3A_444 : vector<16xi32> to vector<16x1xi32>
      %gather3A_446 = vector.shape_cast %broadcast_in_dim3A_445 : vector<16x1xi32> to vector<16xi32>
      %gather3A_447 = tpu.dynamic_gather %add3A_441[%gather3A_446] in [0] : vector<16xf32>, vector<16xi32> -> vector<16xf32>
      %add3A_448 = arith.addf %add3A_441, %gather3A_447 : vector<16xf32>
      %xor3A_449 = arith.constant 8 : i32
      %xor3A_450 = vector.broadcast %xor3A_449 : i32 to vector<16xi32>
      %xor3A_451 = arith.xori %iota3A, %xor3A_450 : vector<16xi32>
      %broadcast_in_dim3A_452 = vector.shape_cast %xor3A_451 : vector<16xi32> to vector<16x1xi32>
      %gather3A_453 = vector.shape_cast %broadcast_in_dim3A_452 : vector<16x1xi32> to vector<16xi32>
      %gather3A_454 = tpu.dynamic_gather %add3A_448[%gather3A_453] in [0] : vector<16xf32>, vector<16xi32> -> vector<16xf32>
      %add3A_455 = arith.addf %add3A_448, %gather3A_454 : vector<16xf32>
      %slice3A_456 = vector.extract_strided_slice %get3A_40 {offsets = [2], sizes = [1], strides = [1]} : vector<16xf32> to vector<1xf32>
      %squeeze3A_457 = vector.extract %slice3A_456[0] : f32 from vector<1xf32>
      %add3A_458 = vector.broadcast %squeeze3A_457 : f32 to vector<16xf32>
      %add3A_459 = arith.addf %add3A_455, %add3A_458 : vector<16xf32>
      %eq3A_460 = arith.constant 10 : i32
      %eq3A_461 = vector.broadcast %eq3A_460 : i32 to vector<16xi32>
      %eq3A_462 = arith.cmpi eq, %iota3A, %eq3A_461 : vector<16xi32>
      %select_n3A_463 = arith.select %eq3A_462, %add3A_459, %select_n3A_427 : vector<16xi1>, vector<16xf32>
      %xor3A_464 = arith.constant 1 : i32
      %xor3A_465 = vector.broadcast %xor3A_464 : i32 to vector<16xi32>
      %xor3A_466 = arith.xori %iota3A, %xor3A_465 : vector<16xi32>
      %broadcast_in_dim3A_467 = vector.shape_cast %xor3A_466 : vector<16xi32> to vector<16x1xi32>
      %gather3A_468 = vector.shape_cast %broadcast_in_dim3A_467 : vector<16x1xi32> to vector<16xi32>
      %gather3A_469 = tpu.dynamic_gather %scan3A_70#11[%gather3A_468] in [0] : vector<16xf32>, vector<16xi32> -> vector<16xf32>
      %add3A_470 = arith.addf %scan3A_70#11, %gather3A_469 : vector<16xf32>
      %xor3A_471 = arith.constant 2 : i32
      %xor3A_472 = vector.broadcast %xor3A_471 : i32 to vector<16xi32>
      %xor3A_473 = arith.xori %iota3A, %xor3A_472 : vector<16xi32>
      %broadcast_in_dim3A_474 = vector.shape_cast %xor3A_473 : vector<16xi32> to vector<16x1xi32>
      %gather3A_475 = vector.shape_cast %broadcast_in_dim3A_474 : vector<16x1xi32> to vector<16xi32>
      %gather3A_476 = tpu.dynamic_gather %add3A_470[%gather3A_475] in [0] : vector<16xf32>, vector<16xi32> -> vector<16xf32>
      %add3A_477 = arith.addf %add3A_470, %gather3A_476 : vector<16xf32>
      %xor3A_478 = arith.constant 4 : i32
      %xor3A_479 = vector.broadcast %xor3A_478 : i32 to vector<16xi32>
      %xor3A_480 = arith.xori %iota3A, %xor3A_479 : vector<16xi32>
      %broadcast_in_dim3A_481 = vector.shape_cast %xor3A_480 : vector<16xi32> to vector<16x1xi32>
      %gather3A_482 = vector.shape_cast %broadcast_in_dim3A_481 : vector<16x1xi32> to vector<16xi32>
      %gather3A_483 = tpu.dynamic_gather %add3A_477[%gather3A_482] in [0] : vector<16xf32>, vector<16xi32> -> vector<16xf32>
      %add3A_484 = arith.addf %add3A_477, %gather3A_483 : vector<16xf32>
      %xor3A_485 = arith.constant 8 : i32
      %xor3A_486 = vector.broadcast %xor3A_485 : i32 to vector<16xi32>
      %xor3A_487 = arith.xori %iota3A, %xor3A_486 : vector<16xi32>
      %broadcast_in_dim3A_488 = vector.shape_cast %xor3A_487 : vector<16xi32> to vector<16x1xi32>
      %gather3A_489 = vector.shape_cast %broadcast_in_dim3A_488 : vector<16x1xi32> to vector<16xi32>
      %gather3A_490 = tpu.dynamic_gather %add3A_484[%gather3A_489] in [0] : vector<16xf32>, vector<16xi32> -> vector<16xf32>
      %add3A_491 = arith.addf %add3A_484, %gather3A_490 : vector<16xf32>
      %slice3A_492 = vector.extract_strided_slice %get3A_40 {offsets = [3], sizes = [1], strides = [1]} : vector<16xf32> to vector<1xf32>
      %squeeze3A_493 = vector.extract %slice3A_492[0] : f32 from vector<1xf32>
      %add3A_494 = vector.broadcast %squeeze3A_493 : f32 to vector<16xf32>
      %add3A_495 = arith.addf %add3A_491, %add3A_494 : vector<16xf32>
      %eq3A_496 = arith.constant 11 : i32
      %eq3A_497 = vector.broadcast %eq3A_496 : i32 to vector<16xi32>
      %eq3A_498 = arith.cmpi eq, %iota3A, %eq3A_497 : vector<16xi32>
      %select_n3A_499 = arith.select %eq3A_498, %add3A_495, %select_n3A_463 : vector<16xi1>, vector<16xf32>
      %xor3A_500 = arith.constant 1 : i32
      %xor3A_501 = vector.broadcast %xor3A_500 : i32 to vector<16xi32>
      %xor3A_502 = arith.xori %iota3A, %xor3A_501 : vector<16xi32>
      %broadcast_in_dim3A_503 = vector.shape_cast %xor3A_502 : vector<16xi32> to vector<16x1xi32>
      %gather3A_504 = vector.shape_cast %broadcast_in_dim3A_503 : vector<16x1xi32> to vector<16xi32>
      %gather3A_505 = tpu.dynamic_gather %scan3A_70#12[%gather3A_504] in [0] : vector<16xf32>, vector<16xi32> -> vector<16xf32>
      %add3A_506 = arith.addf %scan3A_70#12, %gather3A_505 : vector<16xf32>
      %xor3A_507 = arith.constant 2 : i32
      %xor3A_508 = vector.broadcast %xor3A_507 : i32 to vector<16xi32>
      %xor3A_509 = arith.xori %iota3A, %xor3A_508 : vector<16xi32>
      %broadcast_in_dim3A_510 = vector.shape_cast %xor3A_509 : vector<16xi32> to vector<16x1xi32>
      %gather3A_511 = vector.shape_cast %broadcast_in_dim3A_510 : vector<16x1xi32> to vector<16xi32>
      %gather3A_512 = tpu.dynamic_gather %add3A_506[%gather3A_511] in [0] : vector<16xf32>, vector<16xi32> -> vector<16xf32>
      %add3A_513 = arith.addf %add3A_506, %gather3A_512 : vector<16xf32>
      %xor3A_514 = arith.constant 4 : i32
      %xor3A_515 = vector.broadcast %xor3A_514 : i32 to vector<16xi32>
      %xor3A_516 = arith.xori %iota3A, %xor3A_515 : vector<16xi32>
      %broadcast_in_dim3A_517 = vector.shape_cast %xor3A_516 : vector<16xi32> to vector<16x1xi32>
      %gather3A_518 = vector.shape_cast %broadcast_in_dim3A_517 : vector<16x1xi32> to vector<16xi32>
      %gather3A_519 = tpu.dynamic_gather %add3A_513[%gather3A_518] in [0] : vector<16xf32>, vector<16xi32> -> vector<16xf32>
      %add3A_520 = arith.addf %add3A_513, %gather3A_519 : vector<16xf32>
      %xor3A_521 = arith.constant 8 : i32
      %xor3A_522 = vector.broadcast %xor3A_521 : i32 to vector<16xi32>
      %xor3A_523 = arith.xori %iota3A, %xor3A_522 : vector<16xi32>
      %broadcast_in_dim3A_524 = vector.shape_cast %xor3A_523 : vector<16xi32> to vector<16x1xi32>
      %gather3A_525 = vector.shape_cast %broadcast_in_dim3A_524 : vector<16x1xi32> to vector<16xi32>
      %gather3A_526 = tpu.dynamic_gather %add3A_520[%gather3A_525] in [0] : vector<16xf32>, vector<16xi32> -> vector<16xf32>
      %add3A_527 = arith.addf %add3A_520, %gather3A_526 : vector<16xf32>
      %slice3A_528 = vector.extract_strided_slice %get3A_40 {offsets = [0], sizes = [1], strides = [1]} : vector<16xf32> to vector<1xf32>
      %squeeze3A_529 = vector.extract %slice3A_528[0] : f32 from vector<1xf32>
      %add3A_530 = vector.broadcast %squeeze3A_529 : f32 to vector<16xf32>
      %add3A_531 = arith.addf %add3A_527, %add3A_530 : vector<16xf32>
      %eq3A_532 = arith.constant 12 : i32
      %eq3A_533 = vector.broadcast %eq3A_532 : i32 to vector<16xi32>
      %eq3A_534 = arith.cmpi eq, %iota3A, %eq3A_533 : vector<16xi32>
      %select_n3A_535 = arith.select %eq3A_534, %add3A_531, %select_n3A_499 : vector<16xi1>, vector<16xf32>
      %xor3A_536 = arith.constant 1 : i32
      %xor3A_537 = vector.broadcast %xor3A_536 : i32 to vector<16xi32>
      %xor3A_538 = arith.xori %iota3A, %xor3A_537 : vector<16xi32>
      %broadcast_in_dim3A_539 = vector.shape_cast %xor3A_538 : vector<16xi32> to vector<16x1xi32>
      %gather3A_540 = vector.shape_cast %broadcast_in_dim3A_539 : vector<16x1xi32> to vector<16xi32>
      %gather3A_541 = tpu.dynamic_gather %scan3A_70#13[%gather3A_540] in [0] : vector<16xf32>, vector<16xi32> -> vector<16xf32>
      %add3A_542 = arith.addf %scan3A_70#13, %gather3A_541 : vector<16xf32>
      %xor3A_543 = arith.constant 2 : i32
      %xor3A_544 = vector.broadcast %xor3A_543 : i32 to vector<16xi32>
      %xor3A_545 = arith.xori %iota3A, %xor3A_544 : vector<16xi32>
      %broadcast_in_dim3A_546 = vector.shape_cast %xor3A_545 : vector<16xi32> to vector<16x1xi32>
      %gather3A_547 = vector.shape_cast %broadcast_in_dim3A_546 : vector<16x1xi32> to vector<16xi32>
      %gather3A_548 = tpu.dynamic_gather %add3A_542[%gather3A_547] in [0] : vector<16xf32>, vector<16xi32> -> vector<16xf32>
      %add3A_549 = arith.addf %add3A_542, %gather3A_548 : vector<16xf32>
      %xor3A_550 = arith.constant 4 : i32
      %xor3A_551 = vector.broadcast %xor3A_550 : i32 to vector<16xi32>
      %xor3A_552 = arith.xori %iota3A, %xor3A_551 : vector<16xi32>
      %broadcast_in_dim3A_553 = vector.shape_cast %xor3A_552 : vector<16xi32> to vector<16x1xi32>
      %gather3A_554 = vector.shape_cast %broadcast_in_dim3A_553 : vector<16x1xi32> to vector<16xi32>
      %gather3A_555 = tpu.dynamic_gather %add3A_549[%gather3A_554] in [0] : vector<16xf32>, vector<16xi32> -> vector<16xf32>
      %add3A_556 = arith.addf %add3A_549, %gather3A_555 : vector<16xf32>
      %xor3A_557 = arith.constant 8 : i32
      %xor3A_558 = vector.broadcast %xor3A_557 : i32 to vector<16xi32>
      %xor3A_559 = arith.xori %iota3A, %xor3A_558 : vector<16xi32>
      %broadcast_in_dim3A_560 = vector.shape_cast %xor3A_559 : vector<16xi32> to vector<16x1xi32>
      %gather3A_561 = vector.shape_cast %broadcast_in_dim3A_560 : vector<16x1xi32> to vector<16xi32>
      %gather3A_562 = tpu.dynamic_gather %add3A_556[%gather3A_561] in [0] : vector<16xf32>, vector<16xi32> -> vector<16xf32>
      %add3A_563 = arith.addf %add3A_556, %gather3A_562 : vector<16xf32>
      %slice3A_564 = vector.extract_strided_slice %get3A_40 {offsets = [1], sizes = [1], strides = [1]} : vector<16xf32> to vector<1xf32>
      %squeeze3A_565 = vector.extract %slice3A_564[0] : f32 from vector<1xf32>
      %add3A_566 = vector.broadcast %squeeze3A_565 : f32 to vector<16xf32>
      %add3A_567 = arith.addf %add3A_563, %add3A_566 : vector<16xf32>
      %eq3A_568 = arith.constant 13 : i32
      %eq3A_569 = vector.broadcast %eq3A_568 : i32 to vector<16xi32>
      %eq3A_570 = arith.cmpi eq, %iota3A, %eq3A_569 : vector<16xi32>
      %select_n3A_571 = arith.select %eq3A_570, %add3A_567, %select_n3A_535 : vector<16xi1>, vector<16xf32>
      %xor3A_572 = arith.constant 1 : i32
      %xor3A_573 = vector.broadcast %xor3A_572 : i32 to vector<16xi32>
      %xor3A_574 = arith.xori %iota3A, %xor3A_573 : vector<16xi32>
      %broadcast_in_dim3A_575 = vector.shape_cast %xor3A_574 : vector<16xi32> to vector<16x1xi32>
      %gather3A_576 = vector.shape_cast %broadcast_in_dim3A_575 : vector<16x1xi32> to vector<16xi32>
      %gather3A_577 = tpu.dynamic_gather %scan3A_70#14[%gather3A_576] in [0] : vector<16xf32>, vector<16xi32> -> vector<16xf32>
      %add3A_578 = arith.addf %scan3A_70#14, %gather3A_577 : vector<16xf32>
      %xor3A_579 = arith.constant 2 : i32
      %xor3A_580 = vector.broadcast %xor3A_579 : i32 to vector<16xi32>
      %xor3A_581 = arith.xori %iota3A, %xor3A_580 : vector<16xi32>
      %broadcast_in_dim3A_582 = vector.shape_cast %xor3A_581 : vector<16xi32> to vector<16x1xi32>
      %gather3A_583 = vector.shape_cast %broadcast_in_dim3A_582 : vector<16x1xi32> to vector<16xi32>
      %gather3A_584 = tpu.dynamic_gather %add3A_578[%gather3A_583] in [0] : vector<16xf32>, vector<16xi32> -> vector<16xf32>
      %add3A_585 = arith.addf %add3A_578, %gather3A_584 : vector<16xf32>
      %xor3A_586 = arith.constant 4 : i32
      %xor3A_587 = vector.broadcast %xor3A_586 : i32 to vector<16xi32>
      %xor3A_588 = arith.xori %iota3A, %xor3A_587 : vector<16xi32>
      %broadcast_in_dim3A_589 = vector.shape_cast %xor3A_588 : vector<16xi32> to vector<16x1xi32>
      %gather3A_590 = vector.shape_cast %broadcast_in_dim3A_589 : vector<16x1xi32> to vector<16xi32>
      %gather3A_591 = tpu.dynamic_gather %add3A_585[%gather3A_590] in [0] : vector<16xf32>, vector<16xi32> -> vector<16xf32>
      %add3A_592 = arith.addf %add3A_585, %gather3A_591 : vector<16xf32>
      %xor3A_593 = arith.constant 8 : i32
      %xor3A_594 = vector.broadcast %xor3A_593 : i32 to vector<16xi32>
      %xor3A_595 = arith.xori %iota3A, %xor3A_594 : vector<16xi32>
      %broadcast_in_dim3A_596 = vector.shape_cast %xor3A_595 : vector<16xi32> to vector<16x1xi32>
      %gather3A_597 = vector.shape_cast %broadcast_in_dim3A_596 : vector<16x1xi32> to vector<16xi32>
      %gather3A_598 = tpu.dynamic_gather %add3A_592[%gather3A_597] in [0] : vector<16xf32>, vector<16xi32> -> vector<16xf32>
      %add3A_599 = arith.addf %add3A_592, %gather3A_598 : vector<16xf32>
      %slice3A_600 = vector.extract_strided_slice %get3A_40 {offsets = [2], sizes = [1], strides = [1]} : vector<16xf32> to vector<1xf32>
      %squeeze3A_601 = vector.extract %slice3A_600[0] : f32 from vector<1xf32>
      %add3A_602 = vector.broadcast %squeeze3A_601 : f32 to vector<16xf32>
      %add3A_603 = arith.addf %add3A_599, %add3A_602 : vector<16xf32>
      %eq3A_604 = arith.constant 14 : i32
      %eq3A_605 = vector.broadcast %eq3A_604 : i32 to vector<16xi32>
      %eq3A_606 = arith.cmpi eq, %iota3A, %eq3A_605 : vector<16xi32>
      %select_n3A_607 = arith.select %eq3A_606, %add3A_603, %select_n3A_571 : vector<16xi1>, vector<16xf32>
      %xor3A_608 = arith.constant 1 : i32
      %xor3A_609 = vector.broadcast %xor3A_608 : i32 to vector<16xi32>
      %xor3A_610 = arith.xori %iota3A, %xor3A_609 : vector<16xi32>
      %broadcast_in_dim3A_611 = vector.shape_cast %xor3A_610 : vector<16xi32> to vector<16x1xi32>
      %gather3A_612 = vector.shape_cast %broadcast_in_dim3A_611 : vector<16x1xi32> to vector<16xi32>
      %gather3A_613 = tpu.dynamic_gather %scan3A_70#15[%gather3A_612] in [0] : vector<16xf32>, vector<16xi32> -> vector<16xf32>
      %add3A_614 = arith.addf %scan3A_70#15, %gather3A_613 : vector<16xf32>
      %xor3A_615 = arith.constant 2 : i32
      %xor3A_616 = vector.broadcast %xor3A_615 : i32 to vector<16xi32>
      %xor3A_617 = arith.xori %iota3A, %xor3A_616 : vector<16xi32>
      %broadcast_in_dim3A_618 = vector.shape_cast %xor3A_617 : vector<16xi32> to vector<16x1xi32>
      %gather3A_619 = vector.shape_cast %broadcast_in_dim3A_618 : vector<16x1xi32> to vector<16xi32>
      %gather3A_620 = tpu.dynamic_gather %add3A_614[%gather3A_619] in [0] : vector<16xf32>, vector<16xi32> -> vector<16xf32>
      %add3A_621 = arith.addf %add3A_614, %gather3A_620 : vector<16xf32>
      %xor3A_622 = arith.constant 4 : i32
      %xor3A_623 = vector.broadcast %xor3A_622 : i32 to vector<16xi32>
      %xor3A_624 = arith.xori %iota3A, %xor3A_623 : vector<16xi32>
      %broadcast_in_dim3A_625 = vector.shape_cast %xor3A_624 : vector<16xi32> to vector<16x1xi32>
      %gather3A_626 = vector.shape_cast %broadcast_in_dim3A_625 : vector<16x1xi32> to vector<16xi32>
      %gather3A_627 = tpu.dynamic_gather %add3A_621[%gather3A_626] in [0] : vector<16xf32>, vector<16xi32> -> vector<16xf32>
      %add3A_628 = arith.addf %add3A_621, %gather3A_627 : vector<16xf32>
      %xor3A_629 = arith.constant 8 : i32
      %xor3A_630 = vector.broadcast %xor3A_629 : i32 to vector<16xi32>
      %xor3A_631 = arith.xori %iota3A, %xor3A_630 : vector<16xi32>
      %broadcast_in_dim3A_632 = vector.shape_cast %xor3A_631 : vector<16xi32> to vector<16x1xi32>
      %gather3A_633 = vector.shape_cast %broadcast_in_dim3A_632 : vector<16x1xi32> to vector<16xi32>
      %gather3A_634 = tpu.dynamic_gather %add3A_628[%gather3A_633] in [0] : vector<16xf32>, vector<16xi32> -> vector<16xf32>
      %add3A_635 = arith.addf %add3A_628, %gather3A_634 : vector<16xf32>
      %slice3A_636 = vector.extract_strided_slice %get3A_40 {offsets = [3], sizes = [1], strides = [1]} : vector<16xf32> to vector<1xf32>
      %squeeze3A_637 = vector.extract %slice3A_636[0] : f32 from vector<1xf32>
      %add3A_638 = vector.broadcast %squeeze3A_637 : f32 to vector<16xf32>
      %add3A_639 = arith.addf %add3A_635, %add3A_638 : vector<16xf32>
      %eq3A_640 = arith.constant 15 : i32
      %eq3A_641 = vector.broadcast %eq3A_640 : i32 to vector<16xi32>
      %eq3A_642 = arith.cmpi eq, %iota3A, %eq3A_641 : vector<16xi32>
      %select_n3A_643 = arith.select %eq3A_642, %add3A_639, %select_n3A_607 : vector<16xi1>, vector<16xf32>
      %mul3A_644 = arith.constant 2 : i32
      %mul3A_645 = arith.muli %add3A_44, %mul3A_644 : i32
      %add3A_646 = arith.constant 0 : i32
      %add3A_647 = arith.addi %mul3A_645, %add3A_646 : i32
      %swap3A = arith.index_cast %add3A_647 : i32 to index
      %swap3A_648 = arith.constant 0 : index
      %swap3A_649 = tpu.vector_load %arg8[%swap3A, %swap3A_648] {strides = array<i32>} : memref<16x16xf32, #tpu.memory_space<vmem>>, vector<1x16xf32>,
      %swap3A_650 = vector.shape_cast %swap3A_649 : vector<1x16xf32> to vector<16xf32>
      %swap3A_651 = vector.shape_cast %select_n3A_643 : vector<16xf32> to vector<1x16xf32>
      tpu.vector_store %arg8[%swap3A, %swap3A_648], %swap3A_651 {strides = array<i32>} : memref<16x16xf32, #tpu.memory_space<vmem>>, vector<1x16xf32>,
      %broadcast_in_dim3A_652 = arith.constant 0.000000e+00 : f32
      %broadcast_in_dim3A_653 = vector.broadcast %broadcast_in_dim3A_652 : f32 to vector<16xf32>
      %xor3A_654 = arith.constant 1 : i32
      %xor3A_655 = vector.broadcast %xor3A_654 : i32 to vector<16xi32>
      %xor3A_656 = arith.xori %iota3A, %xor3A_655 : vector<16xi32>
      %broadcast_in_dim3A_657 = vector.shape_cast %xor3A_656 : vector<16xi32> to vector<16x1xi32>
      %gather3A_658 = vector.shape_cast %broadcast_in_dim3A_657 : vector<16x1xi32> to vector<16xi32>
      %gather3A_659 = tpu.dynamic_gather %scan3A_70#16[%gather3A_658] in [0] : vector<16xf32>, vector<16xi32> -> vector<16xf32>
      %add3A_660 = arith.addf %scan3A_70#16, %gather3A_659 : vector<16xf32>
      %xor3A_661 = arith.constant 2 : i32
      %xor3A_662 = vector.broadcast %xor3A_661 : i32 to vector<16xi32>
      %xor3A_663 = arith.xori %iota3A, %xor3A_662 : vector<16xi32>
      %broadcast_in_dim3A_664 = vector.shape_cast %xor3A_663 : vector<16xi32> to vector<16x1xi32>
      %gather3A_665 = vector.shape_cast %broadcast_in_dim3A_664 : vector<16x1xi32> to vector<16xi32>
      %gather3A_666 = tpu.dynamic_gather %add3A_660[%gather3A_665] in [0] : vector<16xf32>, vector<16xi32> -> vector<16xf32>
      %add3A_667 = arith.addf %add3A_660, %gather3A_666 : vector<16xf32>
      %xor3A_668 = arith.constant 4 : i32
      %xor3A_669 = vector.broadcast %xor3A_668 : i32 to vector<16xi32>
      %xor3A_670 = arith.xori %iota3A, %xor3A_669 : vector<16xi32>
      %broadcast_in_dim3A_671 = vector.shape_cast %xor3A_670 : vector<16xi32> to vector<16x1xi32>
      %gather3A_672 = vector.shape_cast %broadcast_in_dim3A_671 : vector<16x1xi32> to vector<16xi32>
      %gather3A_673 = tpu.dynamic_gather %add3A_667[%gather3A_672] in [0] : vector<16xf32>, vector<16xi32> -> vector<16xf32>
      %add3A_674 = arith.addf %add3A_667, %gather3A_673 : vector<16xf32>
      %xor3A_675 = arith.constant 8 : i32
      %xor3A_676 = vector.broadcast %xor3A_675 : i32 to vector<16xi32>
      %xor3A_677 = arith.xori %iota3A, %xor3A_676 : vector<16xi32>
      %broadcast_in_dim3A_678 = vector.shape_cast %xor3A_677 : vector<16xi32> to vector<16x1xi32>
      %gather3A_679 = vector.shape_cast %broadcast_in_dim3A_678 : vector<16x1xi32> to vector<16xi32>
      %gather3A_680 = tpu.dynamic_gather %add3A_674[%gather3A_679] in [0] : vector<16xf32>, vector<16xi32> -> vector<16xf32>
      %add3A_681 = arith.addf %add3A_674, %gather3A_680 : vector<16xf32>
      %slice3A_682 = vector.extract_strided_slice %get3A_40 {offsets = [0], sizes = [1], strides = [1]} : vector<16xf32> to vector<1xf32>
      %squeeze3A_683 = vector.extract %slice3A_682[0] : f32 from vector<1xf32>
      %add3A_684 = vector.broadcast %squeeze3A_683 : f32 to vector<16xf32>
      %add3A_685 = arith.addf %add3A_681, %add3A_684 : vector<16xf32>
      %eq3A_686 = arith.constant 0 : i32
      %eq3A_687 = vector.broadcast %eq3A_686 : i32 to vector<16xi32>
      %eq3A_688 = arith.cmpi eq, %iota3A, %eq3A_687 : vector<16xi32>
      %select_n3A_689 = arith.select %eq3A_688, %add3A_685, %broadcast_in_dim3A_653 : vector<16xi1>, vector<16xf32>
      %xor3A_690 = arith.constant 1 : i32
      %xor3A_691 = vector.broadcast %xor3A_690 : i32 to vector<16xi32>
      %xor3A_692 = arith.xori %iota3A, %xor3A_691 : vector<16xi32>
      %broadcast_in_dim3A_693 = vector.shape_cast %xor3A_692 : vector<16xi32> to vector<16x1xi32>
      %gather3A_694 = vector.shape_cast %broadcast_in_dim3A_693 : vector<16x1xi32> to vector<16xi32>
      %gather3A_695 = tpu.dynamic_gather %scan3A_70#17[%gather3A_694] in [0] : vector<16xf32>, vector<16xi32> -> vector<16xf32>
      %add3A_696 = arith.addf %scan3A_70#17, %gather3A_695 : vector<16xf32>
      %xor3A_697 = arith.constant 2 : i32
      %xor3A_698 = vector.broadcast %xor3A_697 : i32 to vector<16xi32>
      %xor3A_699 = arith.xori %iota3A, %xor3A_698 : vector<16xi32>
      %broadcast_in_dim3A_700 = vector.shape_cast %xor3A_699 : vector<16xi32> to vector<16x1xi32>
      %gather3A_701 = vector.shape_cast %broadcast_in_dim3A_700 : vector<16x1xi32> to vector<16xi32>
      %gather3A_702 = tpu.dynamic_gather %add3A_696[%gather3A_701] in [0] : vector<16xf32>, vector<16xi32> -> vector<16xf32>
      %add3A_703 = arith.addf %add3A_696, %gather3A_702 : vector<16xf32>
      %xor3A_704 = arith.constant 4 : i32
      %xor3A_705 = vector.broadcast %xor3A_704 : i32 to vector<16xi32>
      %xor3A_706 = arith.xori %iota3A, %xor3A_705 : vector<16xi32>
      %broadcast_in_dim3A_707 = vector.shape_cast %xor3A_706 : vector<16xi32> to vector<16x1xi32>
      %gather3A_708 = vector.shape_cast %broadcast_in_dim3A_707 : vector<16x1xi32> to vector<16xi32>
      %gather3A_709 = tpu.dynamic_gather %add3A_703[%gather3A_708] in [0] : vector<16xf32>, vector<16xi32> -> vector<16xf32>
      %add3A_710 = arith.addf %add3A_703, %gather3A_709 : vector<16xf32>
      %xor3A_711 = arith.constant 8 : i32
      %xor3A_712 = vector.broadcast %xor3A_711 : i32 to vector<16xi32>
      %xor3A_713 = arith.xori %iota3A, %xor3A_712 : vector<16xi32>
      %broadcast_in_dim3A_714 = vector.shape_cast %xor3A_713 : vector<16xi32> to vector<16x1xi32>
      %gather3A_715 = vector.shape_cast %broadcast_in_dim3A_714 : vector<16x1xi32> to vector<16xi32>
      %gather3A_716 = tpu.dynamic_gather %add3A_710[%gather3A_715] in [0] : vector<16xf32>, vector<16xi32> -> vector<16xf32>
      %add3A_717 = arith.addf %add3A_710, %gather3A_716 : vector<16xf32>
      %slice3A_718 = vector.extract_strided_slice %get3A_40 {offsets = [1], sizes = [1], strides = [1]} : vector<16xf32> to vector<1xf32>
      %squeeze3A_719 = vector.extract %slice3A_718[0] : f32 from vector<1xf32>
      %add3A_720 = vector.broadcast %squeeze3A_719 : f32 to vector<16xf32>
      %add3A_721 = arith.addf %add3A_717, %add3A_720 : vector<16xf32>
      %eq3A_722 = arith.constant 1 : i32
      %eq3A_723 = vector.broadcast %eq3A_722 : i32 to vector<16xi32>
      %eq3A_724 = arith.cmpi eq, %iota3A, %eq3A_723 : vector<16xi32>
      %select_n3A_725 = arith.select %eq3A_724, %add3A_721, %select_n3A_689 : vector<16xi1>, vector<16xf32>
      %xor3A_726 = arith.constant 1 : i32
      %xor3A_727 = vector.broadcast %xor3A_726 : i32 to vector<16xi32>
      %xor3A_728 = arith.xori %iota3A, %xor3A_727 : vector<16xi32>
      %broadcast_in_dim3A_729 = vector.shape_cast %xor3A_728 : vector<16xi32> to vector<16x1xi32>
      %gather3A_730 = vector.shape_cast %broadcast_in_dim3A_729 : vector<16x1xi32> to vector<16xi32>
      %gather3A_731 = tpu.dynamic_gather %scan3A_70#18[%gather3A_730] in [0] : vector<16xf32>, vector<16xi32> -> vector<16xf32>
      %add3A_732 = arith.addf %scan3A_70#18, %gather3A_731 : vector<16xf32>
      %xor3A_733 = arith.constant 2 : i32
      %xor3A_734 = vector.broadcast %xor3A_733 : i32 to vector<16xi32>
      %xor3A_735 = arith.xori %iota3A, %xor3A_734 : vector<16xi32>
      %broadcast_in_dim3A_736 = vector.shape_cast %xor3A_735 : vector<16xi32> to vector<16x1xi32>
      %gather3A_737 = vector.shape_cast %broadcast_in_dim3A_736 : vector<16x1xi32> to vector<16xi32>
      %gather3A_738 = tpu.dynamic_gather %add3A_732[%gather3A_737] in [0] : vector<16xf32>, vector<16xi32> -> vector<16xf32>
      %add3A_739 = arith.addf %add3A_732, %gather3A_738 : vector<16xf32>
      %xor3A_740 = arith.constant 4 : i32
      %xor3A_741 = vector.broadcast %xor3A_740 : i32 to vector<16xi32>
      %xor3A_742 = arith.xori %iota3A, %xor3A_741 : vector<16xi32>
      %broadcast_in_dim3A_743 = vector.shape_cast %xor3A_742 : vector<16xi32> to vector<16x1xi32>
      %gather3A_744 = vector.shape_cast %broadcast_in_dim3A_743 : vector<16x1xi32> to vector<16xi32>
      %gather3A_745 = tpu.dynamic_gather %add3A_739[%gather3A_744] in [0] : vector<16xf32>, vector<16xi32> -> vector<16xf32>
      %add3A_746 = arith.addf %add3A_739, %gather3A_745 : vector<16xf32>
      %xor3A_747 = arith.constant 8 : i32
      %xor3A_748 = vector.broadcast %xor3A_747 : i32 to vector<16xi32>
      %xor3A_749 = arith.xori %iota3A, %xor3A_748 : vector<16xi32>
      %broadcast_in_dim3A_750 = vector.shape_cast %xor3A_749 : vector<16xi32> to vector<16x1xi32>
      %gather3A_751 = vector.shape_cast %broadcast_in_dim3A_750 : vector<16x1xi32> to vector<16xi32>
      %gather3A_752 = tpu.dynamic_gather %add3A_746[%gather3A_751] in [0] : vector<16xf32>, vector<16xi32> -> vector<16xf32>
      %add3A_753 = arith.addf %add3A_746, %gather3A_752 : vector<16xf32>
      %slice3A_754 = vector.extract_strided_slice %get3A_40 {offsets = [2], sizes = [1], strides = [1]} : vector<16xf32> to vector<1xf32>
      %squeeze3A_755 = vector.extract %slice3A_754[0] : f32 from vector<1xf32>
      %add3A_756 = vector.broadcast %squeeze3A_755 : f32 to vector<16xf32>
      %add3A_757 = arith.addf %add3A_753, %add3A_756 : vector<16xf32>
      %eq3A_758 = arith.constant 2 : i32
      %eq3A_759 = vector.broadcast %eq3A_758 : i32 to vector<16xi32>
      %eq3A_760 = arith.cmpi eq, %iota3A, %eq3A_759 : vector<16xi32>
      %select_n3A_761 = arith.select %eq3A_760, %add3A_757, %select_n3A_725 : vector<16xi1>, vector<16xf32>
      %xor3A_762 = arith.constant 1 : i32
      %xor3A_763 = vector.broadcast %xor3A_762 : i32 to vector<16xi32>
      %xor3A_764 = arith.xori %iota3A, %xor3A_763 : vector<16xi32>
      %broadcast_in_dim3A_765 = vector.shape_cast %xor3A_764 : vector<16xi32> to vector<16x1xi32>
      %gather3A_766 = vector.shape_cast %broadcast_in_dim3A_765 : vector<16x1xi32> to vector<16xi32>
      %gather3A_767 = tpu.dynamic_gather %scan3A_70#19[%gather3A_766] in [0] : vector<16xf32>, vector<16xi32> -> vector<16xf32>
      %add3A_768 = arith.addf %scan3A_70#19, %gather3A_767 : vector<16xf32>
      %xor3A_769 = arith.constant 2 : i32
      %xor3A_770 = vector.broadcast %xor3A_769 : i32 to vector<16xi32>
      %xor3A_771 = arith.xori %iota3A, %xor3A_770 : vector<16xi32>
      %broadcast_in_dim3A_772 = vector.shape_cast %xor3A_771 : vector<16xi32> to vector<16x1xi32>
      %gather3A_773 = vector.shape_cast %broadcast_in_dim3A_772 : vector<16x1xi32> to vector<16xi32>
      %gather3A_774 = tpu.dynamic_gather %add3A_768[%gather3A_773] in [0] : vector<16xf32>, vector<16xi32> -> vector<16xf32>
      %add3A_775 = arith.addf %add3A_768, %gather3A_774 : vector<16xf32>
      %xor3A_776 = arith.constant 4 : i32
      %xor3A_777 = vector.broadcast %xor3A_776 : i32 to vector<16xi32>
      %xor3A_778 = arith.xori %iota3A, %xor3A_777 : vector<16xi32>
      %broadcast_in_dim3A_779 = vector.shape_cast %xor3A_778 : vector<16xi32> to vector<16x1xi32>
      %gather3A_780 = vector.shape_cast %broadcast_in_dim3A_779 : vector<16x1xi32> to vector<16xi32>
      %gather3A_781 = tpu.dynamic_gather %add3A_775[%gather3A_780] in [0] : vector<16xf32>, vector<16xi32> -> vector<16xf32>
      %add3A_782 = arith.addf %add3A_775, %gather3A_781 : vector<16xf32>
      %xor3A_783 = arith.constant 8 : i32
      %xor3A_784 = vector.broadcast %xor3A_783 : i32 to vector<16xi32>
      %xor3A_785 = arith.xori %iota3A, %xor3A_784 : vector<16xi32>
      %broadcast_in_dim3A_786 = vector.shape_cast %xor3A_785 : vector<16xi32> to vector<16x1xi32>
      %gather3A_787 = vector.shape_cast %broadcast_in_dim3A_786 : vector<16x1xi32> to vector<16xi32>
      %gather3A_788 = tpu.dynamic_gather %add3A_782[%gather3A_787] in [0] : vector<16xf32>, vector<16xi32> -> vector<16xf32>
      %add3A_789 = arith.addf %add3A_782, %gather3A_788 : vector<16xf32>
      %slice3A_790 = vector.extract_strided_slice %get3A_40 {offsets = [3], sizes = [1], strides = [1]} : vector<16xf32> to vector<1xf32>
      %squeeze3A_791 = vector.extract %slice3A_790[0] : f32 from vector<1xf32>
      %add3A_792 = vector.broadcast %squeeze3A_791 : f32 to vector<16xf32>
      %add3A_793 = arith.addf %add3A_789, %add3A_792 : vector<16xf32>
      %eq3A_794 = arith.constant 3 : i32
      %eq3A_795 = vector.broadcast %eq3A_794 : i32 to vector<16xi32>
      %eq3A_796 = arith.cmpi eq, %iota3A, %eq3A_795 : vector<16xi32>
      %select_n3A_797 = arith.select %eq3A_796, %add3A_793, %select_n3A_761 : vector<16xi1>, vector<16xf32>
      %xor3A_798 = arith.constant 1 : i32
      %xor3A_799 = vector.broadcast %xor3A_798 : i32 to vector<16xi32>
      %xor3A_800 = arith.xori %iota3A, %xor3A_799 : vector<16xi32>
      %broadcast_in_dim3A_801 = vector.shape_cast %xor3A_800 : vector<16xi32> to vector<16x1xi32>
      %gather3A_802 = vector.shape_cast %broadcast_in_dim3A_801 : vector<16x1xi32> to vector<16xi32>
      %gather3A_803 = tpu.dynamic_gather %scan3A_70#20[%gather3A_802] in [0] : vector<16xf32>, vector<16xi32> -> vector<16xf32>
      %add3A_804 = arith.addf %scan3A_70#20, %gather3A_803 : vector<16xf32>
      %xor3A_805 = arith.constant 2 : i32
      %xor3A_806 = vector.broadcast %xor3A_805 : i32 to vector<16xi32>
      %xor3A_807 = arith.xori %iota3A, %xor3A_806 : vector<16xi32>
      %broadcast_in_dim3A_808 = vector.shape_cast %xor3A_807 : vector<16xi32> to vector<16x1xi32>
      %gather3A_809 = vector.shape_cast %broadcast_in_dim3A_808 : vector<16x1xi32> to vector<16xi32>
      %gather3A_810 = tpu.dynamic_gather %add3A_804[%gather3A_809] in [0] : vector<16xf32>, vector<16xi32> -> vector<16xf32>
      %add3A_811 = arith.addf %add3A_804, %gather3A_810 : vector<16xf32>
      %xor3A_812 = arith.constant 4 : i32
      %xor3A_813 = vector.broadcast %xor3A_812 : i32 to vector<16xi32>
      %xor3A_814 = arith.xori %iota3A, %xor3A_813 : vector<16xi32>
      %broadcast_in_dim3A_815 = vector.shape_cast %xor3A_814 : vector<16xi32> to vector<16x1xi32>
      %gather3A_816 = vector.shape_cast %broadcast_in_dim3A_815 : vector<16x1xi32> to vector<16xi32>
      %gather3A_817 = tpu.dynamic_gather %add3A_811[%gather3A_816] in [0] : vector<16xf32>, vector<16xi32> -> vector<16xf32>
      %add3A_818 = arith.addf %add3A_811, %gather3A_817 : vector<16xf32>
      %xor3A_819 = arith.constant 8 : i32
      %xor3A_820 = vector.broadcast %xor3A_819 : i32 to vector<16xi32>
      %xor3A_821 = arith.xori %iota3A, %xor3A_820 : vector<16xi32>
      %broadcast_in_dim3A_822 = vector.shape_cast %xor3A_821 : vector<16xi32> to vector<16x1xi32>
      %gather3A_823 = vector.shape_cast %broadcast_in_dim3A_822 : vector<16x1xi32> to vector<16xi32>
      %gather3A_824 = tpu.dynamic_gather %add3A_818[%gather3A_823] in [0] : vector<16xf32>, vector<16xi32> -> vector<16xf32>
      %add3A_825 = arith.addf %add3A_818, %gather3A_824 : vector<16xf32>
      %slice3A_826 = vector.extract_strided_slice %get3A_40 {offsets = [0], sizes = [1], strides = [1]} : vector<16xf32> to vector<1xf32>
      %squeeze3A_827 = vector.extract %slice3A_826[0] : f32 from vector<1xf32>
      %add3A_828 = vector.broadcast %squeeze3A_827 : f32 to vector<16xf32>
      %add3A_829 = arith.addf %add3A_825, %add3A_828 : vector<16xf32>
      %eq3A_830 = arith.constant 4 : i32
      %eq3A_831 = vector.broadcast %eq3A_830 : i32 to vector<16xi32>
      %eq3A_832 = arith.cmpi eq, %iota3A, %eq3A_831 : vector<16xi32>
      %select_n3A_833 = arith.select %eq3A_832, %add3A_829, %select_n3A_797 : vector<16xi1>, vector<16xf32>
      %xor3A_834 = arith.constant 1 : i32
      %xor3A_835 = vector.broadcast %xor3A_834 : i32 to vector<16xi32>
      %xor3A_836 = arith.xori %iota3A, %xor3A_835 : vector<16xi32>
      %broadcast_in_dim3A_837 = vector.shape_cast %xor3A_836 : vector<16xi32> to vector<16x1xi32>
      %gather3A_838 = vector.shape_cast %broadcast_in_dim3A_837 : vector<16x1xi32> to vector<16xi32>
      %gather3A_839 = tpu.dynamic_gather %scan3A_70#21[%gather3A_838] in [0] : vector<16xf32>, vector<16xi32> -> vector<16xf32>
      %add3A_840 = arith.addf %scan3A_70#21, %gather3A_839 : vector<16xf32>
      %xor3A_841 = arith.constant 2 : i32
      %xor3A_842 = vector.broadcast %xor3A_841 : i32 to vector<16xi32>
      %xor3A_843 = arith.xori %iota3A, %xor3A_842 : vector<16xi32>
      %broadcast_in_dim3A_844 = vector.shape_cast %xor3A_843 : vector<16xi32> to vector<16x1xi32>
      %gather3A_845 = vector.shape_cast %broadcast_in_dim3A_844 : vector<16x1xi32> to vector<16xi32>
      %gather3A_846 = tpu.dynamic_gather %add3A_840[%gather3A_845] in [0] : vector<16xf32>, vector<16xi32> -> vector<16xf32>
      %add3A_847 = arith.addf %add3A_840, %gather3A_846 : vector<16xf32>
      %xor3A_848 = arith.constant 4 : i32
      %xor3A_849 = vector.broadcast %xor3A_848 : i32 to vector<16xi32>
      %xor3A_850 = arith.xori %iota3A, %xor3A_849 : vector<16xi32>
      %broadcast_in_dim3A_851 = vector.shape_cast %xor3A_850 : vector<16xi32> to vector<16x1xi32>
      %gather3A_852 = vector.shape_cast %broadcast_in_dim3A_851 : vector<16x1xi32> to vector<16xi32>
      %gather3A_853 = tpu.dynamic_gather %add3A_847[%gather3A_852] in [0] : vector<16xf32>, vector<16xi32> -> vector<16xf32>
      %add3A_854 = arith.addf %add3A_847, %gather3A_853 : vector<16xf32>
      %xor3A_855 = arith.constant 8 : i32
      %xor3A_856 = vector.broadcast %xor3A_855 : i32 to vector<16xi32>
      %xor3A_857 = arith.xori %iota3A, %xor3A_856 : vector<16xi32>
      %broadcast_in_dim3A_858 = vector.shape_cast %xor3A_857 : vector<16xi32> to vector<16x1xi32>
      %gather3A_859 = vector.shape_cast %broadcast_in_dim3A_858 : vector<16x1xi32> to vector<16xi32>
      %gather3A_860 = tpu.dynamic_gather %add3A_854[%gather3A_859] in [0] : vector<16xf32>, vector<16xi32> -> vector<16xf32>
      %add3A_861 = arith.addf %add3A_854, %gather3A_860 : vector<16xf32>
      %slice3A_862 = vector.extract_strided_slice %get3A_40 {offsets = [1], sizes = [1], strides = [1]} : vector<16xf32> to vector<1xf32>
      %squeeze3A_863 = vector.extract %slice3A_862[0] : f32 from vector<1xf32>
      %add3A_864 = vector.broadcast %squeeze3A_863 : f32 to vector<16xf32>
      %add3A_865 = arith.addf %add3A_861, %add3A_864 : vector<16xf32>
      %eq3A_866 = arith.constant 5 : i32
      %eq3A_867 = vector.broadcast %eq3A_866 : i32 to vector<16xi32>
      %eq3A_868 = arith.cmpi eq, %iota3A, %eq3A_867 : vector<16xi32>
      %select_n3A_869 = arith.select %eq3A_868, %add3A_865, %select_n3A_833 : vector<16xi1>, vector<16xf32>
      %xor3A_870 = arith.constant 1 : i32
      %xor3A_871 = vector.broadcast %xor3A_870 : i32 to vector<16xi32>
      %xor3A_872 = arith.xori %iota3A, %xor3A_871 : vector<16xi32>
      %broadcast_in_dim3A_873 = vector.shape_cast %xor3A_872 : vector<16xi32> to vector<16x1xi32>
      %gather3A_874 = vector.shape_cast %broadcast_in_dim3A_873 : vector<16x1xi32> to vector<16xi32>
      %gather3A_875 = tpu.dynamic_gather %scan3A_70#22[%gather3A_874] in [0] : vector<16xf32>, vector<16xi32> -> vector<16xf32>
      %add3A_876 = arith.addf %scan3A_70#22, %gather3A_875 : vector<16xf32>
      %xor3A_877 = arith.constant 2 : i32
      %xor3A_878 = vector.broadcast %xor3A_877 : i32 to vector<16xi32>
      %xor3A_879 = arith.xori %iota3A, %xor3A_878 : vector<16xi32>
      %broadcast_in_dim3A_880 = vector.shape_cast %xor3A_879 : vector<16xi32> to vector<16x1xi32>
      %gather3A_881 = vector.shape_cast %broadcast_in_dim3A_880 : vector<16x1xi32> to vector<16xi32>
      %gather3A_882 = tpu.dynamic_gather %add3A_876[%gather3A_881] in [0] : vector<16xf32>, vector<16xi32> -> vector<16xf32>
      %add3A_883 = arith.addf %add3A_876, %gather3A_882 : vector<16xf32>
      %xor3A_884 = arith.constant 4 : i32
      %xor3A_885 = vector.broadcast %xor3A_884 : i32 to vector<16xi32>
      %xor3A_886 = arith.xori %iota3A, %xor3A_885 : vector<16xi32>
      %broadcast_in_dim3A_887 = vector.shape_cast %xor3A_886 : vector<16xi32> to vector<16x1xi32>
      %gather3A_888 = vector.shape_cast %broadcast_in_dim3A_887 : vector<16x1xi32> to vector<16xi32>
      %gather3A_889 = tpu.dynamic_gather %add3A_883[%gather3A_888] in [0] : vector<16xf32>, vector<16xi32> -> vector<16xf32>
      %add3A_890 = arith.addf %add3A_883, %gather3A_889 : vector<16xf32>
      %xor3A_891 = arith.constant 8 : i32
      %xor3A_892 = vector.broadcast %xor3A_891 : i32 to vector<16xi32>
      %xor3A_893 = arith.xori %iota3A, %xor3A_892 : vector<16xi32>
      %broadcast_in_dim3A_894 = vector.shape_cast %xor3A_893 : vector<16xi32> to vector<16x1xi32>
      %gather3A_895 = vector.shape_cast %broadcast_in_dim3A_894 : vector<16x1xi32> to vector<16xi32>
      %gather3A_896 = tpu.dynamic_gather %add3A_890[%gather3A_895] in [0] : vector<16xf32>, vector<16xi32> -> vector<16xf32>
      %add3A_897 = arith.addf %add3A_890, %gather3A_896 : vector<16xf32>
      %slice3A_898 = vector.extract_strided_slice %get3A_40 {offsets = [2], sizes = [1], strides = [1]} : vector<16xf32> to vector<1xf32>
      %squeeze3A_899 = vector.extract %slice3A_898[0] : f32 from vector<1xf32>
      %add3A_900 = vector.broadcast %squeeze3A_899 : f32 to vector<16xf32>
      %add3A_901 = arith.addf %add3A_897, %add3A_900 : vector<16xf32>
      %eq3A_902 = arith.constant 6 : i32
      %eq3A_903 = vector.broadcast %eq3A_902 : i32 to vector<16xi32>
      %eq3A_904 = arith.cmpi eq, %iota3A, %eq3A_903 : vector<16xi32>
      %select_n3A_905 = arith.select %eq3A_904, %add3A_901, %select_n3A_869 : vector<16xi1>, vector<16xf32>
      %xor3A_906 = arith.constant 1 : i32
      %xor3A_907 = vector.broadcast %xor3A_906 : i32 to vector<16xi32>
      %xor3A_908 = arith.xori %iota3A, %xor3A_907 : vector<16xi32>
      %broadcast_in_dim3A_909 = vector.shape_cast %xor3A_908 : vector<16xi32> to vector<16x1xi32>
      %gather3A_910 = vector.shape_cast %broadcast_in_dim3A_909 : vector<16x1xi32> to vector<16xi32>
      %gather3A_911 = tpu.dynamic_gather %scan3A_70#23[%gather3A_910] in [0] : vector<16xf32>, vector<16xi32> -> vector<16xf32>
      %add3A_912 = arith.addf %scan3A_70#23, %gather3A_911 : vector<16xf32>
      %xor3A_913 = arith.constant 2 : i32
      %xor3A_914 = vector.broadcast %xor3A_913 : i32 to vector<16xi32>
      %xor3A_915 = arith.xori %iota3A, %xor3A_914 : vector<16xi32>
      %broadcast_in_dim3A_916 = vector.shape_cast %xor3A_915 : vector<16xi32> to vector<16x1xi32>
      %gather3A_917 = vector.shape_cast %broadcast_in_dim3A_916 : vector<16x1xi32> to vector<16xi32>
      %gather3A_918 = tpu.dynamic_gather %add3A_912[%gather3A_917] in [0] : vector<16xf32>, vector<16xi32> -> vector<16xf32>
      %add3A_919 = arith.addf %add3A_912, %gather3A_918 : vector<16xf32>
      %xor3A_920 = arith.constant 4 : i32
      %xor3A_921 = vector.broadcast %xor3A_920 : i32 to vector<16xi32>
      %xor3A_922 = arith.xori %iota3A, %xor3A_921 : vector<16xi32>
      %broadcast_in_dim3A_923 = vector.shape_cast %xor3A_922 : vector<16xi32> to vector<16x1xi32>
      %gather3A_924 = vector.shape_cast %broadcast_in_dim3A_923 : vector<16x1xi32> to vector<16xi32>
      %gather3A_925 = tpu.dynamic_gather %add3A_919[%gather3A_924] in [0] : vector<16xf32>, vector<16xi32> -> vector<16xf32>
      %add3A_926 = arith.addf %add3A_919, %gather3A_925 : vector<16xf32>
      %xor3A_927 = arith.constant 8 : i32
      %xor3A_928 = vector.broadcast %xor3A_927 : i32 to vector<16xi32>
      %xor3A_929 = arith.xori %iota3A, %xor3A_928 : vector<16xi32>
      %broadcast_in_dim3A_930 = vector.shape_cast %xor3A_929 : vector<16xi32> to vector<16x1xi32>
      %gather3A_931 = vector.shape_cast %broadcast_in_dim3A_930 : vector<16x1xi32> to vector<16xi32>
      %gather3A_932 = tpu.dynamic_gather %add3A_926[%gather3A_931] in [0] : vector<16xf32>, vector<16xi32> -> vector<16xf32>
      %add3A_933 = arith.addf %add3A_926, %gather3A_932 : vector<16xf32>
      %slice3A_934 = vector.extract_strided_slice %get3A_40 {offsets = [3], sizes = [1], strides = [1]} : vector<16xf32> to vector<1xf32>
      %squeeze3A_935 = vector.extract %slice3A_934[0] : f32 from vector<1xf32>
      %add3A_936 = vector.broadcast %squeeze3A_935 : f32 to vector<16xf32>
      %add3A_937 = arith.addf %add3A_933, %add3A_936 : vector<16xf32>
      %eq3A_938 = arith.constant 7 : i32
      %eq3A_939 = vector.broadcast %eq3A_938 : i32 to vector<16xi32>
      %eq3A_940 = arith.cmpi eq, %iota3A, %eq3A_939 : vector<16xi32>
      %select_n3A_941 = arith.select %eq3A_940, %add3A_937, %select_n3A_905 : vector<16xi1>, vector<16xf32>
      %xor3A_942 = arith.constant 1 : i32
      %xor3A_943 = vector.broadcast %xor3A_942 : i32 to vector<16xi32>
      %xor3A_944 = arith.xori %iota3A, %xor3A_943 : vector<16xi32>
      %broadcast_in_dim3A_945 = vector.shape_cast %xor3A_944 : vector<16xi32> to vector<16x1xi32>
      %gather3A_946 = vector.shape_cast %broadcast_in_dim3A_945 : vector<16x1xi32> to vector<16xi32>
      %gather3A_947 = tpu.dynamic_gather %scan3A_70#24[%gather3A_946] in [0] : vector<16xf32>, vector<16xi32> -> vector<16xf32>
      %add3A_948 = arith.addf %scan3A_70#24, %gather3A_947 : vector<16xf32>
      %xor3A_949 = arith.constant 2 : i32
      %xor3A_950 = vector.broadcast %xor3A_949 : i32 to vector<16xi32>
      %xor3A_951 = arith.xori %iota3A, %xor3A_950 : vector<16xi32>
      %broadcast_in_dim3A_952 = vector.shape_cast %xor3A_951 : vector<16xi32> to vector<16x1xi32>
      %gather3A_953 = vector.shape_cast %broadcast_in_dim3A_952 : vector<16x1xi32> to vector<16xi32>
      %gather3A_954 = tpu.dynamic_gather %add3A_948[%gather3A_953] in [0] : vector<16xf32>, vector<16xi32> -> vector<16xf32>
      %add3A_955 = arith.addf %add3A_948, %gather3A_954 : vector<16xf32>
      %xor3A_956 = arith.constant 4 : i32
      %xor3A_957 = vector.broadcast %xor3A_956 : i32 to vector<16xi32>
      %xor3A_958 = arith.xori %iota3A, %xor3A_957 : vector<16xi32>
      %broadcast_in_dim3A_959 = vector.shape_cast %xor3A_958 : vector<16xi32> to vector<16x1xi32>
      %gather3A_960 = vector.shape_cast %broadcast_in_dim3A_959 : vector<16x1xi32> to vector<16xi32>
      %gather3A_961 = tpu.dynamic_gather %add3A_955[%gather3A_960] in [0] : vector<16xf32>, vector<16xi32> -> vector<16xf32>
      %add3A_962 = arith.addf %add3A_955, %gather3A_961 : vector<16xf32>
      %xor3A_963 = arith.constant 8 : i32
      %xor3A_964 = vector.broadcast %xor3A_963 : i32 to vector<16xi32>
      %xor3A_965 = arith.xori %iota3A, %xor3A_964 : vector<16xi32>
      %broadcast_in_dim3A_966 = vector.shape_cast %xor3A_965 : vector<16xi32> to vector<16x1xi32>
      %gather3A_967 = vector.shape_cast %broadcast_in_dim3A_966 : vector<16x1xi32> to vector<16xi32>
      %gather3A_968 = tpu.dynamic_gather %add3A_962[%gather3A_967] in [0] : vector<16xf32>, vector<16xi32> -> vector<16xf32>
      %add3A_969 = arith.addf %add3A_962, %gather3A_968 : vector<16xf32>
      %slice3A_970 = vector.extract_strided_slice %get3A_40 {offsets = [0], sizes = [1], strides = [1]} : vector<16xf32> to vector<1xf32>
      %squeeze3A_971 = vector.extract %slice3A_970[0] : f32 from vector<1xf32>
      %add3A_972 = vector.broadcast %squeeze3A_971 : f32 to vector<16xf32>
      %add3A_973 = arith.addf %add3A_969, %add3A_972 : vector<16xf32>
      %eq3A_974 = arith.constant 8 : i32
      %eq3A_975 = vector.broadcast %eq3A_974 : i32 to vector<16xi32>
      %eq3A_976 = arith.cmpi eq, %iota3A, %eq3A_975 : vector<16xi32>
      %select_n3A_977 = arith.select %eq3A_976, %add3A_973, %select_n3A_941 : vector<16xi1>, vector<16xf32>
      %xor3A_978 = arith.constant 1 : i32
      %xor3A_979 = vector.broadcast %xor3A_978 : i32 to vector<16xi32>
      %xor3A_980 = arith.xori %iota3A, %xor3A_979 : vector<16xi32>
      %broadcast_in_dim3A_981 = vector.shape_cast %xor3A_980 : vector<16xi32> to vector<16x1xi32>
      %gather3A_982 = vector.shape_cast %broadcast_in_dim3A_981 : vector<16x1xi32> to vector<16xi32>
      %gather3A_983 = tpu.dynamic_gather %scan3A_70#25[%gather3A_982] in [0] : vector<16xf32>, vector<16xi32> -> vector<16xf32>
      %add3A_984 = arith.addf %scan3A_70#25, %gather3A_983 : vector<16xf32>
      %xor3A_985 = arith.constant 2 : i32
      %xor3A_986 = vector.broadcast %xor3A_985 : i32 to vector<16xi32>
      %xor3A_987 = arith.xori %iota3A, %xor3A_986 : vector<16xi32>
      %broadcast_in_dim3A_988 = vector.shape_cast %xor3A_987 : vector<16xi32> to vector<16x1xi32>
      %gather3A_989 = vector.shape_cast %broadcast_in_dim3A_988 : vector<16x1xi32> to vector<16xi32>
      %gather3A_990 = tpu.dynamic_gather %add3A_984[%gather3A_989] in [0] : vector<16xf32>, vector<16xi32> -> vector<16xf32>
      %add3A_991 = arith.addf %add3A_984, %gather3A_990 : vector<16xf32>
      %xor3A_992 = arith.constant 4 : i32
      %xor3A_993 = vector.broadcast %xor3A_992 : i32 to vector<16xi32>
      %xor3A_994 = arith.xori %iota3A, %xor3A_993 : vector<16xi32>
      %broadcast_in_dim3A_995 = vector.shape_cast %xor3A_994 : vector<16xi32> to vector<16x1xi32>
      %gather3A_996 = vector.shape_cast %broadcast_in_dim3A_995 : vector<16x1xi32> to vector<16xi32>
      %gather3A_997 = tpu.dynamic_gather %add3A_991[%gather3A_996] in [0] : vector<16xf32>, vector<16xi32> -> vector<16xf32>
      %add3A_998 = arith.addf %add3A_991, %gather3A_997 : vector<16xf32>
      %xor3A_999 = arith.constant 8 : i32
      %xor3A_1000 = vector.broadcast %xor3A_999 : i32 to vector<16xi32>
      %xor3A_1001 = arith.xori %iota3A, %xor3A_1000 : vector<16xi32>
      %broadcast_in_dim3A_1002 = vector.shape_cast %xor3A_1001 : vector<16xi32> to vector<16x1xi32>
      %gather3A_1003 = vector.shape_cast %broadcast_in_dim3A_1002 : vector<16x1xi32> to vector<16xi32>
      %gather3A_1004 = tpu.dynamic_gather %add3A_998[%gather3A_1003] in [0] : vector<16xf32>, vector<16xi32> -> vector<16xf32>
      %add3A_1005 = arith.addf %add3A_998, %gather3A_1004 : vector<16xf32>
      %slice3A_1006 = vector.extract_strided_slice %get3A_40 {offsets = [1], sizes = [1], strides = [1]} : vector<16xf32> to vector<1xf32>
      %squeeze3A_1007 = vector.extract %slice3A_1006[0] : f32 from vector<1xf32>
      %add3A_1008 = vector.broadcast %squeeze3A_1007 : f32 to vector<16xf32>
      %add3A_1009 = arith.addf %add3A_1005, %add3A_1008 : vector<16xf32>
      %eq3A_1010 = arith.constant 9 : i32
      %eq3A_1011 = vector.broadcast %eq3A_1010 : i32 to vector<16xi32>
      %eq3A_1012 = arith.cmpi eq, %iota3A, %eq3A_1011 : vector<16xi32>
      %select_n3A_1013 = arith.select %eq3A_1012, %add3A_1009, %select_n3A_977 : vector<16xi1>, vector<16xf32>
      %xor3A_1014 = arith.constant 1 : i32
      %xor3A_1015 = vector.broadcast %xor3A_1014 : i32 to vector<16xi32>
      %xor3A_1016 = arith.xori %iota3A, %xor3A_1015 : vector<16xi32>
      %broadcast_in_dim3A_1017 = vector.shape_cast %xor3A_1016 : vector<16xi32> to vector<16x1xi32>
      %gather3A_1018 = vector.shape_cast %broadcast_in_dim3A_1017 : vector<16x1xi32> to vector<16xi32>
      %gather3A_1019 = tpu.dynamic_gather %scan3A_70#26[%gather3A_1018] in [0] : vector<16xf32>, vector<16xi32> -> vector<16xf32>
      %add3A_1020 = arith.addf %scan3A_70#26, %gather3A_1019 : vector<16xf32>
      %xor3A_1021 = arith.constant 2 : i32
      %xor3A_1022 = vector.broadcast %xor3A_1021 : i32 to vector<16xi32>
      %xor3A_1023 = arith.xori %iota3A, %xor3A_1022 : vector<16xi32>
      %broadcast_in_dim3A_1024 = vector.shape_cast %xor3A_1023 : vector<16xi32> to vector<16x1xi32>
      %gather3A_1025 = vector.shape_cast %broadcast_in_dim3A_1024 : vector<16x1xi32> to vector<16xi32>
      %gather3A_1026 = tpu.dynamic_gather %add3A_1020[%gather3A_1025] in [0] : vector<16xf32>, vector<16xi32> -> vector<16xf32>
      %add3A_1027 = arith.addf %add3A_1020, %gather3A_1026 : vector<16xf32>
      %xor3A_1028 = arith.constant 4 : i32
      %xor3A_1029 = vector.broadcast %xor3A_1028 : i32 to vector<16xi32>
      %xor3A_1030 = arith.xori %iota3A, %xor3A_1029 : vector<16xi32>
      %broadcast_in_dim3A_1031 = vector.shape_cast %xor3A_1030 : vector<16xi32> to vector<16x1xi32>
      %gather3A_1032 = vector.shape_cast %broadcast_in_dim3A_1031 : vector<16x1xi32> to vector<16xi32>
      %gather3A_1033 = tpu.dynamic_gather %add3A_1027[%gather3A_1032] in [0] : vector<16xf32>, vector<16xi32> -> vector<16xf32>
      %add3A_1034 = arith.addf %add3A_1027, %gather3A_1033 : vector<16xf32>
      %xor3A_1035 = arith.constant 8 : i32
      %xor3A_1036 = vector.broadcast %xor3A_1035 : i32 to vector<16xi32>
      %xor3A_1037 = arith.xori %iota3A, %xor3A_1036 : vector<16xi32>
      %broadcast_in_dim3A_1038 = vector.shape_cast %xor3A_1037 : vector<16xi32> to vector<16x1xi32>
      %gather3A_1039 = vector.shape_cast %broadcast_in_dim3A_1038 : vector<16x1xi32> to vector<16xi32>
      %gather3A_1040 = tpu.dynamic_gather %add3A_1034[%gather3A_1039] in [0] : vector<16xf32>, vector<16xi32> -> vector<16xf32>
      %add3A_1041 = arith.addf %add3A_1034, %gather3A_1040 : vector<16xf32>
      %slice3A_1042 = vector.extract_strided_slice %get3A_40 {offsets = [2], sizes = [1], strides = [1]} : vector<16xf32> to vector<1xf32>
      %squeeze3A_1043 = vector.extract %slice3A_1042[0] : f32 from vector<1xf32>
      %add3A_1044 = vector.broadcast %squeeze3A_1043 : f32 to vector<16xf32>
      %add3A_1045 = arith.addf %add3A_1041, %add3A_1044 : vector<16xf32>
      %eq3A_1046 = arith.constant 10 : i32
      %eq3A_1047 = vector.broadcast %eq3A_1046 : i32 to vector<16xi32>
      %eq3A_1048 = arith.cmpi eq, %iota3A, %eq3A_1047 : vector<16xi32>
      %select_n3A_1049 = arith.select %eq3A_1048, %add3A_1045, %select_n3A_1013 : vector<16xi1>, vector<16xf32>
      %xor3A_1050 = arith.constant 1 : i32
      %xor3A_1051 = vector.broadcast %xor3A_1050 : i32 to vector<16xi32>
      %xor3A_1052 = arith.xori %iota3A, %xor3A_1051 : vector<16xi32>
      %broadcast_in_dim3A_1053 = vector.shape_cast %xor3A_1052 : vector<16xi32> to vector<16x1xi32>
      %gather3A_1054 = vector.shape_cast %broadcast_in_dim3A_1053 : vector<16x1xi32> to vector<16xi32>
      %gather3A_1055 = tpu.dynamic_gather %scan3A_70#27[%gather3A_1054] in [0] : vector<16xf32>, vector<16xi32> -> vector<16xf32>
      %add3A_1056 = arith.addf %scan3A_70#27, %gather3A_1055 : vector<16xf32>
      %xor3A_1057 = arith.constant 2 : i32
      %xor3A_1058 = vector.broadcast %xor3A_1057 : i32 to vector<16xi32>
      %xor3A_1059 = arith.xori %iota3A, %xor3A_1058 : vector<16xi32>
      %broadcast_in_dim3A_1060 = vector.shape_cast %xor3A_1059 : vector<16xi32> to vector<16x1xi32>
      %gather3A_1061 = vector.shape_cast %broadcast_in_dim3A_1060 : vector<16x1xi32> to vector<16xi32>
      %gather3A_1062 = tpu.dynamic_gather %add3A_1056[%gather3A_1061] in [0] : vector<16xf32>, vector<16xi32> -> vector<16xf32>
      %add3A_1063 = arith.addf %add3A_1056, %gather3A_1062 : vector<16xf32>
      %xor3A_1064 = arith.constant 4 : i32
      %xor3A_1065 = vector.broadcast %xor3A_1064 : i32 to vector<16xi32>
      %xor3A_1066 = arith.xori %iota3A, %xor3A_1065 : vector<16xi32>
      %broadcast_in_dim3A_1067 = vector.shape_cast %xor3A_1066 : vector<16xi32> to vector<16x1xi32>
      %gather3A_1068 = vector.shape_cast %broadcast_in_dim3A_1067 : vector<16x1xi32> to vector<16xi32>
      %gather3A_1069 = tpu.dynamic_gather %add3A_1063[%gather3A_1068] in [0] : vector<16xf32>, vector<16xi32> -> vector<16xf32>
      %add3A_1070 = arith.addf %add3A_1063, %gather3A_1069 : vector<16xf32>
      %xor3A_1071 = arith.constant 8 : i32
      %xor3A_1072 = vector.broadcast %xor3A_1071 : i32 to vector<16xi32>
      %xor3A_1073 = arith.xori %iota3A, %xor3A_1072 : vector<16xi32>
      %broadcast_in_dim3A_1074 = vector.shape_cast %xor3A_1073 : vector<16xi32> to vector<16x1xi32>
      %gather3A_1075 = vector.shape_cast %broadcast_in_dim3A_1074 : vector<16x1xi32> to vector<16xi32>
      %gather3A_1076 = tpu.dynamic_gather %add3A_1070[%gather3A_1075] in [0] : vector<16xf32>, vector<16xi32> -> vector<16xf32>
      %add3A_1077 = arith.addf %add3A_1070, %gather3A_1076 : vector<16xf32>
      %slice3A_1078 = vector.extract_strided_slice %get3A_40 {offsets = [3], sizes = [1], strides = [1]} : vector<16xf32> to vector<1xf32>
      %squeeze3A_1079 = vector.extract %slice3A_1078[0] : f32 from vector<1xf32>
      %add3A_1080 = vector.broadcast %squeeze3A_1079 : f32 to vector<16xf32>
      %add3A_1081 = arith.addf %add3A_1077, %add3A_1080 : vector<16xf32>
      %eq3A_1082 = arith.constant 11 : i32
      %eq3A_1083 = vector.broadcast %eq3A_1082 : i32 to vector<16xi32>
      %eq3A_1084 = arith.cmpi eq, %iota3A, %eq3A_1083 : vector<16xi32>
      %select_n3A_1085 = arith.select %eq3A_1084, %add3A_1081, %select_n3A_1049 : vector<16xi1>, vector<16xf32>
      %xor3A_1086 = arith.constant 1 : i32
      %xor3A_1087 = vector.broadcast %xor3A_1086 : i32 to vector<16xi32>
      %xor3A_1088 = arith.xori %iota3A, %xor3A_1087 : vector<16xi32>
      %broadcast_in_dim3A_1089 = vector.shape_cast %xor3A_1088 : vector<16xi32> to vector<16x1xi32>
      %gather3A_1090 = vector.shape_cast %broadcast_in_dim3A_1089 : vector<16x1xi32> to vector<16xi32>
      %gather3A_1091 = tpu.dynamic_gather %scan3A_70#28[%gather3A_1090] in [0] : vector<16xf32>, vector<16xi32> -> vector<16xf32>
      %add3A_1092 = arith.addf %scan3A_70#28, %gather3A_1091 : vector<16xf32>
      %xor3A_1093 = arith.constant 2 : i32
      %xor3A_1094 = vector.broadcast %xor3A_1093 : i32 to vector<16xi32>
      %xor3A_1095 = arith.xori %iota3A, %xor3A_1094 : vector<16xi32>
      %broadcast_in_dim3A_1096 = vector.shape_cast %xor3A_1095 : vector<16xi32> to vector<16x1xi32>
      %gather3A_1097 = vector.shape_cast %broadcast_in_dim3A_1096 : vector<16x1xi32> to vector<16xi32>
      %gather3A_1098 = tpu.dynamic_gather %add3A_1092[%gather3A_1097] in [0] : vector<16xf32>, vector<16xi32> -> vector<16xf32>
      %add3A_1099 = arith.addf %add3A_1092, %gather3A_1098 : vector<16xf32>
      %xor3A_1100 = arith.constant 4 : i32
      %xor3A_1101 = vector.broadcast %xor3A_1100 : i32 to vector<16xi32>
      %xor3A_1102 = arith.xori %iota3A, %xor3A_1101 : vector<16xi32>
      %broadcast_in_dim3A_1103 = vector.shape_cast %xor3A_1102 : vector<16xi32> to vector<16x1xi32>
      %gather3A_1104 = vector.shape_cast %broadcast_in_dim3A_1103 : vector<16x1xi32> to vector<16xi32>
      %gather3A_1105 = tpu.dynamic_gather %add3A_1099[%gather3A_1104] in [0] : vector<16xf32>, vector<16xi32> -> vector<16xf32>
      %add3A_1106 = arith.addf %add3A_1099, %gather3A_1105 : vector<16xf32>
      %xor3A_1107 = arith.constant 8 : i32
      %xor3A_1108 = vector.broadcast %xor3A_1107 : i32 to vector<16xi32>
      %xor3A_1109 = arith.xori %iota3A, %xor3A_1108 : vector<16xi32>
      %broadcast_in_dim3A_1110 = vector.shape_cast %xor3A_1109 : vector<16xi32> to vector<16x1xi32>
      %gather3A_1111 = vector.shape_cast %broadcast_in_dim3A_1110 : vector<16x1xi32> to vector<16xi32>
      %gather3A_1112 = tpu.dynamic_gather %add3A_1106[%gather3A_1111] in [0] : vector<16xf32>, vector<16xi32> -> vector<16xf32>
      %add3A_1113 = arith.addf %add3A_1106, %gather3A_1112 : vector<16xf32>
      %slice3A_1114 = vector.extract_strided_slice %get3A_40 {offsets = [0], sizes = [1], strides = [1]} : vector<16xf32> to vector<1xf32>
      %squeeze3A_1115 = vector.extract %slice3A_1114[0] : f32 from vector<1xf32>
      %add3A_1116 = vector.broadcast %squeeze3A_1115 : f32 to vector<16xf32>
      %add3A_1117 = arith.addf %add3A_1113, %add3A_1116 : vector<16xf32>
      %eq3A_1118 = arith.constant 12 : i32
      %eq3A_1119 = vector.broadcast %eq3A_1118 : i32 to vector<16xi32>
      %eq3A_1120 = arith.cmpi eq, %iota3A, %eq3A_1119 : vector<16xi32>
      %select_n3A_1121 = arith.select %eq3A_1120, %add3A_1117, %select_n3A_1085 : vector<16xi1>, vector<16xf32>
      %xor3A_1122 = arith.constant 1 : i32
      %xor3A_1123 = vector.broadcast %xor3A_1122 : i32 to vector<16xi32>
      %xor3A_1124 = arith.xori %iota3A, %xor3A_1123 : vector<16xi32>
      %broadcast_in_dim3A_1125 = vector.shape_cast %xor3A_1124 : vector<16xi32> to vector<16x1xi32>
      %gather3A_1126 = vector.shape_cast %broadcast_in_dim3A_1125 : vector<16x1xi32> to vector<16xi32>
      %gather3A_1127 = tpu.dynamic_gather %scan3A_70#29[%gather3A_1126] in [0] : vector<16xf32>, vector<16xi32> -> vector<16xf32>
      %add3A_1128 = arith.addf %scan3A_70#29, %gather3A_1127 : vector<16xf32>
      %xor3A_1129 = arith.constant 2 : i32
      %xor3A_1130 = vector.broadcast %xor3A_1129 : i32 to vector<16xi32>
      %xor3A_1131 = arith.xori %iota3A, %xor3A_1130 : vector<16xi32>
      %broadcast_in_dim3A_1132 = vector.shape_cast %xor3A_1131 : vector<16xi32> to vector<16x1xi32>
      %gather3A_1133 = vector.shape_cast %broadcast_in_dim3A_1132 : vector<16x1xi32> to vector<16xi32>
      %gather3A_1134 = tpu.dynamic_gather %add3A_1128[%gather3A_1133] in [0] : vector<16xf32>, vector<16xi32> -> vector<16xf32>
      %add3A_1135 = arith.addf %add3A_1128, %gather3A_1134 : vector<16xf32>
      %xor3A_1136 = arith.constant 4 : i32
      %xor3A_1137 = vector.broadcast %xor3A_1136 : i32 to vector<16xi32>
      %xor3A_1138 = arith.xori %iota3A, %xor3A_1137 : vector<16xi32>
      %broadcast_in_dim3A_1139 = vector.shape_cast %xor3A_1138 : vector<16xi32> to vector<16x1xi32>
      %gather3A_1140 = vector.shape_cast %broadcast_in_dim3A_1139 : vector<16x1xi32> to vector<16xi32>
      %gather3A_1141 = tpu.dynamic_gather %add3A_1135[%gather3A_1140] in [0] : vector<16xf32>, vector<16xi32> -> vector<16xf32>
      %add3A_1142 = arith.addf %add3A_1135, %gather3A_1141 : vector<16xf32>
      %xor3A_1143 = arith.constant 8 : i32
      %xor3A_1144 = vector.broadcast %xor3A_1143 : i32 to vector<16xi32>
      %xor3A_1145 = arith.xori %iota3A, %xor3A_1144 : vector<16xi32>
      %broadcast_in_dim3A_1146 = vector.shape_cast %xor3A_1145 : vector<16xi32> to vector<16x1xi32>
      %gather3A_1147 = vector.shape_cast %broadcast_in_dim3A_1146 : vector<16x1xi32> to vector<16xi32>
      %gather3A_1148 = tpu.dynamic_gather %add3A_1142[%gather3A_1147] in [0] : vector<16xf32>, vector<16xi32> -> vector<16xf32>
      %add3A_1149 = arith.addf %add3A_1142, %gather3A_1148 : vector<16xf32>
      %slice3A_1150 = vector.extract_strided_slice %get3A_40 {offsets = [1], sizes = [1], strides = [1]} : vector<16xf32> to vector<1xf32>
      %squeeze3A_1151 = vector.extract %slice3A_1150[0] : f32 from vector<1xf32>
      %add3A_1152 = vector.broadcast %squeeze3A_1151 : f32 to vector<16xf32>
      %add3A_1153 = arith.addf %add3A_1149, %add3A_1152 : vector<16xf32>
      %eq3A_1154 = arith.constant 13 : i32
      %eq3A_1155 = vector.broadcast %eq3A_1154 : i32 to vector<16xi32>
      %eq3A_1156 = arith.cmpi eq, %iota3A, %eq3A_1155 : vector<16xi32>
      %select_n3A_1157 = arith.select %eq3A_1156, %add3A_1153, %select_n3A_1121 : vector<16xi1>, vector<16xf32>
      %xor3A_1158 = arith.constant 1 : i32
      %xor3A_1159 = vector.broadcast %xor3A_1158 : i32 to vector<16xi32>
      %xor3A_1160 = arith.xori %iota3A, %xor3A_1159 : vector<16xi32>
      %broadcast_in_dim3A_1161 = vector.shape_cast %xor3A_1160 : vector<16xi32> to vector<16x1xi32>
      %gather3A_1162 = vector.shape_cast %broadcast_in_dim3A_1161 : vector<16x1xi32> to vector<16xi32>
      %gather3A_1163 = tpu.dynamic_gather %scan3A_70#30[%gather3A_1162] in [0] : vector<16xf32>, vector<16xi32> -> vector<16xf32>
      %add3A_1164 = arith.addf %scan3A_70#30, %gather3A_1163 : vector<16xf32>
      %xor3A_1165 = arith.constant 2 : i32
      %xor3A_1166 = vector.broadcast %xor3A_1165 : i32 to vector<16xi32>
      %xor3A_1167 = arith.xori %iota3A, %xor3A_1166 : vector<16xi32>
      %broadcast_in_dim3A_1168 = vector.shape_cast %xor3A_1167 : vector<16xi32> to vector<16x1xi32>
      %gather3A_1169 = vector.shape_cast %broadcast_in_dim3A_1168 : vector<16x1xi32> to vector<16xi32>
      %gather3A_1170 = tpu.dynamic_gather %add3A_1164[%gather3A_1169] in [0] : vector<16xf32>, vector<16xi32> -> vector<16xf32>
      %add3A_1171 = arith.addf %add3A_1164, %gather3A_1170 : vector<16xf32>
      %xor3A_1172 = arith.constant 4 : i32
      %xor3A_1173 = vector.broadcast %xor3A_1172 : i32 to vector<16xi32>
      %xor3A_1174 = arith.xori %iota3A, %xor3A_1173 : vector<16xi32>
      %broadcast_in_dim3A_1175 = vector.shape_cast %xor3A_1174 : vector<16xi32> to vector<16x1xi32>
      %gather3A_1176 = vector.shape_cast %broadcast_in_dim3A_1175 : vector<16x1xi32> to vector<16xi32>
      %gather3A_1177 = tpu.dynamic_gather %add3A_1171[%gather3A_1176] in [0] : vector<16xf32>, vector<16xi32> -> vector<16xf32>
      %add3A_1178 = arith.addf %add3A_1171, %gather3A_1177 : vector<16xf32>
      %xor3A_1179 = arith.constant 8 : i32
      %xor3A_1180 = vector.broadcast %xor3A_1179 : i32 to vector<16xi32>
      %xor3A_1181 = arith.xori %iota3A, %xor3A_1180 : vector<16xi32>
      %broadcast_in_dim3A_1182 = vector.shape_cast %xor3A_1181 : vector<16xi32> to vector<16x1xi32>
      %gather3A_1183 = vector.shape_cast %broadcast_in_dim3A_1182 : vector<16x1xi32> to vector<16xi32>
      %gather3A_1184 = tpu.dynamic_gather %add3A_1178[%gather3A_1183] in [0] : vector<16xf32>, vector<16xi32> -> vector<16xf32>
      %add3A_1185 = arith.addf %add3A_1178, %gather3A_1184 : vector<16xf32>
      %slice3A_1186 = vector.extract_strided_slice %get3A_40 {offsets = [2], sizes = [1], strides = [1]} : vector<16xf32> to vector<1xf32>
      %squeeze3A_1187 = vector.extract %slice3A_1186[0] : f32 from vector<1xf32>
      %add3A_1188 = vector.broadcast %squeeze3A_1187 : f32 to vector<16xf32>
      %add3A_1189 = arith.addf %add3A_1185, %add3A_1188 : vector<16xf32>
      %eq3A_1190 = arith.constant 14 : i32
      %eq3A_1191 = vector.broadcast %eq3A_1190 : i32 to vector<16xi32>
      %eq3A_1192 = arith.cmpi eq, %iota3A, %eq3A_1191 : vector<16xi32>
      %select_n3A_1193 = arith.select %eq3A_1192, %add3A_1189, %select_n3A_1157 : vector<16xi1>, vector<16xf32>
      %xor3A_1194 = arith.constant 1 : i32
      %xor3A_1195 = vector.broadcast %xor3A_1194 : i32 to vector<16xi32>
      %xor3A_1196 = arith.xori %iota3A, %xor3A_1195 : vector<16xi32>
      %broadcast_in_dim3A_1197 = vector.shape_cast %xor3A_1196 : vector<16xi32> to vector<16x1xi32>
      %gather3A_1198 = vector.shape_cast %broadcast_in_dim3A_1197 : vector<16x1xi32> to vector<16xi32>
      %gather3A_1199 = tpu.dynamic_gather %scan3A_70#31[%gather3A_1198] in [0] : vector<16xf32>, vector<16xi32> -> vector<16xf32>
      %add3A_1200 = arith.addf %scan3A_70#31, %gather3A_1199 : vector<16xf32>
      %xor3A_1201 = arith.constant 2 : i32
      %xor3A_1202 = vector.broadcast %xor3A_1201 : i32 to vector<16xi32>
      %xor3A_1203 = arith.xori %iota3A, %xor3A_1202 : vector<16xi32>
      %broadcast_in_dim3A_1204 = vector.shape_cast %xor3A_1203 : vector<16xi32> to vector<16x1xi32>
      %gather3A_1205 = vector.shape_cast %broadcast_in_dim3A_1204 : vector<16x1xi32> to vector<16xi32>
      %gather3A_1206 = tpu.dynamic_gather %add3A_1200[%gather3A_1205] in [0] : vector<16xf32>, vector<16xi32> -> vector<16xf32>
      %add3A_1207 = arith.addf %add3A_1200, %gather3A_1206 : vector<16xf32>
      %xor3A_1208 = arith.constant 4 : i32
      %xor3A_1209 = vector.broadcast %xor3A_1208 : i32 to vector<16xi32>
      %xor3A_1210 = arith.xori %iota3A, %xor3A_1209 : vector<16xi32>
      %broadcast_in_dim3A_1211 = vector.shape_cast %xor3A_1210 : vector<16xi32> to vector<16x1xi32>
      %gather3A_1212 = vector.shape_cast %broadcast_in_dim3A_1211 : vector<16x1xi32> to vector<16xi32>
      %gather3A_1213 = tpu.dynamic_gather %add3A_1207[%gather3A_1212] in [0] : vector<16xf32>, vector<16xi32> -> vector<16xf32>
      %add3A_1214 = arith.addf %add3A_1207, %gather3A_1213 : vector<16xf32>
      %xor3A_1215 = arith.constant 8 : i32
      %xor3A_1216 = vector.broadcast %xor3A_1215 : i32 to vector<16xi32>
      %xor3A_1217 = arith.xori %iota3A, %xor3A_1216 : vector<16xi32>
      %broadcast_in_dim3A_1218 = vector.shape_cast %xor3A_1217 : vector<16xi32> to vector<16x1xi32>
      %gather3A_1219 = vector.shape_cast %broadcast_in_dim3A_1218 : vector<16x1xi32> to vector<16xi32>
      %gather3A_1220 = tpu.dynamic_gather %add3A_1214[%gather3A_1219] in [0] : vector<16xf32>, vector<16xi32> -> vector<16xf32>
      %add3A_1221 = arith.addf %add3A_1214, %gather3A_1220 : vector<16xf32>
      %slice3A_1222 = vector.extract_strided_slice %get3A_40 {offsets = [3], sizes = [1], strides = [1]} : vector<16xf32> to vector<1xf32>
      %squeeze3A_1223 = vector.extract %slice3A_1222[0] : f32 from vector<1xf32>
      %add3A_1224 = vector.broadcast %squeeze3A_1223 : f32 to vector<16xf32>
      %add3A_1225 = arith.addf %add3A_1221, %add3A_1224 : vector<16xf32>
      %eq3A_1226 = arith.constant 15 : i32
      %eq3A_1227 = vector.broadcast %eq3A_1226 : i32 to vector<16xi32>
      %eq3A_1228 = arith.cmpi eq, %iota3A, %eq3A_1227 : vector<16xi32>
      %select_n3A_1229 = arith.select %eq3A_1228, %add3A_1225, %select_n3A_1193 : vector<16xi1>, vector<16xf32>
      %mul3A_1230 = arith.constant 2 : i32
      %mul3A_1231 = arith.muli %add3A_44, %mul3A_1230 : i32
      %add3A_1232 = arith.constant 1 : i32
      %add3A_1233 = arith.addi %mul3A_1231, %add3A_1232 : i32
      %swap3A_1234 = arith.index_cast %add3A_1233 : i32 to index
      %swap3A_1235 = arith.constant 0 : index
      %swap3A_1236 = tpu.vector_load %arg8[%swap3A_1234, %swap3A_1235] {strides = array<i32>} : memref<16x16xf32, #tpu.memory_space<vmem>>, vector<1x16xf32>,
      %swap3A_1237 = vector.shape_cast %swap3A_1236 : vector<1x16xf32> to vector<16xf32>
      %swap3A_1238 = vector.shape_cast %select_n3A_1229 : vector<16xf32> to vector<1x16xf32>
      tpu.vector_store %arg8[%swap3A_1234, %swap3A_1235], %swap3A_1238 {strides = array<i32>} : memref<16x16xf32, #tpu.memory_space<vmem>>, vector<1x16xf32>,
      %mul3A_1239 = arith.constant 2 : i32
      %mul3A_1240 = arith.muli %scan3A_37, %mul3A_1239 : i32
      %add3A_1241 = arith.constant 1 : i32
      %add3A_1242 = arith.addi %mul3A_1240, %add3A_1241 : i32
      %mul3A_1243 = arith.constant 8 : i32
      %mul3A_1244 = arith.muli %add3A_1242, %mul3A_1243 : i32
      %add3A_1245 = arith.addi %multiple_of3A, %mul3A_1244 : i32
      %multiple_of3A_1246 = tpu.assume_multiple %add3A_1245, 8 : i32
      %dma_wait3A_1247 = arith.constant 1 : i32
      %dma_wait3A_1248 = arith.constant 0 : i32
      %dma_wait3A_1249 = arith.constant 0 : i32
      %dma_wait3A_1250 = tpu.memref_slice %arg6[%dma_wait3A_1247, %dma_wait3A_1248, %dma_wait3A_1249] : memref<2x8x4096xf32, #tpu.memory_space<vmem>> -> memref<1x8x4096xf32, #tpu.memory_space<vmem>>
      %dma_wait3A_1251 = tpu.memref_squeeze %dma_wait3A_1250 : memref<1x8x4096xf32, #tpu.memory_space<vmem>> -> memref<8x4096xf32, #tpu.memory_space<vmem>>
      %dma_wait3A_1252 = arith.constant 0 : i32
      %dma_wait3A_1253 = tpu.memref_slice %arg2[%multiple_of3A_1246, %dma_wait3A_1252] : memref<16384x4096xf32, #tpu.memory_space<hbm>> -> memref<8x4096xf32, #tpu.memory_space<hbm>>
      %dma_wait3A_1254 = arith.constant 0 : i32
      %dma_wait3A_1255 = arith.constant 0 : i32
      %dma_wait3A_1256 = tpu.memref_slice %arg6[%dma_wait3A_1247, %dma_wait3A_1254, %dma_wait3A_1255] : memref<2x8x4096xf32, #tpu.memory_space<vmem>> -> memref<1x8x4096xf32, #tpu.memory_space<vmem>>
      %dma_wait3A_1257 = tpu.memref_squeeze %dma_wait3A_1256 : memref<1x8x4096xf32, #tpu.memory_space<vmem>> -> memref<8x4096xf32, #tpu.memory_space<vmem>>
      %dma_wait3A_1258 = arith.constant 0 : i32
      %dma_wait3A_1259 = tpu.memref_slice %arg2[%multiple_of3A_1246, %dma_wait3A_1258] : memref<16384x4096xf32, #tpu.memory_space<hbm>> -> memref<8x4096xf32, #tpu.memory_space<hbm>>
      tpu.wait_dma2 semaphore(%arg11 : memref<!tpu.dma_semaphore, #tpu.memory_space<semaphore_mem>>) src(%dma_wait3A_1259 : memref<8x4096xf32, #tpu.memory_space<hbm>>) dst(%dma_wait3A_1257 : memref<8x4096xf32, #tpu.memory_space<vmem>>)
      %add3A_1260 = arith.constant 1 : i32
      %add3A_1261 = arith.addi %add3A_1242, %add3A_1260 : i32
      %lt3A_1262 = arith.constant 8 : i32
      %lt3A_1263 = arith.cmpi slt, %add3A_1261, %lt3A_1262 : i32
      %convert_element_type3A_1264 = arith.extui %lt3A_1263 : i1 to i32
      %cond3A_1265 = arith.constant 0 : i32
      %cond3A_1266 = arith.cmpi ne, %convert_element_type3A_1264, %cond3A_1265 : i32
      scf.if %cond3A_1266 {
        %add3A_2448 = arith.constant 1 : i32
        %add3A_2449 = arith.addi %add3A_1242, %add3A_2448 : i32
        %mul3A_2450 = arith.constant 8 : i32
        %mul3A_2451 = arith.muli %add3A_2449, %mul3A_2450 : i32
        %add3A_2452 = arith.addi %multiple_of3A, %mul3A_2451 : i32
        %multiple_of3A_2453 = tpu.assume_multiple %add3A_2452, 8 : i32
        %dma_start3A_2454 = arith.constant 0 : i32
        %dma_start3A_2455 = arith.constant 0 : i32
        %dma_start3A_2456 = arith.constant 0 : i32
        %dma_start3A_2457 = tpu.memref_slice %arg6[%dma_start3A_2454, %dma_start3A_2455, %dma_start3A_2456] : memref<2x8x4096xf32, #tpu.memory_space<vmem>> -> memref<1x8x4096xf32, #tpu.memory_space<vmem>>
        %dma_start3A_2458 = tpu.memref_squeeze %dma_start3A_2457 : memref<1x8x4096xf32, #tpu.memory_space<vmem>> -> memref<8x4096xf32, #tpu.memory_space<vmem>>
        %dma_start3A_2459 = arith.constant 0 : i32
        %dma_start3A_2460 = tpu.memref_slice %arg2[%multiple_of3A_2453, %dma_start3A_2459] : memref<16384x4096xf32, #tpu.memory_space<hbm>> -> memref<8x4096xf32, #tpu.memory_space<hbm>>
        %dma_start3A_2461 = arith.constant 0 : i32
        %dma_start3A_2462 = arith.constant 0 : i32
        %dma_start3A_2463 = tpu.memref_slice %arg6[%dma_start3A_2454, %dma_start3A_2461, %dma_start3A_2462] : memref<2x8x4096xf32, #tpu.memory_space<vmem>> -> memref<1x8x4096xf32, #tpu.memory_space<vmem>>
        %dma_start3A_2464 = tpu.memref_squeeze %dma_start3A_2463 : memref<1x8x4096xf32, #tpu.memory_space<vmem>> -> memref<8x4096xf32, #tpu.memory_space<vmem>>
        %dma_start3A_2465 = arith.constant 0 : i32
        %dma_start3A_2466 = tpu.memref_slice %arg2[%multiple_of3A_2453, %dma_start3A_2465] : memref<16384x4096xf32, #tpu.memory_space<hbm>> -> memref<8x4096xf32, #tpu.memory_space<hbm>>
        tpu.enqueue_dma source(%dma_start3A_2466 : memref<8x4096xf32, #tpu.memory_space<hbm>>) target(%dma_start3A_2464 : memref<8x4096xf32, #tpu.memory_space<vmem>>) target_semaphore(%arg10 : memref<!tpu.dma_semaphore, #tpu.memory_space<semaphore_mem>>)
      } else {
      }
      %scan3A_1267 = arith.constant 0 : i32
      %scan3A_1268 = arith.constant 256 : i32
      %scan3A_1269 = arith.addi %scan3A_1267, %scan3A_1268 : i32
      %scan3A_1270 = arith.constant 1 : i32
      %scan3A_1271:32 = scf.for %scan3A_2448 = %scan3A_1267 to %scan3A_1269 step %scan3A_1270 iter_args(%scan3A_2449 = %broadcast_in_dim3A_23, %scan3A_2450 = %broadcast_in_dim3A_23, %scan3A_2451 = %broadcast_in_dim3A_23, %scan3A_2452 = %broadcast_in_dim3A_23, %scan3A_2453 = %broadcast_in_dim3A_23, %scan3A_2454 = %broadcast_in_dim3A_23, %scan3A_2455 = %broadcast_in_dim3A_23, %scan3A_2456 = %broadcast_in_dim3A_23, %scan3A_2457 = %broadcast_in_dim3A_23, %scan3A_2458 = %broadcast_in_dim3A_23, %scan3A_2459 = %broadcast_in_dim3A_23, %scan3A_2460 = %broadcast_in_dim3A_23, %scan3A_2461 = %broadcast_in_dim3A_23, %scan3A_2462 = %broadcast_in_dim3A_23, %scan3A_2463 = %broadcast_in_dim3A_23, %scan3A_2464 = %broadcast_in_dim3A_23, %scan3A_2465 = %broadcast_in_dim3A_23, %scan3A_2466 = %broadcast_in_dim3A_23, %scan3A_2467 = %broadcast_in_dim3A_23, %scan3A_2468 = %broadcast_in_dim3A_23, %scan3A_2469 = %broadcast_in_dim3A_23, %scan3A_2470 = %broadcast_in_dim3A_23, %scan3A_2471 = %broadcast_in_dim3A_23, %scan3A_2472 = %broadcast_in_dim3A_23, %scan3A_2473 = %broadcast_in_dim3A_23, %scan3A_2474 = %broadcast_in_dim3A_23, %scan3A_2475 = %broadcast_in_dim3A_23, %scan3A_2476 = %broadcast_in_dim3A_23, %scan3A_2477 = %broadcast_in_dim3A_23, %scan3A_2478 = %broadcast_in_dim3A_23, %scan3A_2479 = %broadcast_in_dim3A_23, %scan3A_2480 = %broadcast_in_dim3A_23) -> (vector<16xf32>, vector<16xf32>, vector<16xf32>, vector<16xf32>, vector<16xf32>, vector<16xf32>, vector<16xf32>, vector<16xf32>, vector<16xf32>, vector<16xf32>, vector<16xf32>, vector<16xf32>, vector<16xf32>, vector<16xf32>, vector<16xf32>, vector<16xf32>, vector<16xf32>, vector<16xf32>, vector<16xf32>, vector<16xf32>, vector<16xf32>, vector<16xf32>, vector<16xf32>, vector<16xf32>, vector<16xf32>, vector<16xf32>, vector<16xf32>, vector<16xf32>, vector<16xf32>, vector<16xf32>, vector<16xf32>, vector<16xf32>)  : i32 {
        %mul3A_2481 = arith.constant 16 : i32
        %mul3A_2482 = arith.muli %scan3A_2448, %mul3A_2481 : i32
        %get3A_2483 = arith.constant 0 : i32
        %get3A_2484 = arith.index_cast %get3A_2483 : i32 to index
        %get3A_2485 = arith.index_cast %mul3A_2482 : i32 to index
        %get3A_2486 = tpu.vector_load %arg7[%get3A_2484, %get3A_2485] {strides = array<i32>} : memref<4x4096xf32, #tpu.memory_space<vmem>>, vector<1x16xf32>,
        %get3A_2487 = vector.shape_cast %get3A_2486 : vector<1x16xf32> to vector<16xf32>
        %get3A_2488 = arith.constant 1 : i32
        %get3A_2489 = arith.index_cast %get3A_2488 : i32 to index
        %get3A_2490 = arith.index_cast %mul3A_2482 : i32 to index
        %get3A_2491 = tpu.vector_load %arg7[%get3A_2489, %get3A_2490] {strides = array<i32>} : memref<4x4096xf32, #tpu.memory_space<vmem>>, vector<1x16xf32>,
        %get3A_2492 = vector.shape_cast %get3A_2491 : vector<1x16xf32> to vector<16xf32>
        %get3A_2493 = arith.constant 2 : i32
        %get3A_2494 = arith.index_cast %get3A_2493 : i32 to index
        %get3A_2495 = arith.index_cast %mul3A_2482 : i32 to index
        %get3A_2496 = tpu.vector_load %arg7[%get3A_2494, %get3A_2495] {strides = array<i32>} : memref<4x4096xf32, #tpu.memory_space<vmem>>, vector<1x16xf32>,
        %get3A_2497 = vector.shape_cast %get3A_2496 : vector<1x16xf32> to vector<16xf32>
        %get3A_2498 = arith.constant 3 : i32
        %get3A_2499 = arith.index_cast %get3A_2498 : i32 to index
        %get3A_2500 = arith.index_cast %mul3A_2482 : i32 to index
        %get3A_2501 = tpu.vector_load %arg7[%get3A_2499, %get3A_2500] {strides = array<i32>} : memref<4x4096xf32, #tpu.memory_space<vmem>>, vector<1x16xf32>,
        %get3A_2502 = vector.shape_cast %get3A_2501 : vector<1x16xf32> to vector<16xf32>
        %get3A_2503 = arith.constant 1 : i32
        %get3A_2504 = arith.constant 0 : i32
        %get3A_2505 = arith.index_cast %get3A_2503 : i32 to index
        %get3A_2506 = arith.index_cast %get3A_2504 : i32 to index
        %get3A_2507 = arith.index_cast %mul3A_2482 : i32 to index
        %get3A_2508 = tpu.vector_load %arg6[%get3A_2505, %get3A_2506, %get3A_2507] {strides = array<i32>} : memref<2x8x4096xf32, #tpu.memory_space<vmem>>, vector<1x1x16xf32>,
        %get3A_2509 = vector.shape_cast %get3A_2508 : vector<1x1x16xf32> to vector<16xf32>
        %mul3A_2510 = arith.mulf %get3A_2509, %get3A_2487 : vector<16xf32>
        %add3A_2511 = arith.addf %scan3A_2449, %mul3A_2510 : vector<16xf32>
        %mul3A_2512 = arith.mulf %get3A_2509, %get3A_2492 : vector<16xf32>
        %add3A_2513 = arith.addf %scan3A_2450, %mul3A_2512 : vector<16xf32>
        %mul3A_2514 = arith.mulf %get3A_2509, %get3A_2497 : vector<16xf32>
        %add3A_2515 = arith.addf %scan3A_2451, %mul3A_2514 : vector<16xf32>
        %mul3A_2516 = arith.mulf %get3A_2509, %get3A_2502 : vector<16xf32>
        %add3A_2517 = arith.addf %scan3A_2452, %mul3A_2516 : vector<16xf32>
        %get3A_2518 = arith.constant 1 : i32
        %get3A_2519 = arith.constant 1 : i32
        %get3A_2520 = arith.index_cast %get3A_2518 : i32 to index
        %get3A_2521 = arith.index_cast %get3A_2519 : i32 to index
        %get3A_2522 = arith.index_cast %mul3A_2482 : i32 to index
        %get3A_2523 = tpu.vector_load %arg6[%get3A_2520, %get3A_2521, %get3A_2522] {strides = array<i32>} : memref<2x8x4096xf32, #tpu.memory_space<vmem>>, vector<1x1x16xf32>,
        %get3A_2524 = vector.shape_cast %get3A_2523 : vector<1x1x16xf32> to vector<16xf32>
        %mul3A_2525 = arith.mulf %get3A_2524, %get3A_2487 : vector<16xf32>
        %add3A_2526 = arith.addf %scan3A_2453, %mul3A_2525 : vector<16xf32>
        %mul3A_2527 = arith.mulf %get3A_2524, %get3A_2492 : vector<16xf32>
        %add3A_2528 = arith.addf %scan3A_2454, %mul3A_2527 : vector<16xf32>
        %mul3A_2529 = arith.mulf %get3A_2524, %get3A_2497 : vector<16xf32>
        %add3A_2530 = arith.addf %scan3A_2455, %mul3A_2529 : vector<16xf32>
        %mul3A_2531 = arith.mulf %get3A_2524, %get3A_2502 : vector<16xf32>
        %add3A_2532 = arith.addf %scan3A_2456, %mul3A_2531 : vector<16xf32>
        %get3A_2533 = arith.constant 1 : i32
        %get3A_2534 = arith.constant 2 : i32
        %get3A_2535 = arith.index_cast %get3A_2533 : i32 to index
        %get3A_2536 = arith.index_cast %get3A_2534 : i32 to index
        %get3A_2537 = arith.index_cast %mul3A_2482 : i32 to index
        %get3A_2538 = tpu.vector_load %arg6[%get3A_2535, %get3A_2536, %get3A_2537] {strides = array<i32>} : memref<2x8x4096xf32, #tpu.memory_space<vmem>>, vector<1x1x16xf32>,
        %get3A_2539 = vector.shape_cast %get3A_2538 : vector<1x1x16xf32> to vector<16xf32>
        %mul3A_2540 = arith.mulf %get3A_2539, %get3A_2487 : vector<16xf32>
        %add3A_2541 = arith.addf %scan3A_2457, %mul3A_2540 : vector<16xf32>
        %mul3A_2542 = arith.mulf %get3A_2539, %get3A_2492 : vector<16xf32>
        %add3A_2543 = arith.addf %scan3A_2458, %mul3A_2542 : vector<16xf32>
        %mul3A_2544 = arith.mulf %get3A_2539, %get3A_2497 : vector<16xf32>
        %add3A_2545 = arith.addf %scan3A_2459, %mul3A_2544 : vector<16xf32>
        %mul3A_2546 = arith.mulf %get3A_2539, %get3A_2502 : vector<16xf32>
        %add3A_2547 = arith.addf %scan3A_2460, %mul3A_2546 : vector<16xf32>
        %get3A_2548 = arith.constant 1 : i32
        %get3A_2549 = arith.constant 3 : i32
        %get3A_2550 = arith.index_cast %get3A_2548 : i32 to index
        %get3A_2551 = arith.index_cast %get3A_2549 : i32 to index
        %get3A_2552 = arith.index_cast %mul3A_2482 : i32 to index
        %get3A_2553 = tpu.vector_load %arg6[%get3A_2550, %get3A_2551, %get3A_2552] {strides = array<i32>} : memref<2x8x4096xf32, #tpu.memory_space<vmem>>, vector<1x1x16xf32>,
        %get3A_2554 = vector.shape_cast %get3A_2553 : vector<1x1x16xf32> to vector<16xf32>
        %mul3A_2555 = arith.mulf %get3A_2554, %get3A_2487 : vector<16xf32>
        %add3A_2556 = arith.addf %scan3A_2461, %mul3A_2555 : vector<16xf32>
        %mul3A_2557 = arith.mulf %get3A_2554, %get3A_2492 : vector<16xf32>
        %add3A_2558 = arith.addf %scan3A_2462, %mul3A_2557 : vector<16xf32>
        %mul3A_2559 = arith.mulf %get3A_2554, %get3A_2497 : vector<16xf32>
        %add3A_2560 = arith.addf %scan3A_2463, %mul3A_2559 : vector<16xf32>
        %mul3A_2561 = arith.mulf %get3A_2554, %get3A_2502 : vector<16xf32>
        %add3A_2562 = arith.addf %scan3A_2464, %mul3A_2561 : vector<16xf32>
        %get3A_2563 = arith.constant 1 : i32
        %get3A_2564 = arith.constant 4 : i32
        %get3A_2565 = arith.index_cast %get3A_2563 : i32 to index
        %get3A_2566 = arith.index_cast %get3A_2564 : i32 to index
        %get3A_2567 = arith.index_cast %mul3A_2482 : i32 to index
        %get3A_2568 = tpu.vector_load %arg6[%get3A_2565, %get3A_2566, %get3A_2567] {strides = array<i32>} : memref<2x8x4096xf32, #tpu.memory_space<vmem>>, vector<1x1x16xf32>,
        %get3A_2569 = vector.shape_cast %get3A_2568 : vector<1x1x16xf32> to vector<16xf32>
        %mul3A_2570 = arith.mulf %get3A_2569, %get3A_2487 : vector<16xf32>
        %add3A_2571 = arith.addf %scan3A_2465, %mul3A_2570 : vector<16xf32>
        %mul3A_2572 = arith.mulf %get3A_2569, %get3A_2492 : vector<16xf32>
        %add3A_2573 = arith.addf %scan3A_2466, %mul3A_2572 : vector<16xf32>
        %mul3A_2574 = arith.mulf %get3A_2569, %get3A_2497 : vector<16xf32>
        %add3A_2575 = arith.addf %scan3A_2467, %mul3A_2574 : vector<16xf32>
        %mul3A_2576 = arith.mulf %get3A_2569, %get3A_2502 : vector<16xf32>
        %add3A_2577 = arith.addf %scan3A_2468, %mul3A_2576 : vector<16xf32>
        %get3A_2578 = arith.constant 1 : i32
        %get3A_2579 = arith.constant 5 : i32
        %get3A_2580 = arith.index_cast %get3A_2578 : i32 to index
        %get3A_2581 = arith.index_cast %get3A_2579 : i32 to index
        %get3A_2582 = arith.index_cast %mul3A_2482 : i32 to index
        %get3A_2583 = tpu.vector_load %arg6[%get3A_2580, %get3A_2581, %get3A_2582] {strides = array<i32>} : memref<2x8x4096xf32, #tpu.memory_space<vmem>>, vector<1x1x16xf32>,
        %get3A_2584 = vector.shape_cast %get3A_2583 : vector<1x1x16xf32> to vector<16xf32>
        %mul3A_2585 = arith.mulf %get3A_2584, %get3A_2487 : vector<16xf32>
        %add3A_2586 = arith.addf %scan3A_2469, %mul3A_2585 : vector<16xf32>
        %mul3A_2587 = arith.mulf %get3A_2584, %get3A_2492 : vector<16xf32>
        %add3A_2588 = arith.addf %scan3A_2470, %mul3A_2587 : vector<16xf32>
        %mul3A_2589 = arith.mulf %get3A_2584, %get3A_2497 : vector<16xf32>
        %add3A_2590 = arith.addf %scan3A_2471, %mul3A_2589 : vector<16xf32>
        %mul3A_2591 = arith.mulf %get3A_2584, %get3A_2502 : vector<16xf32>
        %add3A_2592 = arith.addf %scan3A_2472, %mul3A_2591 : vector<16xf32>
        %get3A_2593 = arith.constant 1 : i32
        %get3A_2594 = arith.constant 6 : i32
        %get3A_2595 = arith.index_cast %get3A_2593 : i32 to index
        %get3A_2596 = arith.index_cast %get3A_2594 : i32 to index
        %get3A_2597 = arith.index_cast %mul3A_2482 : i32 to index
        %get3A_2598 = tpu.vector_load %arg6[%get3A_2595, %get3A_2596, %get3A_2597] {strides = array<i32>} : memref<2x8x4096xf32, #tpu.memory_space<vmem>>, vector<1x1x16xf32>,
        %get3A_2599 = vector.shape_cast %get3A_2598 : vector<1x1x16xf32> to vector<16xf32>
        %mul3A_2600 = arith.mulf %get3A_2599, %get3A_2487 : vector<16xf32>
        %add3A_2601 = arith.addf %scan3A_2473, %mul3A_2600 : vector<16xf32>
        %mul3A_2602 = arith.mulf %get3A_2599, %get3A_2492 : vector<16xf32>
        %add3A_2603 = arith.addf %scan3A_2474, %mul3A_2602 : vector<16xf32>
        %mul3A_2604 = arith.mulf %get3A_2599, %get3A_2497 : vector<16xf32>
        %add3A_2605 = arith.addf %scan3A_2475, %mul3A_2604 : vector<16xf32>
        %mul3A_2606 = arith.mulf %get3A_2599, %get3A_2502 : vector<16xf32>
        %add3A_2607 = arith.addf %scan3A_2476, %mul3A_2606 : vector<16xf32>
        %get3A_2608 = arith.constant 1 : i32
        %get3A_2609 = arith.constant 7 : i32
        %get3A_2610 = arith.index_cast %get3A_2608 : i32 to index
        %get3A_2611 = arith.index_cast %get3A_2609 : i32 to index
        %get3A_2612 = arith.index_cast %mul3A_2482 : i32 to index
        %get3A_2613 = tpu.vector_load %arg6[%get3A_2610, %get3A_2611, %get3A_2612] {strides = array<i32>} : memref<2x8x4096xf32, #tpu.memory_space<vmem>>, vector<1x1x16xf32>,
        %get3A_2614 = vector.shape_cast %get3A_2613 : vector<1x1x16xf32> to vector<16xf32>
        %mul3A_2615 = arith.mulf %get3A_2614, %get3A_2487 : vector<16xf32>
        %add3A_2616 = arith.addf %scan3A_2477, %mul3A_2615 : vector<16xf32>
        %mul3A_2617 = arith.mulf %get3A_2614, %get3A_2492 : vector<16xf32>
        %add3A_2618 = arith.addf %scan3A_2478, %mul3A_2617 : vector<16xf32>
        %mul3A_2619 = arith.mulf %get3A_2614, %get3A_2497 : vector<16xf32>
        %add3A_2620 = arith.addf %scan3A_2479, %mul3A_2619 : vector<16xf32>
        %mul3A_2621 = arith.mulf %get3A_2614, %get3A_2502 : vector<16xf32>
        %add3A_2622 = arith.addf %scan3A_2480, %mul3A_2621 : vector<16xf32>
        scf.yield %add3A_2511, %add3A_2513, %add3A_2515, %add3A_2517, %add3A_2526, %add3A_2528, %add3A_2530, %add3A_2532, %add3A_2541, %add3A_2543, %add3A_2545, %add3A_2547, %add3A_2556, %add3A_2558, %add3A_2560, %add3A_2562, %add3A_2571, %add3A_2573, %add3A_2575, %add3A_2577, %add3A_2586, %add3A_2588, %add3A_2590, %add3A_2592, %add3A_2601, %add3A_2603, %add3A_2605, %add3A_2607, %add3A_2616, %add3A_2618, %add3A_2620, %add3A_2622 : vector<16xf32>, vector<16xf32>, vector<16xf32>, vector<16xf32>, vector<16xf32>, vector<16xf32>, vector<16xf32>, vector<16xf32>, vector<16xf32>, vector<16xf32>, vector<16xf32>, vector<16xf32>, vector<16xf32>, vector<16xf32>, vector<16xf32>, vector<16xf32>, vector<16xf32>, vector<16xf32>, vector<16xf32>, vector<16xf32>, vector<16xf32>, vector<16xf32>, vector<16xf32>, vector<16xf32>, vector<16xf32>, vector<16xf32>, vector<16xf32>, vector<16xf32>, vector<16xf32>, vector<16xf32>, vector<16xf32>, vector<16xf32>
      }
      %scan3A_1272 = arith.constant 256 : i32
      %broadcast_in_dim3A_1273 = arith.constant 0.000000e+00 : f32
      %broadcast_in_dim3A_1274 = vector.broadcast %broadcast_in_dim3A_1273 : f32 to vector<16xf32>
      %xor3A_1275 = arith.constant 1 : i32
      %xor3A_1276 = vector.broadcast %xor3A_1275 : i32 to vector<16xi32>
      %xor3A_1277 = arith.xori %iota3A, %xor3A_1276 : vector<16xi32>
      %broadcast_in_dim3A_1278 = vector.shape_cast %xor3A_1277 : vector<16xi32> to vector<16x1xi32>
      %gather3A_1279 = vector.shape_cast %broadcast_in_dim3A_1278 : vector<16x1xi32> to vector<16xi32>
      %gather3A_1280 = tpu.dynamic_gather %scan3A_1271#0[%gather3A_1279] in [0] : vector<16xf32>, vector<16xi32> -> vector<16xf32>
      %add3A_1281 = arith.addf %scan3A_1271#0, %gather3A_1280 : vector<16xf32>
      %xor3A_1282 = arith.constant 2 : i32
      %xor3A_1283 = vector.broadcast %xor3A_1282 : i32 to vector<16xi32>
      %xor3A_1284 = arith.xori %iota3A, %xor3A_1283 : vector<16xi32>
      %broadcast_in_dim3A_1285 = vector.shape_cast %xor3A_1284 : vector<16xi32> to vector<16x1xi32>
      %gather3A_1286 = vector.shape_cast %broadcast_in_dim3A_1285 : vector<16x1xi32> to vector<16xi32>
      %gather3A_1287 = tpu.dynamic_gather %add3A_1281[%gather3A_1286] in [0] : vector<16xf32>, vector<16xi32> -> vector<16xf32>
      %add3A_1288 = arith.addf %add3A_1281, %gather3A_1287 : vector<16xf32>
      %xor3A_1289 = arith.constant 4 : i32
      %xor3A_1290 = vector.broadcast %xor3A_1289 : i32 to vector<16xi32>
      %xor3A_1291 = arith.xori %iota3A, %xor3A_1290 : vector<16xi32>
      %broadcast_in_dim3A_1292 = vector.shape_cast %xor3A_1291 : vector<16xi32> to vector<16x1xi32>
      %gather3A_1293 = vector.shape_cast %broadcast_in_dim3A_1292 : vector<16x1xi32> to vector<16xi32>
      %gather3A_1294 = tpu.dynamic_gather %add3A_1288[%gather3A_1293] in [0] : vector<16xf32>, vector<16xi32> -> vector<16xf32>
      %add3A_1295 = arith.addf %add3A_1288, %gather3A_1294 : vector<16xf32>
      %xor3A_1296 = arith.constant 8 : i32
      %xor3A_1297 = vector.broadcast %xor3A_1296 : i32 to vector<16xi32>
      %xor3A_1298 = arith.xori %iota3A, %xor3A_1297 : vector<16xi32>
      %broadcast_in_dim3A_1299 = vector.shape_cast %xor3A_1298 : vector<16xi32> to vector<16x1xi32>
      %gather3A_1300 = vector.shape_cast %broadcast_in_dim3A_1299 : vector<16x1xi32> to vector<16xi32>
      %gather3A_1301 = tpu.dynamic_gather %add3A_1295[%gather3A_1300] in [0] : vector<16xf32>, vector<16xi32> -> vector<16xf32>
      %add3A_1302 = arith.addf %add3A_1295, %gather3A_1301 : vector<16xf32>
      %slice3A_1303 = vector.extract_strided_slice %get3A_40 {offsets = [0], sizes = [1], strides = [1]} : vector<16xf32> to vector<1xf32>
      %squeeze3A_1304 = vector.extract %slice3A_1303[0] : f32 from vector<1xf32>
      %add3A_1305 = vector.broadcast %squeeze3A_1304 : f32 to vector<16xf32>
      %add3A_1306 = arith.addf %add3A_1302, %add3A_1305 : vector<16xf32>
      %eq3A_1307 = arith.constant 0 : i32
      %eq3A_1308 = vector.broadcast %eq3A_1307 : i32 to vector<16xi32>
      %eq3A_1309 = arith.cmpi eq, %iota3A, %eq3A_1308 : vector<16xi32>
      %select_n3A_1310 = arith.select %eq3A_1309, %add3A_1306, %broadcast_in_dim3A_1274 : vector<16xi1>, vector<16xf32>
      %xor3A_1311 = arith.constant 1 : i32
      %xor3A_1312 = vector.broadcast %xor3A_1311 : i32 to vector<16xi32>
      %xor3A_1313 = arith.xori %iota3A, %xor3A_1312 : vector<16xi32>
      %broadcast_in_dim3A_1314 = vector.shape_cast %xor3A_1313 : vector<16xi32> to vector<16x1xi32>
      %gather3A_1315 = vector.shape_cast %broadcast_in_dim3A_1314 : vector<16x1xi32> to vector<16xi32>
      %gather3A_1316 = tpu.dynamic_gather %scan3A_1271#1[%gather3A_1315] in [0] : vector<16xf32>, vector<16xi32> -> vector<16xf32>
      %add3A_1317 = arith.addf %scan3A_1271#1, %gather3A_1316 : vector<16xf32>
      %xor3A_1318 = arith.constant 2 : i32
      %xor3A_1319 = vector.broadcast %xor3A_1318 : i32 to vector<16xi32>
      %xor3A_1320 = arith.xori %iota3A, %xor3A_1319 : vector<16xi32>
      %broadcast_in_dim3A_1321 = vector.shape_cast %xor3A_1320 : vector<16xi32> to vector<16x1xi32>
      %gather3A_1322 = vector.shape_cast %broadcast_in_dim3A_1321 : vector<16x1xi32> to vector<16xi32>
      %gather3A_1323 = tpu.dynamic_gather %add3A_1317[%gather3A_1322] in [0] : vector<16xf32>, vector<16xi32> -> vector<16xf32>
      %add3A_1324 = arith.addf %add3A_1317, %gather3A_1323 : vector<16xf32>
      %xor3A_1325 = arith.constant 4 : i32
      %xor3A_1326 = vector.broadcast %xor3A_1325 : i32 to vector<16xi32>
      %xor3A_1327 = arith.xori %iota3A, %xor3A_1326 : vector<16xi32>
      %broadcast_in_dim3A_1328 = vector.shape_cast %xor3A_1327 : vector<16xi32> to vector<16x1xi32>
      %gather3A_1329 = vector.shape_cast %broadcast_in_dim3A_1328 : vector<16x1xi32> to vector<16xi32>
      %gather3A_1330 = tpu.dynamic_gather %add3A_1324[%gather3A_1329] in [0] : vector<16xf32>, vector<16xi32> -> vector<16xf32>
      %add3A_1331 = arith.addf %add3A_1324, %gather3A_1330 : vector<16xf32>
      %xor3A_1332 = arith.constant 8 : i32
      %xor3A_1333 = vector.broadcast %xor3A_1332 : i32 to vector<16xi32>
      %xor3A_1334 = arith.xori %iota3A, %xor3A_1333 : vector<16xi32>
      %broadcast_in_dim3A_1335 = vector.shape_cast %xor3A_1334 : vector<16xi32> to vector<16x1xi32>
      %gather3A_1336 = vector.shape_cast %broadcast_in_dim3A_1335 : vector<16x1xi32> to vector<16xi32>
      %gather3A_1337 = tpu.dynamic_gather %add3A_1331[%gather3A_1336] in [0] : vector<16xf32>, vector<16xi32> -> vector<16xf32>
      %add3A_1338 = arith.addf %add3A_1331, %gather3A_1337 : vector<16xf32>
      %slice3A_1339 = vector.extract_strided_slice %get3A_40 {offsets = [1], sizes = [1], strides = [1]} : vector<16xf32> to vector<1xf32>
      %squeeze3A_1340 = vector.extract %slice3A_1339[0] : f32 from vector<1xf32>
      %add3A_1341 = vector.broadcast %squeeze3A_1340 : f32 to vector<16xf32>
      %add3A_1342 = arith.addf %add3A_1338, %add3A_1341 : vector<16xf32>
      %eq3A_1343 = arith.constant 1 : i32
      %eq3A_1344 = vector.broadcast %eq3A_1343 : i32 to vector<16xi32>
      %eq3A_1345 = arith.cmpi eq, %iota3A, %eq3A_1344 : vector<16xi32>
      %select_n3A_1346 = arith.select %eq3A_1345, %add3A_1342, %select_n3A_1310 : vector<16xi1>, vector<16xf32>
      %xor3A_1347 = arith.constant 1 : i32
      %xor3A_1348 = vector.broadcast %xor3A_1347 : i32 to vector<16xi32>
      %xor3A_1349 = arith.xori %iota3A, %xor3A_1348 : vector<16xi32>
      %broadcast_in_dim3A_1350 = vector.shape_cast %xor3A_1349 : vector<16xi32> to vector<16x1xi32>
      %gather3A_1351 = vector.shape_cast %broadcast_in_dim3A_1350 : vector<16x1xi32> to vector<16xi32>
      %gather3A_1352 = tpu.dynamic_gather %scan3A_1271#2[%gather3A_1351] in [0] : vector<16xf32>, vector<16xi32> -> vector<16xf32>
      %add3A_1353 = arith.addf %scan3A_1271#2, %gather3A_1352 : vector<16xf32>
      %xor3A_1354 = arith.constant 2 : i32
      %xor3A_1355 = vector.broadcast %xor3A_1354 : i32 to vector<16xi32>
      %xor3A_1356 = arith.xori %iota3A, %xor3A_1355 : vector<16xi32>
      %broadcast_in_dim3A_1357 = vector.shape_cast %xor3A_1356 : vector<16xi32> to vector<16x1xi32>
      %gather3A_1358 = vector.shape_cast %broadcast_in_dim3A_1357 : vector<16x1xi32> to vector<16xi32>
      %gather3A_1359 = tpu.dynamic_gather %add3A_1353[%gather3A_1358] in [0] : vector<16xf32>, vector<16xi32> -> vector<16xf32>
      %add3A_1360 = arith.addf %add3A_1353, %gather3A_1359 : vector<16xf32>
      %xor3A_1361 = arith.constant 4 : i32
      %xor3A_1362 = vector.broadcast %xor3A_1361 : i32 to vector<16xi32>
      %xor3A_1363 = arith.xori %iota3A, %xor3A_1362 : vector<16xi32>
      %broadcast_in_dim3A_1364 = vector.shape_cast %xor3A_1363 : vector<16xi32> to vector<16x1xi32>
      %gather3A_1365 = vector.shape_cast %broadcast_in_dim3A_1364 : vector<16x1xi32> to vector<16xi32>
      %gather3A_1366 = tpu.dynamic_gather %add3A_1360[%gather3A_1365] in [0] : vector<16xf32>, vector<16xi32> -> vector<16xf32>
      %add3A_1367 = arith.addf %add3A_1360, %gather3A_1366 : vector<16xf32>
      %xor3A_1368 = arith.constant 8 : i32
      %xor3A_1369 = vector.broadcast %xor3A_1368 : i32 to vector<16xi32>
      %xor3A_1370 = arith.xori %iota3A, %xor3A_1369 : vector<16xi32>
      %broadcast_in_dim3A_1371 = vector.shape_cast %xor3A_1370 : vector<16xi32> to vector<16x1xi32>
      %gather3A_1372 = vector.shape_cast %broadcast_in_dim3A_1371 : vector<16x1xi32> to vector<16xi32>
      %gather3A_1373 = tpu.dynamic_gather %add3A_1367[%gather3A_1372] in [0] : vector<16xf32>, vector<16xi32> -> vector<16xf32>
      %add3A_1374 = arith.addf %add3A_1367, %gather3A_1373 : vector<16xf32>
      %slice3A_1375 = vector.extract_strided_slice %get3A_40 {offsets = [2], sizes = [1], strides = [1]} : vector<16xf32> to vector<1xf32>
      %squeeze3A_1376 = vector.extract %slice3A_1375[0] : f32 from vector<1xf32>
      %add3A_1377 = vector.broadcast %squeeze3A_1376 : f32 to vector<16xf32>
      %add3A_1378 = arith.addf %add3A_1374, %add3A_1377 : vector<16xf32>
      %eq3A_1379 = arith.constant 2 : i32
      %eq3A_1380 = vector.broadcast %eq3A_1379 : i32 to vector<16xi32>
      %eq3A_1381 = arith.cmpi eq, %iota3A, %eq3A_1380 : vector<16xi32>
      %select_n3A_1382 = arith.select %eq3A_1381, %add3A_1378, %select_n3A_1346 : vector<16xi1>, vector<16xf32>
      %xor3A_1383 = arith.constant 1 : i32
      %xor3A_1384 = vector.broadcast %xor3A_1383 : i32 to vector<16xi32>
      %xor3A_1385 = arith.xori %iota3A, %xor3A_1384 : vector<16xi32>
      %broadcast_in_dim3A_1386 = vector.shape_cast %xor3A_1385 : vector<16xi32> to vector<16x1xi32>
      %gather3A_1387 = vector.shape_cast %broadcast_in_dim3A_1386 : vector<16x1xi32> to vector<16xi32>
      %gather3A_1388 = tpu.dynamic_gather %scan3A_1271#3[%gather3A_1387] in [0] : vector<16xf32>, vector<16xi32> -> vector<16xf32>
      %add3A_1389 = arith.addf %scan3A_1271#3, %gather3A_1388 : vector<16xf32>
      %xor3A_1390 = arith.constant 2 : i32
      %xor3A_1391 = vector.broadcast %xor3A_1390 : i32 to vector<16xi32>
      %xor3A_1392 = arith.xori %iota3A, %xor3A_1391 : vector<16xi32>
      %broadcast_in_dim3A_1393 = vector.shape_cast %xor3A_1392 : vector<16xi32> to vector<16x1xi32>
      %gather3A_1394 = vector.shape_cast %broadcast_in_dim3A_1393 : vector<16x1xi32> to vector<16xi32>
      %gather3A_1395 = tpu.dynamic_gather %add3A_1389[%gather3A_1394] in [0] : vector<16xf32>, vector<16xi32> -> vector<16xf32>
      %add3A_1396 = arith.addf %add3A_1389, %gather3A_1395 : vector<16xf32>
      %xor3A_1397 = arith.constant 4 : i32
      %xor3A_1398 = vector.broadcast %xor3A_1397 : i32 to vector<16xi32>
      %xor3A_1399 = arith.xori %iota3A, %xor3A_1398 : vector<16xi32>
      %broadcast_in_dim3A_1400 = vector.shape_cast %xor3A_1399 : vector<16xi32> to vector<16x1xi32>
      %gather3A_1401 = vector.shape_cast %broadcast_in_dim3A_1400 : vector<16x1xi32> to vector<16xi32>
      %gather3A_1402 = tpu.dynamic_gather %add3A_1396[%gather3A_1401] in [0] : vector<16xf32>, vector<16xi32> -> vector<16xf32>
      %add3A_1403 = arith.addf %add3A_1396, %gather3A_1402 : vector<16xf32>
      %xor3A_1404 = arith.constant 8 : i32
      %xor3A_1405 = vector.broadcast %xor3A_1404 : i32 to vector<16xi32>
      %xor3A_1406 = arith.xori %iota3A, %xor3A_1405 : vector<16xi32>
      %broadcast_in_dim3A_1407 = vector.shape_cast %xor3A_1406 : vector<16xi32> to vector<16x1xi32>
      %gather3A_1408 = vector.shape_cast %broadcast_in_dim3A_1407 : vector<16x1xi32> to vector<16xi32>
      %gather3A_1409 = tpu.dynamic_gather %add3A_1403[%gather3A_1408] in [0] : vector<16xf32>, vector<16xi32> -> vector<16xf32>
      %add3A_1410 = arith.addf %add3A_1403, %gather3A_1409 : vector<16xf32>
      %slice3A_1411 = vector.extract_strided_slice %get3A_40 {offsets = [3], sizes = [1], strides = [1]} : vector<16xf32> to vector<1xf32>
      %squeeze3A_1412 = vector.extract %slice3A_1411[0] : f32 from vector<1xf32>
      %add3A_1413 = vector.broadcast %squeeze3A_1412 : f32 to vector<16xf32>
      %add3A_1414 = arith.addf %add3A_1410, %add3A_1413 : vector<16xf32>
      %eq3A_1415 = arith.constant 3 : i32
      %eq3A_1416 = vector.broadcast %eq3A_1415 : i32 to vector<16xi32>
      %eq3A_1417 = arith.cmpi eq, %iota3A, %eq3A_1416 : vector<16xi32>
      %select_n3A_1418 = arith.select %eq3A_1417, %add3A_1414, %select_n3A_1382 : vector<16xi1>, vector<16xf32>
      %xor3A_1419 = arith.constant 1 : i32
      %xor3A_1420 = vector.broadcast %xor3A_1419 : i32 to vector<16xi32>
      %xor3A_1421 = arith.xori %iota3A, %xor3A_1420 : vector<16xi32>
      %broadcast_in_dim3A_1422 = vector.shape_cast %xor3A_1421 : vector<16xi32> to vector<16x1xi32>
      %gather3A_1423 = vector.shape_cast %broadcast_in_dim3A_1422 : vector<16x1xi32> to vector<16xi32>
      %gather3A_1424 = tpu.dynamic_gather %scan3A_1271#4[%gather3A_1423] in [0] : vector<16xf32>, vector<16xi32> -> vector<16xf32>
      %add3A_1425 = arith.addf %scan3A_1271#4, %gather3A_1424 : vector<16xf32>
      %xor3A_1426 = arith.constant 2 : i32
      %xor3A_1427 = vector.broadcast %xor3A_1426 : i32 to vector<16xi32>
      %xor3A_1428 = arith.xori %iota3A, %xor3A_1427 : vector<16xi32>
      %broadcast_in_dim3A_1429 = vector.shape_cast %xor3A_1428 : vector<16xi32> to vector<16x1xi32>
      %gather3A_1430 = vector.shape_cast %broadcast_in_dim3A_1429 : vector<16x1xi32> to vector<16xi32>
      %gather3A_1431 = tpu.dynamic_gather %add3A_1425[%gather3A_1430] in [0] : vector<16xf32>, vector<16xi32> -> vector<16xf32>
      %add3A_1432 = arith.addf %add3A_1425, %gather3A_1431 : vector<16xf32>
      %xor3A_1433 = arith.constant 4 : i32
      %xor3A_1434 = vector.broadcast %xor3A_1433 : i32 to vector<16xi32>
      %xor3A_1435 = arith.xori %iota3A, %xor3A_1434 : vector<16xi32>
      %broadcast_in_dim3A_1436 = vector.shape_cast %xor3A_1435 : vector<16xi32> to vector<16x1xi32>
      %gather3A_1437 = vector.shape_cast %broadcast_in_dim3A_1436 : vector<16x1xi32> to vector<16xi32>
      %gather3A_1438 = tpu.dynamic_gather %add3A_1432[%gather3A_1437] in [0] : vector<16xf32>, vector<16xi32> -> vector<16xf32>
      %add3A_1439 = arith.addf %add3A_1432, %gather3A_1438 : vector<16xf32>
      %xor3A_1440 = arith.constant 8 : i32
      %xor3A_1441 = vector.broadcast %xor3A_1440 : i32 to vector<16xi32>
      %xor3A_1442 = arith.xori %iota3A, %xor3A_1441 : vector<16xi32>
      %broadcast_in_dim3A_1443 = vector.shape_cast %xor3A_1442 : vector<16xi32> to vector<16x1xi32>
      %gather3A_1444 = vector.shape_cast %broadcast_in_dim3A_1443 : vector<16x1xi32> to vector<16xi32>
      %gather3A_1445 = tpu.dynamic_gather %add3A_1439[%gather3A_1444] in [0] : vector<16xf32>, vector<16xi32> -> vector<16xf32>
      %add3A_1446 = arith.addf %add3A_1439, %gather3A_1445 : vector<16xf32>
      %slice3A_1447 = vector.extract_strided_slice %get3A_40 {offsets = [0], sizes = [1], strides = [1]} : vector<16xf32> to vector<1xf32>
      %squeeze3A_1448 = vector.extract %slice3A_1447[0] : f32 from vector<1xf32>
      %add3A_1449 = vector.broadcast %squeeze3A_1448 : f32 to vector<16xf32>
      %add3A_1450 = arith.addf %add3A_1446, %add3A_1449 : vector<16xf32>
      %eq3A_1451 = arith.constant 4 : i32
      %eq3A_1452 = vector.broadcast %eq3A_1451 : i32 to vector<16xi32>
      %eq3A_1453 = arith.cmpi eq, %iota3A, %eq3A_1452 : vector<16xi32>
      %select_n3A_1454 = arith.select %eq3A_1453, %add3A_1450, %select_n3A_1418 : vector<16xi1>, vector<16xf32>
      %xor3A_1455 = arith.constant 1 : i32
      %xor3A_1456 = vector.broadcast %xor3A_1455 : i32 to vector<16xi32>
      %xor3A_1457 = arith.xori %iota3A, %xor3A_1456 : vector<16xi32>
      %broadcast_in_dim3A_1458 = vector.shape_cast %xor3A_1457 : vector<16xi32> to vector<16x1xi32>
      %gather3A_1459 = vector.shape_cast %broadcast_in_dim3A_1458 : vector<16x1xi32> to vector<16xi32>
      %gather3A_1460 = tpu.dynamic_gather %scan3A_1271#5[%gather3A_1459] in [0] : vector<16xf32>, vector<16xi32> -> vector<16xf32>
      %add3A_1461 = arith.addf %scan3A_1271#5, %gather3A_1460 : vector<16xf32>
      %xor3A_1462 = arith.constant 2 : i32
      %xor3A_1463 = vector.broadcast %xor3A_1462 : i32 to vector<16xi32>
      %xor3A_1464 = arith.xori %iota3A, %xor3A_1463 : vector<16xi32>
      %broadcast_in_dim3A_1465 = vector.shape_cast %xor3A_1464 : vector<16xi32> to vector<16x1xi32>
      %gather3A_1466 = vector.shape_cast %broadcast_in_dim3A_1465 : vector<16x1xi32> to vector<16xi32>
      %gather3A_1467 = tpu.dynamic_gather %add3A_1461[%gather3A_1466] in [0] : vector<16xf32>, vector<16xi32> -> vector<16xf32>
      %add3A_1468 = arith.addf %add3A_1461, %gather3A_1467 : vector<16xf32>
      %xor3A_1469 = arith.constant 4 : i32
      %xor3A_1470 = vector.broadcast %xor3A_1469 : i32 to vector<16xi32>
      %xor3A_1471 = arith.xori %iota3A, %xor3A_1470 : vector<16xi32>
      %broadcast_in_dim3A_1472 = vector.shape_cast %xor3A_1471 : vector<16xi32> to vector<16x1xi32>
      %gather3A_1473 = vector.shape_cast %broadcast_in_dim3A_1472 : vector<16x1xi32> to vector<16xi32>
      %gather3A_1474 = tpu.dynamic_gather %add3A_1468[%gather3A_1473] in [0] : vector<16xf32>, vector<16xi32> -> vector<16xf32>
      %add3A_1475 = arith.addf %add3A_1468, %gather3A_1474 : vector<16xf32>
      %xor3A_1476 = arith.constant 8 : i32
      %xor3A_1477 = vector.broadcast %xor3A_1476 : i32 to vector<16xi32>
      %xor3A_1478 = arith.xori %iota3A, %xor3A_1477 : vector<16xi32>
      %broadcast_in_dim3A_1479 = vector.shape_cast %xor3A_1478 : vector<16xi32> to vector<16x1xi32>
      %gather3A_1480 = vector.shape_cast %broadcast_in_dim3A_1479 : vector<16x1xi32> to vector<16xi32>
      %gather3A_1481 = tpu.dynamic_gather %add3A_1475[%gather3A_1480] in [0] : vector<16xf32>, vector<16xi32> -> vector<16xf32>
      %add3A_1482 = arith.addf %add3A_1475, %gather3A_1481 : vector<16xf32>
      %slice3A_1483 = vector.extract_strided_slice %get3A_40 {offsets = [1], sizes = [1], strides = [1]} : vector<16xf32> to vector<1xf32>
      %squeeze3A_1484 = vector.extract %slice3A_1483[0] : f32 from vector<1xf32>
      %add3A_1485 = vector.broadcast %squeeze3A_1484 : f32 to vector<16xf32>
      %add3A_1486 = arith.addf %add3A_1482, %add3A_1485 : vector<16xf32>
      %eq3A_1487 = arith.constant 5 : i32
      %eq3A_1488 = vector.broadcast %eq3A_1487 : i32 to vector<16xi32>
      %eq3A_1489 = arith.cmpi eq, %iota3A, %eq3A_1488 : vector<16xi32>
      %select_n3A_1490 = arith.select %eq3A_1489, %add3A_1486, %select_n3A_1454 : vector<16xi1>, vector<16xf32>
      %xor3A_1491 = arith.constant 1 : i32
      %xor3A_1492 = vector.broadcast %xor3A_1491 : i32 to vector<16xi32>
      %xor3A_1493 = arith.xori %iota3A, %xor3A_1492 : vector<16xi32>
      %broadcast_in_dim3A_1494 = vector.shape_cast %xor3A_1493 : vector<16xi32> to vector<16x1xi32>
      %gather3A_1495 = vector.shape_cast %broadcast_in_dim3A_1494 : vector<16x1xi32> to vector<16xi32>
      %gather3A_1496 = tpu.dynamic_gather %scan3A_1271#6[%gather3A_1495] in [0] : vector<16xf32>, vector<16xi32> -> vector<16xf32>
      %add3A_1497 = arith.addf %scan3A_1271#6, %gather3A_1496 : vector<16xf32>
      %xor3A_1498 = arith.constant 2 : i32
      %xor3A_1499 = vector.broadcast %xor3A_1498 : i32 to vector<16xi32>
      %xor3A_1500 = arith.xori %iota3A, %xor3A_1499 : vector<16xi32>
      %broadcast_in_dim3A_1501 = vector.shape_cast %xor3A_1500 : vector<16xi32> to vector<16x1xi32>
      %gather3A_1502 = vector.shape_cast %broadcast_in_dim3A_1501 : vector<16x1xi32> to vector<16xi32>
      %gather3A_1503 = tpu.dynamic_gather %add3A_1497[%gather3A_1502] in [0] : vector<16xf32>, vector<16xi32> -> vector<16xf32>
      %add3A_1504 = arith.addf %add3A_1497, %gather3A_1503 : vector<16xf32>
      %xor3A_1505 = arith.constant 4 : i32
      %xor3A_1506 = vector.broadcast %xor3A_1505 : i32 to vector<16xi32>
      %xor3A_1507 = arith.xori %iota3A, %xor3A_1506 : vector<16xi32>
      %broadcast_in_dim3A_1508 = vector.shape_cast %xor3A_1507 : vector<16xi32> to vector<16x1xi32>
      %gather3A_1509 = vector.shape_cast %broadcast_in_dim3A_1508 : vector<16x1xi32> to vector<16xi32>
      %gather3A_1510 = tpu.dynamic_gather %add3A_1504[%gather3A_1509] in [0] : vector<16xf32>, vector<16xi32> -> vector<16xf32>
      %add3A_1511 = arith.addf %add3A_1504, %gather3A_1510 : vector<16xf32>
      %xor3A_1512 = arith.constant 8 : i32
      %xor3A_1513 = vector.broadcast %xor3A_1512 : i32 to vector<16xi32>
      %xor3A_1514 = arith.xori %iota3A, %xor3A_1513 : vector<16xi32>
      %broadcast_in_dim3A_1515 = vector.shape_cast %xor3A_1514 : vector<16xi32> to vector<16x1xi32>
      %gather3A_1516 = vector.shape_cast %broadcast_in_dim3A_1515 : vector<16x1xi32> to vector<16xi32>
      %gather3A_1517 = tpu.dynamic_gather %add3A_1511[%gather3A_1516] in [0] : vector<16xf32>, vector<16xi32> -> vector<16xf32>
      %add3A_1518 = arith.addf %add3A_1511, %gather3A_1517 : vector<16xf32>
      %slice3A_1519 = vector.extract_strided_slice %get3A_40 {offsets = [2], sizes = [1], strides = [1]} : vector<16xf32> to vector<1xf32>
      %squeeze3A_1520 = vector.extract %slice3A_1519[0] : f32 from vector<1xf32>
      %add3A_1521 = vector.broadcast %squeeze3A_1520 : f32 to vector<16xf32>
      %add3A_1522 = arith.addf %add3A_1518, %add3A_1521 : vector<16xf32>
      %eq3A_1523 = arith.constant 6 : i32
      %eq3A_1524 = vector.broadcast %eq3A_1523 : i32 to vector<16xi32>
      %eq3A_1525 = arith.cmpi eq, %iota3A, %eq3A_1524 : vector<16xi32>
      %select_n3A_1526 = arith.select %eq3A_1525, %add3A_1522, %select_n3A_1490 : vector<16xi1>, vector<16xf32>
      %xor3A_1527 = arith.constant 1 : i32
      %xor3A_1528 = vector.broadcast %xor3A_1527 : i32 to vector<16xi32>
      %xor3A_1529 = arith.xori %iota3A, %xor3A_1528 : vector<16xi32>
      %broadcast_in_dim3A_1530 = vector.shape_cast %xor3A_1529 : vector<16xi32> to vector<16x1xi32>
      %gather3A_1531 = vector.shape_cast %broadcast_in_dim3A_1530 : vector<16x1xi32> to vector<16xi32>
      %gather3A_1532 = tpu.dynamic_gather %scan3A_1271#7[%gather3A_1531] in [0] : vector<16xf32>, vector<16xi32> -> vector<16xf32>
      %add3A_1533 = arith.addf %scan3A_1271#7, %gather3A_1532 : vector<16xf32>
      %xor3A_1534 = arith.constant 2 : i32
      %xor3A_1535 = vector.broadcast %xor3A_1534 : i32 to vector<16xi32>
      %xor3A_1536 = arith.xori %iota3A, %xor3A_1535 : vector<16xi32>
      %broadcast_in_dim3A_1537 = vector.shape_cast %xor3A_1536 : vector<16xi32> to vector<16x1xi32>
      %gather3A_1538 = vector.shape_cast %broadcast_in_dim3A_1537 : vector<16x1xi32> to vector<16xi32>
      %gather3A_1539 = tpu.dynamic_gather %add3A_1533[%gather3A_1538] in [0] : vector<16xf32>, vector<16xi32> -> vector<16xf32>
      %add3A_1540 = arith.addf %add3A_1533, %gather3A_1539 : vector<16xf32>
      %xor3A_1541 = arith.constant 4 : i32
      %xor3A_1542 = vector.broadcast %xor3A_1541 : i32 to vector<16xi32>
      %xor3A_1543 = arith.xori %iota3A, %xor3A_1542 : vector<16xi32>
      %broadcast_in_dim3A_1544 = vector.shape_cast %xor3A_1543 : vector<16xi32> to vector<16x1xi32>
      %gather3A_1545 = vector.shape_cast %broadcast_in_dim3A_1544 : vector<16x1xi32> to vector<16xi32>
      %gather3A_1546 = tpu.dynamic_gather %add3A_1540[%gather3A_1545] in [0] : vector<16xf32>, vector<16xi32> -> vector<16xf32>
      %add3A_1547 = arith.addf %add3A_1540, %gather3A_1546 : vector<16xf32>
      %xor3A_1548 = arith.constant 8 : i32
      %xor3A_1549 = vector.broadcast %xor3A_1548 : i32 to vector<16xi32>
      %xor3A_1550 = arith.xori %iota3A, %xor3A_1549 : vector<16xi32>
      %broadcast_in_dim3A_1551 = vector.shape_cast %xor3A_1550 : vector<16xi32> to vector<16x1xi32>
      %gather3A_1552 = vector.shape_cast %broadcast_in_dim3A_1551 : vector<16x1xi32> to vector<16xi32>
      %gather3A_1553 = tpu.dynamic_gather %add3A_1547[%gather3A_1552] in [0] : vector<16xf32>, vector<16xi32> -> vector<16xf32>
      %add3A_1554 = arith.addf %add3A_1547, %gather3A_1553 : vector<16xf32>
      %slice3A_1555 = vector.extract_strided_slice %get3A_40 {offsets = [3], sizes = [1], strides = [1]} : vector<16xf32> to vector<1xf32>
      %squeeze3A_1556 = vector.extract %slice3A_1555[0] : f32 from vector<1xf32>
      %add3A_1557 = vector.broadcast %squeeze3A_1556 : f32 to vector<16xf32>
      %add3A_1558 = arith.addf %add3A_1554, %add3A_1557 : vector<16xf32>
      %eq3A_1559 = arith.constant 7 : i32
      %eq3A_1560 = vector.broadcast %eq3A_1559 : i32 to vector<16xi32>
      %eq3A_1561 = arith.cmpi eq, %iota3A, %eq3A_1560 : vector<16xi32>
      %select_n3A_1562 = arith.select %eq3A_1561, %add3A_1558, %select_n3A_1526 : vector<16xi1>, vector<16xf32>
      %xor3A_1563 = arith.constant 1 : i32
      %xor3A_1564 = vector.broadcast %xor3A_1563 : i32 to vector<16xi32>
      %xor3A_1565 = arith.xori %iota3A, %xor3A_1564 : vector<16xi32>
      %broadcast_in_dim3A_1566 = vector.shape_cast %xor3A_1565 : vector<16xi32> to vector<16x1xi32>
      %gather3A_1567 = vector.shape_cast %broadcast_in_dim3A_1566 : vector<16x1xi32> to vector<16xi32>
      %gather3A_1568 = tpu.dynamic_gather %scan3A_1271#8[%gather3A_1567] in [0] : vector<16xf32>, vector<16xi32> -> vector<16xf32>
      %add3A_1569 = arith.addf %scan3A_1271#8, %gather3A_1568 : vector<16xf32>
      %xor3A_1570 = arith.constant 2 : i32
      %xor3A_1571 = vector.broadcast %xor3A_1570 : i32 to vector<16xi32>
      %xor3A_1572 = arith.xori %iota3A, %xor3A_1571 : vector<16xi32>
      %broadcast_in_dim3A_1573 = vector.shape_cast %xor3A_1572 : vector<16xi32> to vector<16x1xi32>
      %gather3A_1574 = vector.shape_cast %broadcast_in_dim3A_1573 : vector<16x1xi32> to vector<16xi32>
      %gather3A_1575 = tpu.dynamic_gather %add3A_1569[%gather3A_1574] in [0] : vector<16xf32>, vector<16xi32> -> vector<16xf32>
      %add3A_1576 = arith.addf %add3A_1569, %gather3A_1575 : vector<16xf32>
      %xor3A_1577 = arith.constant 4 : i32
      %xor3A_1578 = vector.broadcast %xor3A_1577 : i32 to vector<16xi32>
      %xor3A_1579 = arith.xori %iota3A, %xor3A_1578 : vector<16xi32>
      %broadcast_in_dim3A_1580 = vector.shape_cast %xor3A_1579 : vector<16xi32> to vector<16x1xi32>
      %gather3A_1581 = vector.shape_cast %broadcast_in_dim3A_1580 : vector<16x1xi32> to vector<16xi32>
      %gather3A_1582 = tpu.dynamic_gather %add3A_1576[%gather3A_1581] in [0] : vector<16xf32>, vector<16xi32> -> vector<16xf32>
      %add3A_1583 = arith.addf %add3A_1576, %gather3A_1582 : vector<16xf32>
      %xor3A_1584 = arith.constant 8 : i32
      %xor3A_1585 = vector.broadcast %xor3A_1584 : i32 to vector<16xi32>
      %xor3A_1586 = arith.xori %iota3A, %xor3A_1585 : vector<16xi32>
      %broadcast_in_dim3A_1587 = vector.shape_cast %xor3A_1586 : vector<16xi32> to vector<16x1xi32>
      %gather3A_1588 = vector.shape_cast %broadcast_in_dim3A_1587 : vector<16x1xi32> to vector<16xi32>
      %gather3A_1589 = tpu.dynamic_gather %add3A_1583[%gather3A_1588] in [0] : vector<16xf32>, vector<16xi32> -> vector<16xf32>
      %add3A_1590 = arith.addf %add3A_1583, %gather3A_1589 : vector<16xf32>
      %slice3A_1591 = vector.extract_strided_slice %get3A_40 {offsets = [0], sizes = [1], strides = [1]} : vector<16xf32> to vector<1xf32>
      %squeeze3A_1592 = vector.extract %slice3A_1591[0] : f32 from vector<1xf32>
      %add3A_1593 = vector.broadcast %squeeze3A_1592 : f32 to vector<16xf32>
      %add3A_1594 = arith.addf %add3A_1590, %add3A_1593 : vector<16xf32>
      %eq3A_1595 = arith.constant 8 : i32
      %eq3A_1596 = vector.broadcast %eq3A_1595 : i32 to vector<16xi32>
      %eq3A_1597 = arith.cmpi eq, %iota3A, %eq3A_1596 : vector<16xi32>
      %select_n3A_1598 = arith.select %eq3A_1597, %add3A_1594, %select_n3A_1562 : vector<16xi1>, vector<16xf32>
      %xor3A_1599 = arith.constant 1 : i32
      %xor3A_1600 = vector.broadcast %xor3A_1599 : i32 to vector<16xi32>
      %xor3A_1601 = arith.xori %iota3A, %xor3A_1600 : vector<16xi32>
      %broadcast_in_dim3A_1602 = vector.shape_cast %xor3A_1601 : vector<16xi32> to vector<16x1xi32>
      %gather3A_1603 = vector.shape_cast %broadcast_in_dim3A_1602 : vector<16x1xi32> to vector<16xi32>
      %gather3A_1604 = tpu.dynamic_gather %scan3A_1271#9[%gather3A_1603] in [0] : vector<16xf32>, vector<16xi32> -> vector<16xf32>
      %add3A_1605 = arith.addf %scan3A_1271#9, %gather3A_1604 : vector<16xf32>
      %xor3A_1606 = arith.constant 2 : i32
      %xor3A_1607 = vector.broadcast %xor3A_1606 : i32 to vector<16xi32>
      %xor3A_1608 = arith.xori %iota3A, %xor3A_1607 : vector<16xi32>
      %broadcast_in_dim3A_1609 = vector.shape_cast %xor3A_1608 : vector<16xi32> to vector<16x1xi32>
      %gather3A_1610 = vector.shape_cast %broadcast_in_dim3A_1609 : vector<16x1xi32> to vector<16xi32>
      %gather3A_1611 = tpu.dynamic_gather %add3A_1605[%gather3A_1610] in [0] : vector<16xf32>, vector<16xi32> -> vector<16xf32>
      %add3A_1612 = arith.addf %add3A_1605, %gather3A_1611 : vector<16xf32>
      %xor3A_1613 = arith.constant 4 : i32
      %xor3A_1614 = vector.broadcast %xor3A_1613 : i32 to vector<16xi32>
      %xor3A_1615 = arith.xori %iota3A, %xor3A_1614 : vector<16xi32>
      %broadcast_in_dim3A_1616 = vector.shape_cast %xor3A_1615 : vector<16xi32> to vector<16x1xi32>
      %gather3A_1617 = vector.shape_cast %broadcast_in_dim3A_1616 : vector<16x1xi32> to vector<16xi32>
      %gather3A_1618 = tpu.dynamic_gather %add3A_1612[%gather3A_1617] in [0] : vector<16xf32>, vector<16xi32> -> vector<16xf32>
      %add3A_1619 = arith.addf %add3A_1612, %gather3A_1618 : vector<16xf32>
      %xor3A_1620 = arith.constant 8 : i32
      %xor3A_1621 = vector.broadcast %xor3A_1620 : i32 to vector<16xi32>
      %xor3A_1622 = arith.xori %iota3A, %xor3A_1621 : vector<16xi32>
      %broadcast_in_dim3A_1623 = vector.shape_cast %xor3A_1622 : vector<16xi32> to vector<16x1xi32>
      %gather3A_1624 = vector.shape_cast %broadcast_in_dim3A_1623 : vector<16x1xi32> to vector<16xi32>
      %gather3A_1625 = tpu.dynamic_gather %add3A_1619[%gather3A_1624] in [0] : vector<16xf32>, vector<16xi32> -> vector<16xf32>
      %add3A_1626 = arith.addf %add3A_1619, %gather3A_1625 : vector<16xf32>
      %slice3A_1627 = vector.extract_strided_slice %get3A_40 {offsets = [1], sizes = [1], strides = [1]} : vector<16xf32> to vector<1xf32>
      %squeeze3A_1628 = vector.extract %slice3A_1627[0] : f32 from vector<1xf32>
      %add3A_1629 = vector.broadcast %squeeze3A_1628 : f32 to vector<16xf32>
      %add3A_1630 = arith.addf %add3A_1626, %add3A_1629 : vector<16xf32>
      %eq3A_1631 = arith.constant 9 : i32
      %eq3A_1632 = vector.broadcast %eq3A_1631 : i32 to vector<16xi32>
      %eq3A_1633 = arith.cmpi eq, %iota3A, %eq3A_1632 : vector<16xi32>
      %select_n3A_1634 = arith.select %eq3A_1633, %add3A_1630, %select_n3A_1598 : vector<16xi1>, vector<16xf32>
      %xor3A_1635 = arith.constant 1 : i32
      %xor3A_1636 = vector.broadcast %xor3A_1635 : i32 to vector<16xi32>
      %xor3A_1637 = arith.xori %iota3A, %xor3A_1636 : vector<16xi32>
      %broadcast_in_dim3A_1638 = vector.shape_cast %xor3A_1637 : vector<16xi32> to vector<16x1xi32>
      %gather3A_1639 = vector.shape_cast %broadcast_in_dim3A_1638 : vector<16x1xi32> to vector<16xi32>
      %gather3A_1640 = tpu.dynamic_gather %scan3A_1271#10[%gather3A_1639] in [0] : vector<16xf32>, vector<16xi32> -> vector<16xf32>
      %add3A_1641 = arith.addf %scan3A_1271#10, %gather3A_1640 : vector<16xf32>
      %xor3A_1642 = arith.constant 2 : i32
      %xor3A_1643 = vector.broadcast %xor3A_1642 : i32 to vector<16xi32>
      %xor3A_1644 = arith.xori %iota3A, %xor3A_1643 : vector<16xi32>
      %broadcast_in_dim3A_1645 = vector.shape_cast %xor3A_1644 : vector<16xi32> to vector<16x1xi32>
      %gather3A_1646 = vector.shape_cast %broadcast_in_dim3A_1645 : vector<16x1xi32> to vector<16xi32>
      %gather3A_1647 = tpu.dynamic_gather %add3A_1641[%gather3A_1646] in [0] : vector<16xf32>, vector<16xi32> -> vector<16xf32>
      %add3A_1648 = arith.addf %add3A_1641, %gather3A_1647 : vector<16xf32>
      %xor3A_1649 = arith.constant 4 : i32
      %xor3A_1650 = vector.broadcast %xor3A_1649 : i32 to vector<16xi32>
      %xor3A_1651 = arith.xori %iota3A, %xor3A_1650 : vector<16xi32>
      %broadcast_in_dim3A_1652 = vector.shape_cast %xor3A_1651 : vector<16xi32> to vector<16x1xi32>
      %gather3A_1653 = vector.shape_cast %broadcast_in_dim3A_1652 : vector<16x1xi32> to vector<16xi32>
      %gather3A_1654 = tpu.dynamic_gather %add3A_1648[%gather3A_1653] in [0] : vector<16xf32>, vector<16xi32> -> vector<16xf32>
      %add3A_1655 = arith.addf %add3A_1648, %gather3A_1654 : vector<16xf32>
      %xor3A_1656 = arith.constant 8 : i32
      %xor3A_1657 = vector.broadcast %xor3A_1656 : i32 to vector<16xi32>
      %xor3A_1658 = arith.xori %iota3A, %xor3A_1657 : vector<16xi32>
      %broadcast_in_dim3A_1659 = vector.shape_cast %xor3A_1658 : vector<16xi32> to vector<16x1xi32>
      %gather3A_1660 = vector.shape_cast %broadcast_in_dim3A_1659 : vector<16x1xi32> to vector<16xi32>
      %gather3A_1661 = tpu.dynamic_gather %add3A_1655[%gather3A_1660] in [0] : vector<16xf32>, vector<16xi32> -> vector<16xf32>
      %add3A_1662 = arith.addf %add3A_1655, %gather3A_1661 : vector<16xf32>
      %slice3A_1663 = vector.extract_strided_slice %get3A_40 {offsets = [2], sizes = [1], strides = [1]} : vector<16xf32> to vector<1xf32>
      %squeeze3A_1664 = vector.extract %slice3A_1663[0] : f32 from vector<1xf32>
      %add3A_1665 = vector.broadcast %squeeze3A_1664 : f32 to vector<16xf32>
      %add3A_1666 = arith.addf %add3A_1662, %add3A_1665 : vector<16xf32>
      %eq3A_1667 = arith.constant 10 : i32
      %eq3A_1668 = vector.broadcast %eq3A_1667 : i32 to vector<16xi32>
      %eq3A_1669 = arith.cmpi eq, %iota3A, %eq3A_1668 : vector<16xi32>
      %select_n3A_1670 = arith.select %eq3A_1669, %add3A_1666, %select_n3A_1634 : vector<16xi1>, vector<16xf32>
      %xor3A_1671 = arith.constant 1 : i32
      %xor3A_1672 = vector.broadcast %xor3A_1671 : i32 to vector<16xi32>
      %xor3A_1673 = arith.xori %iota3A, %xor3A_1672 : vector<16xi32>
      %broadcast_in_dim3A_1674 = vector.shape_cast %xor3A_1673 : vector<16xi32> to vector<16x1xi32>
      %gather3A_1675 = vector.shape_cast %broadcast_in_dim3A_1674 : vector<16x1xi32> to vector<16xi32>
      %gather3A_1676 = tpu.dynamic_gather %scan3A_1271#11[%gather3A_1675] in [0] : vector<16xf32>, vector<16xi32> -> vector<16xf32>
      %add3A_1677 = arith.addf %scan3A_1271#11, %gather3A_1676 : vector<16xf32>
      %xor3A_1678 = arith.constant 2 : i32
      %xor3A_1679 = vector.broadcast %xor3A_1678 : i32 to vector<16xi32>
      %xor3A_1680 = arith.xori %iota3A, %xor3A_1679 : vector<16xi32>
      %broadcast_in_dim3A_1681 = vector.shape_cast %xor3A_1680 : vector<16xi32> to vector<16x1xi32>
      %gather3A_1682 = vector.shape_cast %broadcast_in_dim3A_1681 : vector<16x1xi32> to vector<16xi32>
      %gather3A_1683 = tpu.dynamic_gather %add3A_1677[%gather3A_1682] in [0] : vector<16xf32>, vector<16xi32> -> vector<16xf32>
      %add3A_1684 = arith.addf %add3A_1677, %gather3A_1683 : vector<16xf32>
      %xor3A_1685 = arith.constant 4 : i32
      %xor3A_1686 = vector.broadcast %xor3A_1685 : i32 to vector<16xi32>
      %xor3A_1687 = arith.xori %iota3A, %xor3A_1686 : vector<16xi32>
      %broadcast_in_dim3A_1688 = vector.shape_cast %xor3A_1687 : vector<16xi32> to vector<16x1xi32>
      %gather3A_1689 = vector.shape_cast %broadcast_in_dim3A_1688 : vector<16x1xi32> to vector<16xi32>
      %gather3A_1690 = tpu.dynamic_gather %add3A_1684[%gather3A_1689] in [0] : vector<16xf32>, vector<16xi32> -> vector<16xf32>
      %add3A_1691 = arith.addf %add3A_1684, %gather3A_1690 : vector<16xf32>
      %xor3A_1692 = arith.constant 8 : i32
      %xor3A_1693 = vector.broadcast %xor3A_1692 : i32 to vector<16xi32>
      %xor3A_1694 = arith.xori %iota3A, %xor3A_1693 : vector<16xi32>
      %broadcast_in_dim3A_1695 = vector.shape_cast %xor3A_1694 : vector<16xi32> to vector<16x1xi32>
      %gather3A_1696 = vector.shape_cast %broadcast_in_dim3A_1695 : vector<16x1xi32> to vector<16xi32>
      %gather3A_1697 = tpu.dynamic_gather %add3A_1691[%gather3A_1696] in [0] : vector<16xf32>, vector<16xi32> -> vector<16xf32>
      %add3A_1698 = arith.addf %add3A_1691, %gather3A_1697 : vector<16xf32>
      %slice3A_1699 = vector.extract_strided_slice %get3A_40 {offsets = [3], sizes = [1], strides = [1]} : vector<16xf32> to vector<1xf32>
      %squeeze3A_1700 = vector.extract %slice3A_1699[0] : f32 from vector<1xf32>
      %add3A_1701 = vector.broadcast %squeeze3A_1700 : f32 to vector<16xf32>
      %add3A_1702 = arith.addf %add3A_1698, %add3A_1701 : vector<16xf32>
      %eq3A_1703 = arith.constant 11 : i32
      %eq3A_1704 = vector.broadcast %eq3A_1703 : i32 to vector<16xi32>
      %eq3A_1705 = arith.cmpi eq, %iota3A, %eq3A_1704 : vector<16xi32>
      %select_n3A_1706 = arith.select %eq3A_1705, %add3A_1702, %select_n3A_1670 : vector<16xi1>, vector<16xf32>
      %xor3A_1707 = arith.constant 1 : i32
      %xor3A_1708 = vector.broadcast %xor3A_1707 : i32 to vector<16xi32>
      %xor3A_1709 = arith.xori %iota3A, %xor3A_1708 : vector<16xi32>
      %broadcast_in_dim3A_1710 = vector.shape_cast %xor3A_1709 : vector<16xi32> to vector<16x1xi32>
      %gather3A_1711 = vector.shape_cast %broadcast_in_dim3A_1710 : vector<16x1xi32> to vector<16xi32>
      %gather3A_1712 = tpu.dynamic_gather %scan3A_1271#12[%gather3A_1711] in [0] : vector<16xf32>, vector<16xi32> -> vector<16xf32>
      %add3A_1713 = arith.addf %scan3A_1271#12, %gather3A_1712 : vector<16xf32>
      %xor3A_1714 = arith.constant 2 : i32
      %xor3A_1715 = vector.broadcast %xor3A_1714 : i32 to vector<16xi32>
      %xor3A_1716 = arith.xori %iota3A, %xor3A_1715 : vector<16xi32>
      %broadcast_in_dim3A_1717 = vector.shape_cast %xor3A_1716 : vector<16xi32> to vector<16x1xi32>
      %gather3A_1718 = vector.shape_cast %broadcast_in_dim3A_1717 : vector<16x1xi32> to vector<16xi32>
      %gather3A_1719 = tpu.dynamic_gather %add3A_1713[%gather3A_1718] in [0] : vector<16xf32>, vector<16xi32> -> vector<16xf32>
      %add3A_1720 = arith.addf %add3A_1713, %gather3A_1719 : vector<16xf32>
      %xor3A_1721 = arith.constant 4 : i32
      %xor3A_1722 = vector.broadcast %xor3A_1721 : i32 to vector<16xi32>
      %xor3A_1723 = arith.xori %iota3A, %xor3A_1722 : vector<16xi32>
      %broadcast_in_dim3A_1724 = vector.shape_cast %xor3A_1723 : vector<16xi32> to vector<16x1xi32>
      %gather3A_1725 = vector.shape_cast %broadcast_in_dim3A_1724 : vector<16x1xi32> to vector<16xi32>
      %gather3A_1726 = tpu.dynamic_gather %add3A_1720[%gather3A_1725] in [0] : vector<16xf32>, vector<16xi32> -> vector<16xf32>
      %add3A_1727 = arith.addf %add3A_1720, %gather3A_1726 : vector<16xf32>
      %xor3A_1728 = arith.constant 8 : i32
      %xor3A_1729 = vector.broadcast %xor3A_1728 : i32 to vector<16xi32>
      %xor3A_1730 = arith.xori %iota3A, %xor3A_1729 : vector<16xi32>
      %broadcast_in_dim3A_1731 = vector.shape_cast %xor3A_1730 : vector<16xi32> to vector<16x1xi32>
      %gather3A_1732 = vector.shape_cast %broadcast_in_dim3A_1731 : vector<16x1xi32> to vector<16xi32>
      %gather3A_1733 = tpu.dynamic_gather %add3A_1727[%gather3A_1732] in [0] : vector<16xf32>, vector<16xi32> -> vector<16xf32>
      %add3A_1734 = arith.addf %add3A_1727, %gather3A_1733 : vector<16xf32>
      %slice3A_1735 = vector.extract_strided_slice %get3A_40 {offsets = [0], sizes = [1], strides = [1]} : vector<16xf32> to vector<1xf32>
      %squeeze3A_1736 = vector.extract %slice3A_1735[0] : f32 from vector<1xf32>
      %add3A_1737 = vector.broadcast %squeeze3A_1736 : f32 to vector<16xf32>
      %add3A_1738 = arith.addf %add3A_1734, %add3A_1737 : vector<16xf32>
      %eq3A_1739 = arith.constant 12 : i32
      %eq3A_1740 = vector.broadcast %eq3A_1739 : i32 to vector<16xi32>
      %eq3A_1741 = arith.cmpi eq, %iota3A, %eq3A_1740 : vector<16xi32>
      %select_n3A_1742 = arith.select %eq3A_1741, %add3A_1738, %select_n3A_1706 : vector<16xi1>, vector<16xf32>
      %xor3A_1743 = arith.constant 1 : i32
      %xor3A_1744 = vector.broadcast %xor3A_1743 : i32 to vector<16xi32>
      %xor3A_1745 = arith.xori %iota3A, %xor3A_1744 : vector<16xi32>
      %broadcast_in_dim3A_1746 = vector.shape_cast %xor3A_1745 : vector<16xi32> to vector<16x1xi32>
      %gather3A_1747 = vector.shape_cast %broadcast_in_dim3A_1746 : vector<16x1xi32> to vector<16xi32>
      %gather3A_1748 = tpu.dynamic_gather %scan3A_1271#13[%gather3A_1747] in [0] : vector<16xf32>, vector<16xi32> -> vector<16xf32>
      %add3A_1749 = arith.addf %scan3A_1271#13, %gather3A_1748 : vector<16xf32>
      %xor3A_1750 = arith.constant 2 : i32
      %xor3A_1751 = vector.broadcast %xor3A_1750 : i32 to vector<16xi32>
      %xor3A_1752 = arith.xori %iota3A, %xor3A_1751 : vector<16xi32>
      %broadcast_in_dim3A_1753 = vector.shape_cast %xor3A_1752 : vector<16xi32> to vector<16x1xi32>
      %gather3A_1754 = vector.shape_cast %broadcast_in_dim3A_1753 : vector<16x1xi32> to vector<16xi32>
      %gather3A_1755 = tpu.dynamic_gather %add3A_1749[%gather3A_1754] in [0] : vector<16xf32>, vector<16xi32> -> vector<16xf32>
      %add3A_1756 = arith.addf %add3A_1749, %gather3A_1755 : vector<16xf32>
      %xor3A_1757 = arith.constant 4 : i32
      %xor3A_1758 = vector.broadcast %xor3A_1757 : i32 to vector<16xi32>
      %xor3A_1759 = arith.xori %iota3A, %xor3A_1758 : vector<16xi32>
      %broadcast_in_dim3A_1760 = vector.shape_cast %xor3A_1759 : vector<16xi32> to vector<16x1xi32>
      %gather3A_1761 = vector.shape_cast %broadcast_in_dim3A_1760 : vector<16x1xi32> to vector<16xi32>
      %gather3A_1762 = tpu.dynamic_gather %add3A_1756[%gather3A_1761] in [0] : vector<16xf32>, vector<16xi32> -> vector<16xf32>
      %add3A_1763 = arith.addf %add3A_1756, %gather3A_1762 : vector<16xf32>
      %xor3A_1764 = arith.constant 8 : i32
      %xor3A_1765 = vector.broadcast %xor3A_1764 : i32 to vector<16xi32>
      %xor3A_1766 = arith.xori %iota3A, %xor3A_1765 : vector<16xi32>
      %broadcast_in_dim3A_1767 = vector.shape_cast %xor3A_1766 : vector<16xi32> to vector<16x1xi32>
      %gather3A_1768 = vector.shape_cast %broadcast_in_dim3A_1767 : vector<16x1xi32> to vector<16xi32>
      %gather3A_1769 = tpu.dynamic_gather %add3A_1763[%gather3A_1768] in [0] : vector<16xf32>, vector<16xi32> -> vector<16xf32>
      %add3A_1770 = arith.addf %add3A_1763, %gather3A_1769 : vector<16xf32>
      %slice3A_1771 = vector.extract_strided_slice %get3A_40 {offsets = [1], sizes = [1], strides = [1]} : vector<16xf32> to vector<1xf32>
      %squeeze3A_1772 = vector.extract %slice3A_1771[0] : f32 from vector<1xf32>
      %add3A_1773 = vector.broadcast %squeeze3A_1772 : f32 to vector<16xf32>
      %add3A_1774 = arith.addf %add3A_1770, %add3A_1773 : vector<16xf32>
      %eq3A_1775 = arith.constant 13 : i32
      %eq3A_1776 = vector.broadcast %eq3A_1775 : i32 to vector<16xi32>
      %eq3A_1777 = arith.cmpi eq, %iota3A, %eq3A_1776 : vector<16xi32>
      %select_n3A_1778 = arith.select %eq3A_1777, %add3A_1774, %select_n3A_1742 : vector<16xi1>, vector<16xf32>
      %xor3A_1779 = arith.constant 1 : i32
      %xor3A_1780 = vector.broadcast %xor3A_1779 : i32 to vector<16xi32>
      %xor3A_1781 = arith.xori %iota3A, %xor3A_1780 : vector<16xi32>
      %broadcast_in_dim3A_1782 = vector.shape_cast %xor3A_1781 : vector<16xi32> to vector<16x1xi32>
      %gather3A_1783 = vector.shape_cast %broadcast_in_dim3A_1782 : vector<16x1xi32> to vector<16xi32>
      %gather3A_1784 = tpu.dynamic_gather %scan3A_1271#14[%gather3A_1783] in [0] : vector<16xf32>, vector<16xi32> -> vector<16xf32>
      %add3A_1785 = arith.addf %scan3A_1271#14, %gather3A_1784 : vector<16xf32>
      %xor3A_1786 = arith.constant 2 : i32
      %xor3A_1787 = vector.broadcast %xor3A_1786 : i32 to vector<16xi32>
      %xor3A_1788 = arith.xori %iota3A, %xor3A_1787 : vector<16xi32>
      %broadcast_in_dim3A_1789 = vector.shape_cast %xor3A_1788 : vector<16xi32> to vector<16x1xi32>
      %gather3A_1790 = vector.shape_cast %broadcast_in_dim3A_1789 : vector<16x1xi32> to vector<16xi32>
      %gather3A_1791 = tpu.dynamic_gather %add3A_1785[%gather3A_1790] in [0] : vector<16xf32>, vector<16xi32> -> vector<16xf32>
      %add3A_1792 = arith.addf %add3A_1785, %gather3A_1791 : vector<16xf32>
      %xor3A_1793 = arith.constant 4 : i32
      %xor3A_1794 = vector.broadcast %xor3A_1793 : i32 to vector<16xi32>
      %xor3A_1795 = arith.xori %iota3A, %xor3A_1794 : vector<16xi32>
      %broadcast_in_dim3A_1796 = vector.shape_cast %xor3A_1795 : vector<16xi32> to vector<16x1xi32>
      %gather3A_1797 = vector.shape_cast %broadcast_in_dim3A_1796 : vector<16x1xi32> to vector<16xi32>
      %gather3A_1798 = tpu.dynamic_gather %add3A_1792[%gather3A_1797] in [0] : vector<16xf32>, vector<16xi32> -> vector<16xf32>
      %add3A_1799 = arith.addf %add3A_1792, %gather3A_1798 : vector<16xf32>
      %xor3A_1800 = arith.constant 8 : i32
      %xor3A_1801 = vector.broadcast %xor3A_1800 : i32 to vector<16xi32>
      %xor3A_1802 = arith.xori %iota3A, %xor3A_1801 : vector<16xi32>
      %broadcast_in_dim3A_1803 = vector.shape_cast %xor3A_1802 : vector<16xi32> to vector<16x1xi32>
      %gather3A_1804 = vector.shape_cast %broadcast_in_dim3A_1803 : vector<16x1xi32> to vector<16xi32>
      %gather3A_1805 = tpu.dynamic_gather %add3A_1799[%gather3A_1804] in [0] : vector<16xf32>, vector<16xi32> -> vector<16xf32>
      %add3A_1806 = arith.addf %add3A_1799, %gather3A_1805 : vector<16xf32>
      %slice3A_1807 = vector.extract_strided_slice %get3A_40 {offsets = [2], sizes = [1], strides = [1]} : vector<16xf32> to vector<1xf32>
      %squeeze3A_1808 = vector.extract %slice3A_1807[0] : f32 from vector<1xf32>
      %add3A_1809 = vector.broadcast %squeeze3A_1808 : f32 to vector<16xf32>
      %add3A_1810 = arith.addf %add3A_1806, %add3A_1809 : vector<16xf32>
      %eq3A_1811 = arith.constant 14 : i32
      %eq3A_1812 = vector.broadcast %eq3A_1811 : i32 to vector<16xi32>
      %eq3A_1813 = arith.cmpi eq, %iota3A, %eq3A_1812 : vector<16xi32>
      %select_n3A_1814 = arith.select %eq3A_1813, %add3A_1810, %select_n3A_1778 : vector<16xi1>, vector<16xf32>
      %xor3A_1815 = arith.constant 1 : i32
      %xor3A_1816 = vector.broadcast %xor3A_1815 : i32 to vector<16xi32>
      %xor3A_1817 = arith.xori %iota3A, %xor3A_1816 : vector<16xi32>
      %broadcast_in_dim3A_1818 = vector.shape_cast %xor3A_1817 : vector<16xi32> to vector<16x1xi32>
      %gather3A_1819 = vector.shape_cast %broadcast_in_dim3A_1818 : vector<16x1xi32> to vector<16xi32>
      %gather3A_1820 = tpu.dynamic_gather %scan3A_1271#15[%gather3A_1819] in [0] : vector<16xf32>, vector<16xi32> -> vector<16xf32>
      %add3A_1821 = arith.addf %scan3A_1271#15, %gather3A_1820 : vector<16xf32>
      %xor3A_1822 = arith.constant 2 : i32
      %xor3A_1823 = vector.broadcast %xor3A_1822 : i32 to vector<16xi32>
      %xor3A_1824 = arith.xori %iota3A, %xor3A_1823 : vector<16xi32>
      %broadcast_in_dim3A_1825 = vector.shape_cast %xor3A_1824 : vector<16xi32> to vector<16x1xi32>
      %gather3A_1826 = vector.shape_cast %broadcast_in_dim3A_1825 : vector<16x1xi32> to vector<16xi32>
      %gather3A_1827 = tpu.dynamic_gather %add3A_1821[%gather3A_1826] in [0] : vector<16xf32>, vector<16xi32> -> vector<16xf32>
      %add3A_1828 = arith.addf %add3A_1821, %gather3A_1827 : vector<16xf32>
      %xor3A_1829 = arith.constant 4 : i32
      %xor3A_1830 = vector.broadcast %xor3A_1829 : i32 to vector<16xi32>
      %xor3A_1831 = arith.xori %iota3A, %xor3A_1830 : vector<16xi32>
      %broadcast_in_dim3A_1832 = vector.shape_cast %xor3A_1831 : vector<16xi32> to vector<16x1xi32>
      %gather3A_1833 = vector.shape_cast %broadcast_in_dim3A_1832 : vector<16x1xi32> to vector<16xi32>
      %gather3A_1834 = tpu.dynamic_gather %add3A_1828[%gather3A_1833] in [0] : vector<16xf32>, vector<16xi32> -> vector<16xf32>
      %add3A_1835 = arith.addf %add3A_1828, %gather3A_1834 : vector<16xf32>
      %xor3A_1836 = arith.constant 8 : i32
      %xor3A_1837 = vector.broadcast %xor3A_1836 : i32 to vector<16xi32>
      %xor3A_1838 = arith.xori %iota3A, %xor3A_1837 : vector<16xi32>
      %broadcast_in_dim3A_1839 = vector.shape_cast %xor3A_1838 : vector<16xi32> to vector<16x1xi32>
      %gather3A_1840 = vector.shape_cast %broadcast_in_dim3A_1839 : vector<16x1xi32> to vector<16xi32>
      %gather3A_1841 = tpu.dynamic_gather %add3A_1835[%gather3A_1840] in [0] : vector<16xf32>, vector<16xi32> -> vector<16xf32>
      %add3A_1842 = arith.addf %add3A_1835, %gather3A_1841 : vector<16xf32>
      %slice3A_1843 = vector.extract_strided_slice %get3A_40 {offsets = [3], sizes = [1], strides = [1]} : vector<16xf32> to vector<1xf32>
      %squeeze3A_1844 = vector.extract %slice3A_1843[0] : f32 from vector<1xf32>
      %add3A_1845 = vector.broadcast %squeeze3A_1844 : f32 to vector<16xf32>
      %add3A_1846 = arith.addf %add3A_1842, %add3A_1845 : vector<16xf32>
      %eq3A_1847 = arith.constant 15 : i32
      %eq3A_1848 = vector.broadcast %eq3A_1847 : i32 to vector<16xi32>
      %eq3A_1849 = arith.cmpi eq, %iota3A, %eq3A_1848 : vector<16xi32>
      %select_n3A_1850 = arith.select %eq3A_1849, %add3A_1846, %select_n3A_1814 : vector<16xi1>, vector<16xf32>
      %mul3A_1851 = arith.constant 2 : i32
      %mul3A_1852 = arith.muli %add3A_1242, %mul3A_1851 : i32
      %add3A_1853 = arith.constant 0 : i32
      %add3A_1854 = arith.addi %mul3A_1852, %add3A_1853 : i32
      %swap3A_1855 = arith.index_cast %add3A_1854 : i32 to index
      %swap3A_1856 = arith.constant 0 : index
      %swap3A_1857 = tpu.vector_load %arg8[%swap3A_1855, %swap3A_1856] {strides = array<i32>} : memref<16x16xf32, #tpu.memory_space<vmem>>, vector<1x16xf32>,
      %swap3A_1858 = vector.shape_cast %swap3A_1857 : vector<1x16xf32> to vector<16xf32>
      %swap3A_1859 = vector.shape_cast %select_n3A_1850 : vector<16xf32> to vector<1x16xf32>
      tpu.vector_store %arg8[%swap3A_1855, %swap3A_1856], %swap3A_1859 {strides = array<i32>} : memref<16x16xf32, #tpu.memory_space<vmem>>, vector<1x16xf32>,
      %broadcast_in_dim3A_1860 = arith.constant 0.000000e+00 : f32
      %broadcast_in_dim3A_1861 = vector.broadcast %broadcast_in_dim3A_1860 : f32 to vector<16xf32>
      %xor3A_1862 = arith.constant 1 : i32
      %xor3A_1863 = vector.broadcast %xor3A_1862 : i32 to vector<16xi32>
      %xor3A_1864 = arith.xori %iota3A, %xor3A_1863 : vector<16xi32>
      %broadcast_in_dim3A_1865 = vector.shape_cast %xor3A_1864 : vector<16xi32> to vector<16x1xi32>
      %gather3A_1866 = vector.shape_cast %broadcast_in_dim3A_1865 : vector<16x1xi32> to vector<16xi32>
      %gather3A_1867 = tpu.dynamic_gather %scan3A_1271#16[%gather3A_1866] in [0] : vector<16xf32>, vector<16xi32> -> vector<16xf32>
      %add3A_1868 = arith.addf %scan3A_1271#16, %gather3A_1867 : vector<16xf32>
      %xor3A_1869 = arith.constant 2 : i32
      %xor3A_1870 = vector.broadcast %xor3A_1869 : i32 to vector<16xi32>
      %xor3A_1871 = arith.xori %iota3A, %xor3A_1870 : vector<16xi32>
      %broadcast_in_dim3A_1872 = vector.shape_cast %xor3A_1871 : vector<16xi32> to vector<16x1xi32>
      %gather3A_1873 = vector.shape_cast %broadcast_in_dim3A_1872 : vector<16x1xi32> to vector<16xi32>
      %gather3A_1874 = tpu.dynamic_gather %add3A_1868[%gather3A_1873] in [0] : vector<16xf32>, vector<16xi32> -> vector<16xf32>
      %add3A_1875 = arith.addf %add3A_1868, %gather3A_1874 : vector<16xf32>
      %xor3A_1876 = arith.constant 4 : i32
      %xor3A_1877 = vector.broadcast %xor3A_1876 : i32 to vector<16xi32>
      %xor3A_1878 = arith.xori %iota3A, %xor3A_1877 : vector<16xi32>
      %broadcast_in_dim3A_1879 = vector.shape_cast %xor3A_1878 : vector<16xi32> to vector<16x1xi32>
      %gather3A_1880 = vector.shape_cast %broadcast_in_dim3A_1879 : vector<16x1xi32> to vector<16xi32>
      %gather3A_1881 = tpu.dynamic_gather %add3A_1875[%gather3A_1880] in [0] : vector<16xf32>, vector<16xi32> -> vector<16xf32>
      %add3A_1882 = arith.addf %add3A_1875, %gather3A_1881 : vector<16xf32>
      %xor3A_1883 = arith.constant 8 : i32
      %xor3A_1884 = vector.broadcast %xor3A_1883 : i32 to vector<16xi32>
      %xor3A_1885 = arith.xori %iota3A, %xor3A_1884 : vector<16xi32>
      %broadcast_in_dim3A_1886 = vector.shape_cast %xor3A_1885 : vector<16xi32> to vector<16x1xi32>
      %gather3A_1887 = vector.shape_cast %broadcast_in_dim3A_1886 : vector<16x1xi32> to vector<16xi32>
      %gather3A_1888 = tpu.dynamic_gather %add3A_1882[%gather3A_1887] in [0] : vector<16xf32>, vector<16xi32> -> vector<16xf32>
      %add3A_1889 = arith.addf %add3A_1882, %gather3A_1888 : vector<16xf32>
      %slice3A_1890 = vector.extract_strided_slice %get3A_40 {offsets = [0], sizes = [1], strides = [1]} : vector<16xf32> to vector<1xf32>
      %squeeze3A_1891 = vector.extract %slice3A_1890[0] : f32 from vector<1xf32>
      %add3A_1892 = vector.broadcast %squeeze3A_1891 : f32 to vector<16xf32>
      %add3A_1893 = arith.addf %add3A_1889, %add3A_1892 : vector<16xf32>
      %eq3A_1894 = arith.constant 0 : i32
      %eq3A_1895 = vector.broadcast %eq3A_1894 : i32 to vector<16xi32>
      %eq3A_1896 = arith.cmpi eq, %iota3A, %eq3A_1895 : vector<16xi32>
      %select_n3A_1897 = arith.select %eq3A_1896, %add3A_1893, %broadcast_in_dim3A_1861 : vector<16xi1>, vector<16xf32>
      %xor3A_1898 = arith.constant 1 : i32
      %xor3A_1899 = vector.broadcast %xor3A_1898 : i32 to vector<16xi32>
      %xor3A_1900 = arith.xori %iota3A, %xor3A_1899 : vector<16xi32>
      %broadcast_in_dim3A_1901 = vector.shape_cast %xor3A_1900 : vector<16xi32> to vector<16x1xi32>
      %gather3A_1902 = vector.shape_cast %broadcast_in_dim3A_1901 : vector<16x1xi32> to vector<16xi32>
      %gather3A_1903 = tpu.dynamic_gather %scan3A_1271#17[%gather3A_1902] in [0] : vector<16xf32>, vector<16xi32> -> vector<16xf32>
      %add3A_1904 = arith.addf %scan3A_1271#17, %gather3A_1903 : vector<16xf32>
      %xor3A_1905 = arith.constant 2 : i32
      %xor3A_1906 = vector.broadcast %xor3A_1905 : i32 to vector<16xi32>
      %xor3A_1907 = arith.xori %iota3A, %xor3A_1906 : vector<16xi32>
      %broadcast_in_dim3A_1908 = vector.shape_cast %xor3A_1907 : vector<16xi32> to vector<16x1xi32>
      %gather3A_1909 = vector.shape_cast %broadcast_in_dim3A_1908 : vector<16x1xi32> to vector<16xi32>
      %gather3A_1910 = tpu.dynamic_gather %add3A_1904[%gather3A_1909] in [0] : vector<16xf32>, vector<16xi32> -> vector<16xf32>
      %add3A_1911 = arith.addf %add3A_1904, %gather3A_1910 : vector<16xf32>
      %xor3A_1912 = arith.constant 4 : i32
      %xor3A_1913 = vector.broadcast %xor3A_1912 : i32 to vector<16xi32>
      %xor3A_1914 = arith.xori %iota3A, %xor3A_1913 : vector<16xi32>
      %broadcast_in_dim3A_1915 = vector.shape_cast %xor3A_1914 : vector<16xi32> to vector<16x1xi32>
      %gather3A_1916 = vector.shape_cast %broadcast_in_dim3A_1915 : vector<16x1xi32> to vector<16xi32>
      %gather3A_1917 = tpu.dynamic_gather %add3A_1911[%gather3A_1916] in [0] : vector<16xf32>, vector<16xi32> -> vector<16xf32>
      %add3A_1918 = arith.addf %add3A_1911, %gather3A_1917 : vector<16xf32>
      %xor3A_1919 = arith.constant 8 : i32
      %xor3A_1920 = vector.broadcast %xor3A_1919 : i32 to vector<16xi32>
      %xor3A_1921 = arith.xori %iota3A, %xor3A_1920 : vector<16xi32>
      %broadcast_in_dim3A_1922 = vector.shape_cast %xor3A_1921 : vector<16xi32> to vector<16x1xi32>
      %gather3A_1923 = vector.shape_cast %broadcast_in_dim3A_1922 : vector<16x1xi32> to vector<16xi32>
      %gather3A_1924 = tpu.dynamic_gather %add3A_1918[%gather3A_1923] in [0] : vector<16xf32>, vector<16xi32> -> vector<16xf32>
      %add3A_1925 = arith.addf %add3A_1918, %gather3A_1924 : vector<16xf32>
      %slice3A_1926 = vector.extract_strided_slice %get3A_40 {offsets = [1], sizes = [1], strides = [1]} : vector<16xf32> to vector<1xf32>
      %squeeze3A_1927 = vector.extract %slice3A_1926[0] : f32 from vector<1xf32>
      %add3A_1928 = vector.broadcast %squeeze3A_1927 : f32 to vector<16xf32>
      %add3A_1929 = arith.addf %add3A_1925, %add3A_1928 : vector<16xf32>
      %eq3A_1930 = arith.constant 1 : i32
      %eq3A_1931 = vector.broadcast %eq3A_1930 : i32 to vector<16xi32>
      %eq3A_1932 = arith.cmpi eq, %iota3A, %eq3A_1931 : vector<16xi32>
      %select_n3A_1933 = arith.select %eq3A_1932, %add3A_1929, %select_n3A_1897 : vector<16xi1>, vector<16xf32>
      %xor3A_1934 = arith.constant 1 : i32
      %xor3A_1935 = vector.broadcast %xor3A_1934 : i32 to vector<16xi32>
      %xor3A_1936 = arith.xori %iota3A, %xor3A_1935 : vector<16xi32>
      %broadcast_in_dim3A_1937 = vector.shape_cast %xor3A_1936 : vector<16xi32> to vector<16x1xi32>
      %gather3A_1938 = vector.shape_cast %broadcast_in_dim3A_1937 : vector<16x1xi32> to vector<16xi32>
      %gather3A_1939 = tpu.dynamic_gather %scan3A_1271#18[%gather3A_1938] in [0] : vector<16xf32>, vector<16xi32> -> vector<16xf32>
      %add3A_1940 = arith.addf %scan3A_1271#18, %gather3A_1939 : vector<16xf32>
      %xor3A_1941 = arith.constant 2 : i32
      %xor3A_1942 = vector.broadcast %xor3A_1941 : i32 to vector<16xi32>
      %xor3A_1943 = arith.xori %iota3A, %xor3A_1942 : vector<16xi32>
      %broadcast_in_dim3A_1944 = vector.shape_cast %xor3A_1943 : vector<16xi32> to vector<16x1xi32>
      %gather3A_1945 = vector.shape_cast %broadcast_in_dim3A_1944 : vector<16x1xi32> to vector<16xi32>
      %gather3A_1946 = tpu.dynamic_gather %add3A_1940[%gather3A_1945] in [0] : vector<16xf32>, vector<16xi32> -> vector<16xf32>
      %add3A_1947 = arith.addf %add3A_1940, %gather3A_1946 : vector<16xf32>
      %xor3A_1948 = arith.constant 4 : i32
      %xor3A_1949 = vector.broadcast %xor3A_1948 : i32 to vector<16xi32>
      %xor3A_1950 = arith.xori %iota3A, %xor3A_1949 : vector<16xi32>
      %broadcast_in_dim3A_1951 = vector.shape_cast %xor3A_1950 : vector<16xi32> to vector<16x1xi32>
      %gather3A_1952 = vector.shape_cast %broadcast_in_dim3A_1951 : vector<16x1xi32> to vector<16xi32>
      %gather3A_1953 = tpu.dynamic_gather %add3A_1947[%gather3A_1952] in [0] : vector<16xf32>, vector<16xi32> -> vector<16xf32>
      %add3A_1954 = arith.addf %add3A_1947, %gather3A_1953 : vector<16xf32>
      %xor3A_1955 = arith.constant 8 : i32
      %xor3A_1956 = vector.broadcast %xor3A_1955 : i32 to vector<16xi32>
      %xor3A_1957 = arith.xori %iota3A, %xor3A_1956 : vector<16xi32>
      %broadcast_in_dim3A_1958 = vector.shape_cast %xor3A_1957 : vector<16xi32> to vector<16x1xi32>
      %gather3A_1959 = vector.shape_cast %broadcast_in_dim3A_1958 : vector<16x1xi32> to vector<16xi32>
      %gather3A_1960 = tpu.dynamic_gather %add3A_1954[%gather3A_1959] in [0] : vector<16xf32>, vector<16xi32> -> vector<16xf32>
      %add3A_1961 = arith.addf %add3A_1954, %gather3A_1960 : vector<16xf32>
      %slice3A_1962 = vector.extract_strided_slice %get3A_40 {offsets = [2], sizes = [1], strides = [1]} : vector<16xf32> to vector<1xf32>
      %squeeze3A_1963 = vector.extract %slice3A_1962[0] : f32 from vector<1xf32>
      %add3A_1964 = vector.broadcast %squeeze3A_1963 : f32 to vector<16xf32>
      %add3A_1965 = arith.addf %add3A_1961, %add3A_1964 : vector<16xf32>
      %eq3A_1966 = arith.constant 2 : i32
      %eq3A_1967 = vector.broadcast %eq3A_1966 : i32 to vector<16xi32>
      %eq3A_1968 = arith.cmpi eq, %iota3A, %eq3A_1967 : vector<16xi32>
      %select_n3A_1969 = arith.select %eq3A_1968, %add3A_1965, %select_n3A_1933 : vector<16xi1>, vector<16xf32>
      %xor3A_1970 = arith.constant 1 : i32
      %xor3A_1971 = vector.broadcast %xor3A_1970 : i32 to vector<16xi32>
      %xor3A_1972 = arith.xori %iota3A, %xor3A_1971 : vector<16xi32>
      %broadcast_in_dim3A_1973 = vector.shape_cast %xor3A_1972 : vector<16xi32> to vector<16x1xi32>
      %gather3A_1974 = vector.shape_cast %broadcast_in_dim3A_1973 : vector<16x1xi32> to vector<16xi32>
      %gather3A_1975 = tpu.dynamic_gather %scan3A_1271#19[%gather3A_1974] in [0] : vector<16xf32>, vector<16xi32> -> vector<16xf32>
      %add3A_1976 = arith.addf %scan3A_1271#19, %gather3A_1975 : vector<16xf32>
      %xor3A_1977 = arith.constant 2 : i32
      %xor3A_1978 = vector.broadcast %xor3A_1977 : i32 to vector<16xi32>
      %xor3A_1979 = arith.xori %iota3A, %xor3A_1978 : vector<16xi32>
      %broadcast_in_dim3A_1980 = vector.shape_cast %xor3A_1979 : vector<16xi32> to vector<16x1xi32>
      %gather3A_1981 = vector.shape_cast %broadcast_in_dim3A_1980 : vector<16x1xi32> to vector<16xi32>
      %gather3A_1982 = tpu.dynamic_gather %add3A_1976[%gather3A_1981] in [0] : vector<16xf32>, vector<16xi32> -> vector<16xf32>
      %add3A_1983 = arith.addf %add3A_1976, %gather3A_1982 : vector<16xf32>
      %xor3A_1984 = arith.constant 4 : i32
      %xor3A_1985 = vector.broadcast %xor3A_1984 : i32 to vector<16xi32>
      %xor3A_1986 = arith.xori %iota3A, %xor3A_1985 : vector<16xi32>
      %broadcast_in_dim3A_1987 = vector.shape_cast %xor3A_1986 : vector<16xi32> to vector<16x1xi32>
      %gather3A_1988 = vector.shape_cast %broadcast_in_dim3A_1987 : vector<16x1xi32> to vector<16xi32>
      %gather3A_1989 = tpu.dynamic_gather %add3A_1983[%gather3A_1988] in [0] : vector<16xf32>, vector<16xi32> -> vector<16xf32>
      %add3A_1990 = arith.addf %add3A_1983, %gather3A_1989 : vector<16xf32>
      %xor3A_1991 = arith.constant 8 : i32
      %xor3A_1992 = vector.broadcast %xor3A_1991 : i32 to vector<16xi32>
      %xor3A_1993 = arith.xori %iota3A, %xor3A_1992 : vector<16xi32>
      %broadcast_in_dim3A_1994 = vector.shape_cast %xor3A_1993 : vector<16xi32> to vector<16x1xi32>
      %gather3A_1995 = vector.shape_cast %broadcast_in_dim3A_1994 : vector<16x1xi32> to vector<16xi32>
      %gather3A_1996 = tpu.dynamic_gather %add3A_1990[%gather3A_1995] in [0] : vector<16xf32>, vector<16xi32> -> vector<16xf32>
      %add3A_1997 = arith.addf %add3A_1990, %gather3A_1996 : vector<16xf32>
      %slice3A_1998 = vector.extract_strided_slice %get3A_40 {offsets = [3], sizes = [1], strides = [1]} : vector<16xf32> to vector<1xf32>
      %squeeze3A_1999 = vector.extract %slice3A_1998[0] : f32 from vector<1xf32>
      %add3A_2000 = vector.broadcast %squeeze3A_1999 : f32 to vector<16xf32>
      %add3A_2001 = arith.addf %add3A_1997, %add3A_2000 : vector<16xf32>
      %eq3A_2002 = arith.constant 3 : i32
      %eq3A_2003 = vector.broadcast %eq3A_2002 : i32 to vector<16xi32>
      %eq3A_2004 = arith.cmpi eq, %iota3A, %eq3A_2003 : vector<16xi32>
      %select_n3A_2005 = arith.select %eq3A_2004, %add3A_2001, %select_n3A_1969 : vector<16xi1>, vector<16xf32>
      %xor3A_2006 = arith.constant 1 : i32
      %xor3A_2007 = vector.broadcast %xor3A_2006 : i32 to vector<16xi32>
      %xor3A_2008 = arith.xori %iota3A, %xor3A_2007 : vector<16xi32>
      %broadcast_in_dim3A_2009 = vector.shape_cast %xor3A_2008 : vector<16xi32> to vector<16x1xi32>
      %gather3A_2010 = vector.shape_cast %broadcast_in_dim3A_2009 : vector<16x1xi32> to vector<16xi32>
      %gather3A_2011 = tpu.dynamic_gather %scan3A_1271#20[%gather3A_2010] in [0] : vector<16xf32>, vector<16xi32> -> vector<16xf32>
      %add3A_2012 = arith.addf %scan3A_1271#20, %gather3A_2011 : vector<16xf32>
      %xor3A_2013 = arith.constant 2 : i32
      %xor3A_2014 = vector.broadcast %xor3A_2013 : i32 to vector<16xi32>
      %xor3A_2015 = arith.xori %iota3A, %xor3A_2014 : vector<16xi32>
      %broadcast_in_dim3A_2016 = vector.shape_cast %xor3A_2015 : vector<16xi32> to vector<16x1xi32>
      %gather3A_2017 = vector.shape_cast %broadcast_in_dim3A_2016 : vector<16x1xi32> to vector<16xi32>
      %gather3A_2018 = tpu.dynamic_gather %add3A_2012[%gather3A_2017] in [0] : vector<16xf32>, vector<16xi32> -> vector<16xf32>
      %add3A_2019 = arith.addf %add3A_2012, %gather3A_2018 : vector<16xf32>
      %xor3A_2020 = arith.constant 4 : i32
      %xor3A_2021 = vector.broadcast %xor3A_2020 : i32 to vector<16xi32>
      %xor3A_2022 = arith.xori %iota3A, %xor3A_2021 : vector<16xi32>
      %broadcast_in_dim3A_2023 = vector.shape_cast %xor3A_2022 : vector<16xi32> to vector<16x1xi32>
      %gather3A_2024 = vector.shape_cast %broadcast_in_dim3A_2023 : vector<16x1xi32> to vector<16xi32>
      %gather3A_2025 = tpu.dynamic_gather %add3A_2019[%gather3A_2024] in [0] : vector<16xf32>, vector<16xi32> -> vector<16xf32>
      %add3A_2026 = arith.addf %add3A_2019, %gather3A_2025 : vector<16xf32>
      %xor3A_2027 = arith.constant 8 : i32
      %xor3A_2028 = vector.broadcast %xor3A_2027 : i32 to vector<16xi32>
      %xor3A_2029 = arith.xori %iota3A, %xor3A_2028 : vector<16xi32>
      %broadcast_in_dim3A_2030 = vector.shape_cast %xor3A_2029 : vector<16xi32> to vector<16x1xi32>
      %gather3A_2031 = vector.shape_cast %broadcast_in_dim3A_2030 : vector<16x1xi32> to vector<16xi32>
      %gather3A_2032 = tpu.dynamic_gather %add3A_2026[%gather3A_2031] in [0] : vector<16xf32>, vector<16xi32> -> vector<16xf32>
      %add3A_2033 = arith.addf %add3A_2026, %gather3A_2032 : vector<16xf32>
      %slice3A_2034 = vector.extract_strided_slice %get3A_40 {offsets = [0], sizes = [1], strides = [1]} : vector<16xf32> to vector<1xf32>
      %squeeze3A_2035 = vector.extract %slice3A_2034[0] : f32 from vector<1xf32>
      %add3A_2036 = vector.broadcast %squeeze3A_2035 : f32 to vector<16xf32>
      %add3A_2037 = arith.addf %add3A_2033, %add3A_2036 : vector<16xf32>
      %eq3A_2038 = arith.constant 4 : i32
      %eq3A_2039 = vector.broadcast %eq3A_2038 : i32 to vector<16xi32>
      %eq3A_2040 = arith.cmpi eq, %iota3A, %eq3A_2039 : vector<16xi32>
      %select_n3A_2041 = arith.select %eq3A_2040, %add3A_2037, %select_n3A_2005 : vector<16xi1>, vector<16xf32>
      %xor3A_2042 = arith.constant 1 : i32
      %xor3A_2043 = vector.broadcast %xor3A_2042 : i32 to vector<16xi32>
      %xor3A_2044 = arith.xori %iota3A, %xor3A_2043 : vector<16xi32>
      %broadcast_in_dim3A_2045 = vector.shape_cast %xor3A_2044 : vector<16xi32> to vector<16x1xi32>
      %gather3A_2046 = vector.shape_cast %broadcast_in_dim3A_2045 : vector<16x1xi32> to vector<16xi32>
      %gather3A_2047 = tpu.dynamic_gather %scan3A_1271#21[%gather3A_2046] in [0] : vector<16xf32>, vector<16xi32> -> vector<16xf32>
      %add3A_2048 = arith.addf %scan3A_1271#21, %gather3A_2047 : vector<16xf32>
      %xor3A_2049 = arith.constant 2 : i32
      %xor3A_2050 = vector.broadcast %xor3A_2049 : i32 to vector<16xi32>
      %xor3A_2051 = arith.xori %iota3A, %xor3A_2050 : vector<16xi32>
      %broadcast_in_dim3A_2052 = vector.shape_cast %xor3A_2051 : vector<16xi32> to vector<16x1xi32>
      %gather3A_2053 = vector.shape_cast %broadcast_in_dim3A_2052 : vector<16x1xi32> to vector<16xi32>
      %gather3A_2054 = tpu.dynamic_gather %add3A_2048[%gather3A_2053] in [0] : vector<16xf32>, vector<16xi32> -> vector<16xf32>
      %add3A_2055 = arith.addf %add3A_2048, %gather3A_2054 : vector<16xf32>
      %xor3A_2056 = arith.constant 4 : i32
      %xor3A_2057 = vector.broadcast %xor3A_2056 : i32 to vector<16xi32>
      %xor3A_2058 = arith.xori %iota3A, %xor3A_2057 : vector<16xi32>
      %broadcast_in_dim3A_2059 = vector.shape_cast %xor3A_2058 : vector<16xi32> to vector<16x1xi32>
      %gather3A_2060 = vector.shape_cast %broadcast_in_dim3A_2059 : vector<16x1xi32> to vector<16xi32>
      %gather3A_2061 = tpu.dynamic_gather %add3A_2055[%gather3A_2060] in [0] : vector<16xf32>, vector<16xi32> -> vector<16xf32>
      %add3A_2062 = arith.addf %add3A_2055, %gather3A_2061 : vector<16xf32>
      %xor3A_2063 = arith.constant 8 : i32
      %xor3A_2064 = vector.broadcast %xor3A_2063 : i32 to vector<16xi32>
      %xor3A_2065 = arith.xori %iota3A, %xor3A_2064 : vector<16xi32>
      %broadcast_in_dim3A_2066 = vector.shape_cast %xor3A_2065 : vector<16xi32> to vector<16x1xi32>
      %gather3A_2067 = vector.shape_cast %broadcast_in_dim3A_2066 : vector<16x1xi32> to vector<16xi32>
      %gather3A_2068 = tpu.dynamic_gather %add3A_2062[%gather3A_2067] in [0] : vector<16xf32>, vector<16xi32> -> vector<16xf32>
      %add3A_2069 = arith.addf %add3A_2062, %gather3A_2068 : vector<16xf32>
      %slice3A_2070 = vector.extract_strided_slice %get3A_40 {offsets = [1], sizes = [1], strides = [1]} : vector<16xf32> to vector<1xf32>
      %squeeze3A_2071 = vector.extract %slice3A_2070[0] : f32 from vector<1xf32>
      %add3A_2072 = vector.broadcast %squeeze3A_2071 : f32 to vector<16xf32>
      %add3A_2073 = arith.addf %add3A_2069, %add3A_2072 : vector<16xf32>
      %eq3A_2074 = arith.constant 5 : i32
      %eq3A_2075 = vector.broadcast %eq3A_2074 : i32 to vector<16xi32>
      %eq3A_2076 = arith.cmpi eq, %iota3A, %eq3A_2075 : vector<16xi32>
      %select_n3A_2077 = arith.select %eq3A_2076, %add3A_2073, %select_n3A_2041 : vector<16xi1>, vector<16xf32>
      %xor3A_2078 = arith.constant 1 : i32
      %xor3A_2079 = vector.broadcast %xor3A_2078 : i32 to vector<16xi32>
      %xor3A_2080 = arith.xori %iota3A, %xor3A_2079 : vector<16xi32>
      %broadcast_in_dim3A_2081 = vector.shape_cast %xor3A_2080 : vector<16xi32> to vector<16x1xi32>
      %gather3A_2082 = vector.shape_cast %broadcast_in_dim3A_2081 : vector<16x1xi32> to vector<16xi32>
      %gather3A_2083 = tpu.dynamic_gather %scan3A_1271#22[%gather3A_2082] in [0] : vector<16xf32>, vector<16xi32> -> vector<16xf32>
      %add3A_2084 = arith.addf %scan3A_1271#22, %gather3A_2083 : vector<16xf32>
      %xor3A_2085 = arith.constant 2 : i32
      %xor3A_2086 = vector.broadcast %xor3A_2085 : i32 to vector<16xi32>
      %xor3A_2087 = arith.xori %iota3A, %xor3A_2086 : vector<16xi32>
      %broadcast_in_dim3A_2088 = vector.shape_cast %xor3A_2087 : vector<16xi32> to vector<16x1xi32>
      %gather3A_2089 = vector.shape_cast %broadcast_in_dim3A_2088 : vector<16x1xi32> to vector<16xi32>
      %gather3A_2090 = tpu.dynamic_gather %add3A_2084[%gather3A_2089] in [0] : vector<16xf32>, vector<16xi32> -> vector<16xf32>
      %add3A_2091 = arith.addf %add3A_2084, %gather3A_2090 : vector<16xf32>
      %xor3A_2092 = arith.constant 4 : i32
      %xor3A_2093 = vector.broadcast %xor3A_2092 : i32 to vector<16xi32>
      %xor3A_2094 = arith.xori %iota3A, %xor3A_2093 : vector<16xi32>
      %broadcast_in_dim3A_2095 = vector.shape_cast %xor3A_2094 : vector<16xi32> to vector<16x1xi32>
      %gather3A_2096 = vector.shape_cast %broadcast_in_dim3A_2095 : vector<16x1xi32> to vector<16xi32>
      %gather3A_2097 = tpu.dynamic_gather %add3A_2091[%gather3A_2096] in [0] : vector<16xf32>, vector<16xi32> -> vector<16xf32>
      %add3A_2098 = arith.addf %add3A_2091, %gather3A_2097 : vector<16xf32>
      %xor3A_2099 = arith.constant 8 : i32
      %xor3A_2100 = vector.broadcast %xor3A_2099 : i32 to vector<16xi32>
      %xor3A_2101 = arith.xori %iota3A, %xor3A_2100 : vector<16xi32>
      %broadcast_in_dim3A_2102 = vector.shape_cast %xor3A_2101 : vector<16xi32> to vector<16x1xi32>
      %gather3A_2103 = vector.shape_cast %broadcast_in_dim3A_2102 : vector<16x1xi32> to vector<16xi32>
      %gather3A_2104 = tpu.dynamic_gather %add3A_2098[%gather3A_2103] in [0] : vector<16xf32>, vector<16xi32> -> vector<16xf32>
      %add3A_2105 = arith.addf %add3A_2098, %gather3A_2104 : vector<16xf32>
      %slice3A_2106 = vector.extract_strided_slice %get3A_40 {offsets = [2], sizes = [1], strides = [1]} : vector<16xf32> to vector<1xf32>
      %squeeze3A_2107 = vector.extract %slice3A_2106[0] : f32 from vector<1xf32>
      %add3A_2108 = vector.broadcast %squeeze3A_2107 : f32 to vector<16xf32>
      %add3A_2109 = arith.addf %add3A_2105, %add3A_2108 : vector<16xf32>
      %eq3A_2110 = arith.constant 6 : i32
      %eq3A_2111 = vector.broadcast %eq3A_2110 : i32 to vector<16xi32>
      %eq3A_2112 = arith.cmpi eq, %iota3A, %eq3A_2111 : vector<16xi32>
      %select_n3A_2113 = arith.select %eq3A_2112, %add3A_2109, %select_n3A_2077 : vector<16xi1>, vector<16xf32>
      %xor3A_2114 = arith.constant 1 : i32
      %xor3A_2115 = vector.broadcast %xor3A_2114 : i32 to vector<16xi32>
      %xor3A_2116 = arith.xori %iota3A, %xor3A_2115 : vector<16xi32>
      %broadcast_in_dim3A_2117 = vector.shape_cast %xor3A_2116 : vector<16xi32> to vector<16x1xi32>
      %gather3A_2118 = vector.shape_cast %broadcast_in_dim3A_2117 : vector<16x1xi32> to vector<16xi32>
      %gather3A_2119 = tpu.dynamic_gather %scan3A_1271#23[%gather3A_2118] in [0] : vector<16xf32>, vector<16xi32> -> vector<16xf32>
      %add3A_2120 = arith.addf %scan3A_1271#23, %gather3A_2119 : vector<16xf32>
      %xor3A_2121 = arith.constant 2 : i32
      %xor3A_2122 = vector.broadcast %xor3A_2121 : i32 to vector<16xi32>
      %xor3A_2123 = arith.xori %iota3A, %xor3A_2122 : vector<16xi32>
      %broadcast_in_dim3A_2124 = vector.shape_cast %xor3A_2123 : vector<16xi32> to vector<16x1xi32>
      %gather3A_2125 = vector.shape_cast %broadcast_in_dim3A_2124 : vector<16x1xi32> to vector<16xi32>
      %gather3A_2126 = tpu.dynamic_gather %add3A_2120[%gather3A_2125] in [0] : vector<16xf32>, vector<16xi32> -> vector<16xf32>
      %add3A_2127 = arith.addf %add3A_2120, %gather3A_2126 : vector<16xf32>
      %xor3A_2128 = arith.constant 4 : i32
      %xor3A_2129 = vector.broadcast %xor3A_2128 : i32 to vector<16xi32>
      %xor3A_2130 = arith.xori %iota3A, %xor3A_2129 : vector<16xi32>
      %broadcast_in_dim3A_2131 = vector.shape_cast %xor3A_2130 : vector<16xi32> to vector<16x1xi32>
      %gather3A_2132 = vector.shape_cast %broadcast_in_dim3A_2131 : vector<16x1xi32> to vector<16xi32>
      %gather3A_2133 = tpu.dynamic_gather %add3A_2127[%gather3A_2132] in [0] : vector<16xf32>, vector<16xi32> -> vector<16xf32>
      %add3A_2134 = arith.addf %add3A_2127, %gather3A_2133 : vector<16xf32>
      %xor3A_2135 = arith.constant 8 : i32
      %xor3A_2136 = vector.broadcast %xor3A_2135 : i32 to vector<16xi32>
      %xor3A_2137 = arith.xori %iota3A, %xor3A_2136 : vector<16xi32>
      %broadcast_in_dim3A_2138 = vector.shape_cast %xor3A_2137 : vector<16xi32> to vector<16x1xi32>
      %gather3A_2139 = vector.shape_cast %broadcast_in_dim3A_2138 : vector<16x1xi32> to vector<16xi32>
      %gather3A_2140 = tpu.dynamic_gather %add3A_2134[%gather3A_2139] in [0] : vector<16xf32>, vector<16xi32> -> vector<16xf32>
      %add3A_2141 = arith.addf %add3A_2134, %gather3A_2140 : vector<16xf32>
      %slice3A_2142 = vector.extract_strided_slice %get3A_40 {offsets = [3], sizes = [1], strides = [1]} : vector<16xf32> to vector<1xf32>
      %squeeze3A_2143 = vector.extract %slice3A_2142[0] : f32 from vector<1xf32>
      %add3A_2144 = vector.broadcast %squeeze3A_2143 : f32 to vector<16xf32>
      %add3A_2145 = arith.addf %add3A_2141, %add3A_2144 : vector<16xf32>
      %eq3A_2146 = arith.constant 7 : i32
      %eq3A_2147 = vector.broadcast %eq3A_2146 : i32 to vector<16xi32>
      %eq3A_2148 = arith.cmpi eq, %iota3A, %eq3A_2147 : vector<16xi32>
      %select_n3A_2149 = arith.select %eq3A_2148, %add3A_2145, %select_n3A_2113 : vector<16xi1>, vector<16xf32>
      %xor3A_2150 = arith.constant 1 : i32
      %xor3A_2151 = vector.broadcast %xor3A_2150 : i32 to vector<16xi32>
      %xor3A_2152 = arith.xori %iota3A, %xor3A_2151 : vector<16xi32>
      %broadcast_in_dim3A_2153 = vector.shape_cast %xor3A_2152 : vector<16xi32> to vector<16x1xi32>
      %gather3A_2154 = vector.shape_cast %broadcast_in_dim3A_2153 : vector<16x1xi32> to vector<16xi32>
      %gather3A_2155 = tpu.dynamic_gather %scan3A_1271#24[%gather3A_2154] in [0] : vector<16xf32>, vector<16xi32> -> vector<16xf32>
      %add3A_2156 = arith.addf %scan3A_1271#24, %gather3A_2155 : vector<16xf32>
      %xor3A_2157 = arith.constant 2 : i32
      %xor3A_2158 = vector.broadcast %xor3A_2157 : i32 to vector<16xi32>
      %xor3A_2159 = arith.xori %iota3A, %xor3A_2158 : vector<16xi32>
      %broadcast_in_dim3A_2160 = vector.shape_cast %xor3A_2159 : vector<16xi32> to vector<16x1xi32>
      %gather3A_2161 = vector.shape_cast %broadcast_in_dim3A_2160 : vector<16x1xi32> to vector<16xi32>
      %gather3A_2162 = tpu.dynamic_gather %add3A_2156[%gather3A_2161] in [0] : vector<16xf32>, vector<16xi32> -> vector<16xf32>
      %add3A_2163 = arith.addf %add3A_2156, %gather3A_2162 : vector<16xf32>
      %xor3A_2164 = arith.constant 4 : i32
      %xor3A_2165 = vector.broadcast %xor3A_2164 : i32 to vector<16xi32>
      %xor3A_2166 = arith.xori %iota3A, %xor3A_2165 : vector<16xi32>
      %broadcast_in_dim3A_2167 = vector.shape_cast %xor3A_2166 : vector<16xi32> to vector<16x1xi32>
      %gather3A_2168 = vector.shape_cast %broadcast_in_dim3A_2167 : vector<16x1xi32> to vector<16xi32>
      %gather3A_2169 = tpu.dynamic_gather %add3A_2163[%gather3A_2168] in [0] : vector<16xf32>, vector<16xi32> -> vector<16xf32>
      %add3A_2170 = arith.addf %add3A_2163, %gather3A_2169 : vector<16xf32>
      %xor3A_2171 = arith.constant 8 : i32
      %xor3A_2172 = vector.broadcast %xor3A_2171 : i32 to vector<16xi32>
      %xor3A_2173 = arith.xori %iota3A, %xor3A_2172 : vector<16xi32>
      %broadcast_in_dim3A_2174 = vector.shape_cast %xor3A_2173 : vector<16xi32> to vector<16x1xi32>
      %gather3A_2175 = vector.shape_cast %broadcast_in_dim3A_2174 : vector<16x1xi32> to vector<16xi32>
      %gather3A_2176 = tpu.dynamic_gather %add3A_2170[%gather3A_2175] in [0] : vector<16xf32>, vector<16xi32> -> vector<16xf32>
      %add3A_2177 = arith.addf %add3A_2170, %gather3A_2176 : vector<16xf32>
      %slice3A_2178 = vector.extract_strided_slice %get3A_40 {offsets = [0], sizes = [1], strides = [1]} : vector<16xf32> to vector<1xf32>
      %squeeze3A_2179 = vector.extract %slice3A_2178[0] : f32 from vector<1xf32>
      %add3A_2180 = vector.broadcast %squeeze3A_2179 : f32 to vector<16xf32>
      %add3A_2181 = arith.addf %add3A_2177, %add3A_2180 : vector<16xf32>
      %eq3A_2182 = arith.constant 8 : i32
      %eq3A_2183 = vector.broadcast %eq3A_2182 : i32 to vector<16xi32>
      %eq3A_2184 = arith.cmpi eq, %iota3A, %eq3A_2183 : vector<16xi32>
      %select_n3A_2185 = arith.select %eq3A_2184, %add3A_2181, %select_n3A_2149 : vector<16xi1>, vector<16xf32>
      %xor3A_2186 = arith.constant 1 : i32
      %xor3A_2187 = vector.broadcast %xor3A_2186 : i32 to vector<16xi32>
      %xor3A_2188 = arith.xori %iota3A, %xor3A_2187 : vector<16xi32>
      %broadcast_in_dim3A_2189 = vector.shape_cast %xor3A_2188 : vector<16xi32> to vector<16x1xi32>
      %gather3A_2190 = vector.shape_cast %broadcast_in_dim3A_2189 : vector<16x1xi32> to vector<16xi32>
      %gather3A_2191 = tpu.dynamic_gather %scan3A_1271#25[%gather3A_2190] in [0] : vector<16xf32>, vector<16xi32> -> vector<16xf32>
      %add3A_2192 = arith.addf %scan3A_1271#25, %gather3A_2191 : vector<16xf32>
      %xor3A_2193 = arith.constant 2 : i32
      %xor3A_2194 = vector.broadcast %xor3A_2193 : i32 to vector<16xi32>
      %xor3A_2195 = arith.xori %iota3A, %xor3A_2194 : vector<16xi32>
      %broadcast_in_dim3A_2196 = vector.shape_cast %xor3A_2195 : vector<16xi32> to vector<16x1xi32>
      %gather3A_2197 = vector.shape_cast %broadcast_in_dim3A_2196 : vector<16x1xi32> to vector<16xi32>
      %gather3A_2198 = tpu.dynamic_gather %add3A_2192[%gather3A_2197] in [0] : vector<16xf32>, vector<16xi32> -> vector<16xf32>
      %add3A_2199 = arith.addf %add3A_2192, %gather3A_2198 : vector<16xf32>
      %xor3A_2200 = arith.constant 4 : i32
      %xor3A_2201 = vector.broadcast %xor3A_2200 : i32 to vector<16xi32>
      %xor3A_2202 = arith.xori %iota3A, %xor3A_2201 : vector<16xi32>
      %broadcast_in_dim3A_2203 = vector.shape_cast %xor3A_2202 : vector<16xi32> to vector<16x1xi32>
      %gather3A_2204 = vector.shape_cast %broadcast_in_dim3A_2203 : vector<16x1xi32> to vector<16xi32>
      %gather3A_2205 = tpu.dynamic_gather %add3A_2199[%gather3A_2204] in [0] : vector<16xf32>, vector<16xi32> -> vector<16xf32>
      %add3A_2206 = arith.addf %add3A_2199, %gather3A_2205 : vector<16xf32>
      %xor3A_2207 = arith.constant 8 : i32
      %xor3A_2208 = vector.broadcast %xor3A_2207 : i32 to vector<16xi32>
      %xor3A_2209 = arith.xori %iota3A, %xor3A_2208 : vector<16xi32>
      %broadcast_in_dim3A_2210 = vector.shape_cast %xor3A_2209 : vector<16xi32> to vector<16x1xi32>
      %gather3A_2211 = vector.shape_cast %broadcast_in_dim3A_2210 : vector<16x1xi32> to vector<16xi32>
      %gather3A_2212 = tpu.dynamic_gather %add3A_2206[%gather3A_2211] in [0] : vector<16xf32>, vector<16xi32> -> vector<16xf32>
      %add3A_2213 = arith.addf %add3A_2206, %gather3A_2212 : vector<16xf32>
      %slice3A_2214 = vector.extract_strided_slice %get3A_40 {offsets = [1], sizes = [1], strides = [1]} : vector<16xf32> to vector<1xf32>
      %squeeze3A_2215 = vector.extract %slice3A_2214[0] : f32 from vector<1xf32>
      %add3A_2216 = vector.broadcast %squeeze3A_2215 : f32 to vector<16xf32>
      %add3A_2217 = arith.addf %add3A_2213, %add3A_2216 : vector<16xf32>
      %eq3A_2218 = arith.constant 9 : i32
      %eq3A_2219 = vector.broadcast %eq3A_2218 : i32 to vector<16xi32>
      %eq3A_2220 = arith.cmpi eq, %iota3A, %eq3A_2219 : vector<16xi32>
      %select_n3A_2221 = arith.select %eq3A_2220, %add3A_2217, %select_n3A_2185 : vector<16xi1>, vector<16xf32>
      %xor3A_2222 = arith.constant 1 : i32
      %xor3A_2223 = vector.broadcast %xor3A_2222 : i32 to vector<16xi32>
      %xor3A_2224 = arith.xori %iota3A, %xor3A_2223 : vector<16xi32>
      %broadcast_in_dim3A_2225 = vector.shape_cast %xor3A_2224 : vector<16xi32> to vector<16x1xi32>
      %gather3A_2226 = vector.shape_cast %broadcast_in_dim3A_2225 : vector<16x1xi32> to vector<16xi32>
      %gather3A_2227 = tpu.dynamic_gather %scan3A_1271#26[%gather3A_2226] in [0] : vector<16xf32>, vector<16xi32> -> vector<16xf32>
      %add3A_2228 = arith.addf %scan3A_1271#26, %gather3A_2227 : vector<16xf32>
      %xor3A_2229 = arith.constant 2 : i32
      %xor3A_2230 = vector.broadcast %xor3A_2229 : i32 to vector<16xi32>
      %xor3A_2231 = arith.xori %iota3A, %xor3A_2230 : vector<16xi32>
      %broadcast_in_dim3A_2232 = vector.shape_cast %xor3A_2231 : vector<16xi32> to vector<16x1xi32>
      %gather3A_2233 = vector.shape_cast %broadcast_in_dim3A_2232 : vector<16x1xi32> to vector<16xi32>
      %gather3A_2234 = tpu.dynamic_gather %add3A_2228[%gather3A_2233] in [0] : vector<16xf32>, vector<16xi32> -> vector<16xf32>
      %add3A_2235 = arith.addf %add3A_2228, %gather3A_2234 : vector<16xf32>
      %xor3A_2236 = arith.constant 4 : i32
      %xor3A_2237 = vector.broadcast %xor3A_2236 : i32 to vector<16xi32>
      %xor3A_2238 = arith.xori %iota3A, %xor3A_2237 : vector<16xi32>
      %broadcast_in_dim3A_2239 = vector.shape_cast %xor3A_2238 : vector<16xi32> to vector<16x1xi32>
      %gather3A_2240 = vector.shape_cast %broadcast_in_dim3A_2239 : vector<16x1xi32> to vector<16xi32>
      %gather3A_2241 = tpu.dynamic_gather %add3A_2235[%gather3A_2240] in [0] : vector<16xf32>, vector<16xi32> -> vector<16xf32>
      %add3A_2242 = arith.addf %add3A_2235, %gather3A_2241 : vector<16xf32>
      %xor3A_2243 = arith.constant 8 : i32
      %xor3A_2244 = vector.broadcast %xor3A_2243 : i32 to vector<16xi32>
      %xor3A_2245 = arith.xori %iota3A, %xor3A_2244 : vector<16xi32>
      %broadcast_in_dim3A_2246 = vector.shape_cast %xor3A_2245 : vector<16xi32> to vector<16x1xi32>
      %gather3A_2247 = vector.shape_cast %broadcast_in_dim3A_2246 : vector<16x1xi32> to vector<16xi32>
      %gather3A_2248 = tpu.dynamic_gather %add3A_2242[%gather3A_2247] in [0] : vector<16xf32>, vector<16xi32> -> vector<16xf32>
      %add3A_2249 = arith.addf %add3A_2242, %gather3A_2248 : vector<16xf32>
      %slice3A_2250 = vector.extract_strided_slice %get3A_40 {offsets = [2], sizes = [1], strides = [1]} : vector<16xf32> to vector<1xf32>
      %squeeze3A_2251 = vector.extract %slice3A_2250[0] : f32 from vector<1xf32>
      %add3A_2252 = vector.broadcast %squeeze3A_2251 : f32 to vector<16xf32>
      %add3A_2253 = arith.addf %add3A_2249, %add3A_2252 : vector<16xf32>
      %eq3A_2254 = arith.constant 10 : i32
      %eq3A_2255 = vector.broadcast %eq3A_2254 : i32 to vector<16xi32>
      %eq3A_2256 = arith.cmpi eq, %iota3A, %eq3A_2255 : vector<16xi32>
      %select_n3A_2257 = arith.select %eq3A_2256, %add3A_2253, %select_n3A_2221 : vector<16xi1>, vector<16xf32>
      %xor3A_2258 = arith.constant 1 : i32
      %xor3A_2259 = vector.broadcast %xor3A_2258 : i32 to vector<16xi32>
      %xor3A_2260 = arith.xori %iota3A, %xor3A_2259 : vector<16xi32>
      %broadcast_in_dim3A_2261 = vector.shape_cast %xor3A_2260 : vector<16xi32> to vector<16x1xi32>
      %gather3A_2262 = vector.shape_cast %broadcast_in_dim3A_2261 : vector<16x1xi32> to vector<16xi32>
      %gather3A_2263 = tpu.dynamic_gather %scan3A_1271#27[%gather3A_2262] in [0] : vector<16xf32>, vector<16xi32> -> vector<16xf32>
      %add3A_2264 = arith.addf %scan3A_1271#27, %gather3A_2263 : vector<16xf32>
      %xor3A_2265 = arith.constant 2 : i32
      %xor3A_2266 = vector.broadcast %xor3A_2265 : i32 to vector<16xi32>
      %xor3A_2267 = arith.xori %iota3A, %xor3A_2266 : vector<16xi32>
      %broadcast_in_dim3A_2268 = vector.shape_cast %xor3A_2267 : vector<16xi32> to vector<16x1xi32>
      %gather3A_2269 = vector.shape_cast %broadcast_in_dim3A_2268 : vector<16x1xi32> to vector<16xi32>
      %gather3A_2270 = tpu.dynamic_gather %add3A_2264[%gather3A_2269] in [0] : vector<16xf32>, vector<16xi32> -> vector<16xf32>
      %add3A_2271 = arith.addf %add3A_2264, %gather3A_2270 : vector<16xf32>
      %xor3A_2272 = arith.constant 4 : i32
      %xor3A_2273 = vector.broadcast %xor3A_2272 : i32 to vector<16xi32>
      %xor3A_2274 = arith.xori %iota3A, %xor3A_2273 : vector<16xi32>
      %broadcast_in_dim3A_2275 = vector.shape_cast %xor3A_2274 : vector<16xi32> to vector<16x1xi32>
      %gather3A_2276 = vector.shape_cast %broadcast_in_dim3A_2275 : vector<16x1xi32> to vector<16xi32>
      %gather3A_2277 = tpu.dynamic_gather %add3A_2271[%gather3A_2276] in [0] : vector<16xf32>, vector<16xi32> -> vector<16xf32>
      %add3A_2278 = arith.addf %add3A_2271, %gather3A_2277 : vector<16xf32>
      %xor3A_2279 = arith.constant 8 : i32
      %xor3A_2280 = vector.broadcast %xor3A_2279 : i32 to vector<16xi32>
      %xor3A_2281 = arith.xori %iota3A, %xor3A_2280 : vector<16xi32>
      %broadcast_in_dim3A_2282 = vector.shape_cast %xor3A_2281 : vector<16xi32> to vector<16x1xi32>
      %gather3A_2283 = vector.shape_cast %broadcast_in_dim3A_2282 : vector<16x1xi32> to vector<16xi32>
      %gather3A_2284 = tpu.dynamic_gather %add3A_2278[%gather3A_2283] in [0] : vector<16xf32>, vector<16xi32> -> vector<16xf32>
      %add3A_2285 = arith.addf %add3A_2278, %gather3A_2284 : vector<16xf32>
      %slice3A_2286 = vector.extract_strided_slice %get3A_40 {offsets = [3], sizes = [1], strides = [1]} : vector<16xf32> to vector<1xf32>
      %squeeze3A_2287 = vector.extract %slice3A_2286[0] : f32 from vector<1xf32>
      %add3A_2288 = vector.broadcast %squeeze3A_2287 : f32 to vector<16xf32>
      %add3A_2289 = arith.addf %add3A_2285, %add3A_2288 : vector<16xf32>
      %eq3A_2290 = arith.constant 11 : i32
      %eq3A_2291 = vector.broadcast %eq3A_2290 : i32 to vector<16xi32>
      %eq3A_2292 = arith.cmpi eq, %iota3A, %eq3A_2291 : vector<16xi32>
      %select_n3A_2293 = arith.select %eq3A_2292, %add3A_2289, %select_n3A_2257 : vector<16xi1>, vector<16xf32>
      %xor3A_2294 = arith.constant 1 : i32
      %xor3A_2295 = vector.broadcast %xor3A_2294 : i32 to vector<16xi32>
      %xor3A_2296 = arith.xori %iota3A, %xor3A_2295 : vector<16xi32>
      %broadcast_in_dim3A_2297 = vector.shape_cast %xor3A_2296 : vector<16xi32> to vector<16x1xi32>
      %gather3A_2298 = vector.shape_cast %broadcast_in_dim3A_2297 : vector<16x1xi32> to vector<16xi32>
      %gather3A_2299 = tpu.dynamic_gather %scan3A_1271#28[%gather3A_2298] in [0] : vector<16xf32>, vector<16xi32> -> vector<16xf32>
      %add3A_2300 = arith.addf %scan3A_1271#28, %gather3A_2299 : vector<16xf32>
      %xor3A_2301 = arith.constant 2 : i32
      %xor3A_2302 = vector.broadcast %xor3A_2301 : i32 to vector<16xi32>
      %xor3A_2303 = arith.xori %iota3A, %xor3A_2302 : vector<16xi32>
      %broadcast_in_dim3A_2304 = vector.shape_cast %xor3A_2303 : vector<16xi32> to vector<16x1xi32>
      %gather3A_2305 = vector.shape_cast %broadcast_in_dim3A_2304 : vector<16x1xi32> to vector<16xi32>
      %gather3A_2306 = tpu.dynamic_gather %add3A_2300[%gather3A_2305] in [0] : vector<16xf32>, vector<16xi32> -> vector<16xf32>
      %add3A_2307 = arith.addf %add3A_2300, %gather3A_2306 : vector<16xf32>
      %xor3A_2308 = arith.constant 4 : i32
      %xor3A_2309 = vector.broadcast %xor3A_2308 : i32 to vector<16xi32>
      %xor3A_2310 = arith.xori %iota3A, %xor3A_2309 : vector<16xi32>
      %broadcast_in_dim3A_2311 = vector.shape_cast %xor3A_2310 : vector<16xi32> to vector<16x1xi32>
      %gather3A_2312 = vector.shape_cast %broadcast_in_dim3A_2311 : vector<16x1xi32> to vector<16xi32>
      %gather3A_2313 = tpu.dynamic_gather %add3A_2307[%gather3A_2312] in [0] : vector<16xf32>, vector<16xi32> -> vector<16xf32>
      %add3A_2314 = arith.addf %add3A_2307, %gather3A_2313 : vector<16xf32>
      %xor3A_2315 = arith.constant 8 : i32
      %xor3A_2316 = vector.broadcast %xor3A_2315 : i32 to vector<16xi32>
      %xor3A_2317 = arith.xori %iota3A, %xor3A_2316 : vector<16xi32>
      %broadcast_in_dim3A_2318 = vector.shape_cast %xor3A_2317 : vector<16xi32> to vector<16x1xi32>
      %gather3A_2319 = vector.shape_cast %broadcast_in_dim3A_2318 : vector<16x1xi32> to vector<16xi32>
      %gather3A_2320 = tpu.dynamic_gather %add3A_2314[%gather3A_2319] in [0] : vector<16xf32>, vector<16xi32> -> vector<16xf32>
      %add3A_2321 = arith.addf %add3A_2314, %gather3A_2320 : vector<16xf32>
      %slice3A_2322 = vector.extract_strided_slice %get3A_40 {offsets = [0], sizes = [1], strides = [1]} : vector<16xf32> to vector<1xf32>
      %squeeze3A_2323 = vector.extract %slice3A_2322[0] : f32 from vector<1xf32>
      %add3A_2324 = vector.broadcast %squeeze3A_2323 : f32 to vector<16xf32>
      %add3A_2325 = arith.addf %add3A_2321, %add3A_2324 : vector<16xf32>
      %eq3A_2326 = arith.constant 12 : i32
      %eq3A_2327 = vector.broadcast %eq3A_2326 : i32 to vector<16xi32>
      %eq3A_2328 = arith.cmpi eq, %iota3A, %eq3A_2327 : vector<16xi32>
      %select_n3A_2329 = arith.select %eq3A_2328, %add3A_2325, %select_n3A_2293 : vector<16xi1>, vector<16xf32>
      %xor3A_2330 = arith.constant 1 : i32
      %xor3A_2331 = vector.broadcast %xor3A_2330 : i32 to vector<16xi32>
      %xor3A_2332 = arith.xori %iota3A, %xor3A_2331 : vector<16xi32>
      %broadcast_in_dim3A_2333 = vector.shape_cast %xor3A_2332 : vector<16xi32> to vector<16x1xi32>
      %gather3A_2334 = vector.shape_cast %broadcast_in_dim3A_2333 : vector<16x1xi32> to vector<16xi32>
      %gather3A_2335 = tpu.dynamic_gather %scan3A_1271#29[%gather3A_2334] in [0] : vector<16xf32>, vector<16xi32> -> vector<16xf32>
      %add3A_2336 = arith.addf %scan3A_1271#29, %gather3A_2335 : vector<16xf32>
      %xor3A_2337 = arith.constant 2 : i32
      %xor3A_2338 = vector.broadcast %xor3A_2337 : i32 to vector<16xi32>
      %xor3A_2339 = arith.xori %iota3A, %xor3A_2338 : vector<16xi32>
      %broadcast_in_dim3A_2340 = vector.shape_cast %xor3A_2339 : vector<16xi32> to vector<16x1xi32>
      %gather3A_2341 = vector.shape_cast %broadcast_in_dim3A_2340 : vector<16x1xi32> to vector<16xi32>
      %gather3A_2342 = tpu.dynamic_gather %add3A_2336[%gather3A_2341] in [0] : vector<16xf32>, vector<16xi32> -> vector<16xf32>
      %add3A_2343 = arith.addf %add3A_2336, %gather3A_2342 : vector<16xf32>
      %xor3A_2344 = arith.constant 4 : i32
      %xor3A_2345 = vector.broadcast %xor3A_2344 : i32 to vector<16xi32>
      %xor3A_2346 = arith.xori %iota3A, %xor3A_2345 : vector<16xi32>
      %broadcast_in_dim3A_2347 = vector.shape_cast %xor3A_2346 : vector<16xi32> to vector<16x1xi32>
      %gather3A_2348 = vector.shape_cast %broadcast_in_dim3A_2347 : vector<16x1xi32> to vector<16xi32>
      %gather3A_2349 = tpu.dynamic_gather %add3A_2343[%gather3A_2348] in [0] : vector<16xf32>, vector<16xi32> -> vector<16xf32>
      %add3A_2350 = arith.addf %add3A_2343, %gather3A_2349 : vector<16xf32>
      %xor3A_2351 = arith.constant 8 : i32
      %xor3A_2352 = vector.broadcast %xor3A_2351 : i32 to vector<16xi32>
      %xor3A_2353 = arith.xori %iota3A, %xor3A_2352 : vector<16xi32>
      %broadcast_in_dim3A_2354 = vector.shape_cast %xor3A_2353 : vector<16xi32> to vector<16x1xi32>
      %gather3A_2355 = vector.shape_cast %broadcast_in_dim3A_2354 : vector<16x1xi32> to vector<16xi32>
      %gather3A_2356 = tpu.dynamic_gather %add3A_2350[%gather3A_2355] in [0] : vector<16xf32>, vector<16xi32> -> vector<16xf32>
      %add3A_2357 = arith.addf %add3A_2350, %gather3A_2356 : vector<16xf32>
      %slice3A_2358 = vector.extract_strided_slice %get3A_40 {offsets = [1], sizes = [1], strides = [1]} : vector<16xf32> to vector<1xf32>
      %squeeze3A_2359 = vector.extract %slice3A_2358[0] : f32 from vector<1xf32>
      %add3A_2360 = vector.broadcast %squeeze3A_2359 : f32 to vector<16xf32>
      %add3A_2361 = arith.addf %add3A_2357, %add3A_2360 : vector<16xf32>
      %eq3A_2362 = arith.constant 13 : i32
      %eq3A_2363 = vector.broadcast %eq3A_2362 : i32 to vector<16xi32>
      %eq3A_2364 = arith.cmpi eq, %iota3A, %eq3A_2363 : vector<16xi32>
      %select_n3A_2365 = arith.select %eq3A_2364, %add3A_2361, %select_n3A_2329 : vector<16xi1>, vector<16xf32>
      %xor3A_2366 = arith.constant 1 : i32
      %xor3A_2367 = vector.broadcast %xor3A_2366 : i32 to vector<16xi32>
      %xor3A_2368 = arith.xori %iota3A, %xor3A_2367 : vector<16xi32>
      %broadcast_in_dim3A_2369 = vector.shape_cast %xor3A_2368 : vector<16xi32> to vector<16x1xi32>
      %gather3A_2370 = vector.shape_cast %broadcast_in_dim3A_2369 : vector<16x1xi32> to vector<16xi32>
      %gather3A_2371 = tpu.dynamic_gather %scan3A_1271#30[%gather3A_2370] in [0] : vector<16xf32>, vector<16xi32> -> vector<16xf32>
      %add3A_2372 = arith.addf %scan3A_1271#30, %gather3A_2371 : vector<16xf32>
      %xor3A_2373 = arith.constant 2 : i32
      %xor3A_2374 = vector.broadcast %xor3A_2373 : i32 to vector<16xi32>
      %xor3A_2375 = arith.xori %iota3A, %xor3A_2374 : vector<16xi32>
      %broadcast_in_dim3A_2376 = vector.shape_cast %xor3A_2375 : vector<16xi32> to vector<16x1xi32>
      %gather3A_2377 = vector.shape_cast %broadcast_in_dim3A_2376 : vector<16x1xi32> to vector<16xi32>
      %gather3A_2378 = tpu.dynamic_gather %add3A_2372[%gather3A_2377] in [0] : vector<16xf32>, vector<16xi32> -> vector<16xf32>
      %add3A_2379 = arith.addf %add3A_2372, %gather3A_2378 : vector<16xf32>
      %xor3A_2380 = arith.constant 4 : i32
      %xor3A_2381 = vector.broadcast %xor3A_2380 : i32 to vector<16xi32>
      %xor3A_2382 = arith.xori %iota3A, %xor3A_2381 : vector<16xi32>
      %broadcast_in_dim3A_2383 = vector.shape_cast %xor3A_2382 : vector<16xi32> to vector<16x1xi32>
      %gather3A_2384 = vector.shape_cast %broadcast_in_dim3A_2383 : vector<16x1xi32> to vector<16xi32>
      %gather3A_2385 = tpu.dynamic_gather %add3A_2379[%gather3A_2384] in [0] : vector<16xf32>, vector<16xi32> -> vector<16xf32>
      %add3A_2386 = arith.addf %add3A_2379, %gather3A_2385 : vector<16xf32>
      %xor3A_2387 = arith.constant 8 : i32
      %xor3A_2388 = vector.broadcast %xor3A_2387 : i32 to vector<16xi32>
      %xor3A_2389 = arith.xori %iota3A, %xor3A_2388 : vector<16xi32>
      %broadcast_in_dim3A_2390 = vector.shape_cast %xor3A_2389 : vector<16xi32> to vector<16x1xi32>
      %gather3A_2391 = vector.shape_cast %broadcast_in_dim3A_2390 : vector<16x1xi32> to vector<16xi32>
      %gather3A_2392 = tpu.dynamic_gather %add3A_2386[%gather3A_2391] in [0] : vector<16xf32>, vector<16xi32> -> vector<16xf32>
      %add3A_2393 = arith.addf %add3A_2386, %gather3A_2392 : vector<16xf32>
      %slice3A_2394 = vector.extract_strided_slice %get3A_40 {offsets = [2], sizes = [1], strides = [1]} : vector<16xf32> to vector<1xf32>
      %squeeze3A_2395 = vector.extract %slice3A_2394[0] : f32 from vector<1xf32>
      %add3A_2396 = vector.broadcast %squeeze3A_2395 : f32 to vector<16xf32>
      %add3A_2397 = arith.addf %add3A_2393, %add3A_2396 : vector<16xf32>
      %eq3A_2398 = arith.constant 14 : i32
      %eq3A_2399 = vector.broadcast %eq3A_2398 : i32 to vector<16xi32>
      %eq3A_2400 = arith.cmpi eq, %iota3A, %eq3A_2399 : vector<16xi32>
      %select_n3A_2401 = arith.select %eq3A_2400, %add3A_2397, %select_n3A_2365 : vector<16xi1>, vector<16xf32>
      %xor3A_2402 = arith.constant 1 : i32
      %xor3A_2403 = vector.broadcast %xor3A_2402 : i32 to vector<16xi32>
      %xor3A_2404 = arith.xori %iota3A, %xor3A_2403 : vector<16xi32>
      %broadcast_in_dim3A_2405 = vector.shape_cast %xor3A_2404 : vector<16xi32> to vector<16x1xi32>
      %gather3A_2406 = vector.shape_cast %broadcast_in_dim3A_2405 : vector<16x1xi32> to vector<16xi32>
      %gather3A_2407 = tpu.dynamic_gather %scan3A_1271#31[%gather3A_2406] in [0] : vector<16xf32>, vector<16xi32> -> vector<16xf32>
      %add3A_2408 = arith.addf %scan3A_1271#31, %gather3A_2407 : vector<16xf32>
      %xor3A_2409 = arith.constant 2 : i32
      %xor3A_2410 = vector.broadcast %xor3A_2409 : i32 to vector<16xi32>
      %xor3A_2411 = arith.xori %iota3A, %xor3A_2410 : vector<16xi32>
      %broadcast_in_dim3A_2412 = vector.shape_cast %xor3A_2411 : vector<16xi32> to vector<16x1xi32>
      %gather3A_2413 = vector.shape_cast %broadcast_in_dim3A_2412 : vector<16x1xi32> to vector<16xi32>
      %gather3A_2414 = tpu.dynamic_gather %add3A_2408[%gather3A_2413] in [0] : vector<16xf32>, vector<16xi32> -> vector<16xf32>
      %add3A_2415 = arith.addf %add3A_2408, %gather3A_2414 : vector<16xf32>
      %xor3A_2416 = arith.constant 4 : i32
      %xor3A_2417 = vector.broadcast %xor3A_2416 : i32 to vector<16xi32>
      %xor3A_2418 = arith.xori %iota3A, %xor3A_2417 : vector<16xi32>
      %broadcast_in_dim3A_2419 = vector.shape_cast %xor3A_2418 : vector<16xi32> to vector<16x1xi32>
      %gather3A_2420 = vector.shape_cast %broadcast_in_dim3A_2419 : vector<16x1xi32> to vector<16xi32>
      %gather3A_2421 = tpu.dynamic_gather %add3A_2415[%gather3A_2420] in [0] : vector<16xf32>, vector<16xi32> -> vector<16xf32>
      %add3A_2422 = arith.addf %add3A_2415, %gather3A_2421 : vector<16xf32>
      %xor3A_2423 = arith.constant 8 : i32
      %xor3A_2424 = vector.broadcast %xor3A_2423 : i32 to vector<16xi32>
      %xor3A_2425 = arith.xori %iota3A, %xor3A_2424 : vector<16xi32>
      %broadcast_in_dim3A_2426 = vector.shape_cast %xor3A_2425 : vector<16xi32> to vector<16x1xi32>
      %gather3A_2427 = vector.shape_cast %broadcast_in_dim3A_2426 : vector<16x1xi32> to vector<16xi32>
      %gather3A_2428 = tpu.dynamic_gather %add3A_2422[%gather3A_2427] in [0] : vector<16xf32>, vector<16xi32> -> vector<16xf32>
      %add3A_2429 = arith.addf %add3A_2422, %gather3A_2428 : vector<16xf32>
      %slice3A_2430 = vector.extract_strided_slice %get3A_40 {offsets = [3], sizes = [1], strides = [1]} : vector<16xf32> to vector<1xf32>
      %squeeze3A_2431 = vector.extract %slice3A_2430[0] : f32 from vector<1xf32>
      %add3A_2432 = vector.broadcast %squeeze3A_2431 : f32 to vector<16xf32>
      %add3A_2433 = arith.addf %add3A_2429, %add3A_2432 : vector<16xf32>
      %eq3A_2434 = arith.constant 15 : i32
      %eq3A_2435 = vector.broadcast %eq3A_2434 : i32 to vector<16xi32>
      %eq3A_2436 = arith.cmpi eq, %iota3A, %eq3A_2435 : vector<16xi32>
      %select_n3A_2437 = arith.select %eq3A_2436, %add3A_2433, %select_n3A_2401 : vector<16xi1>, vector<16xf32>
      %mul3A_2438 = arith.constant 2 : i32
      %mul3A_2439 = arith.muli %add3A_1242, %mul3A_2438 : i32
      %add3A_2440 = arith.constant 1 : i32
      %add3A_2441 = arith.addi %mul3A_2439, %add3A_2440 : i32
      %swap3A_2442 = arith.index_cast %add3A_2441 : i32 to index
      %swap3A_2443 = arith.constant 0 : index
      %swap3A_2444 = tpu.vector_load %arg8[%swap3A_2442, %swap3A_2443] {strides = array<i32>} : memref<16x16xf32, #tpu.memory_space<vmem>>, vector<1x16xf32>,
      %swap3A_2445 = vector.shape_cast %swap3A_2444 : vector<1x16xf32> to vector<16xf32>
      %swap3A_2446 = vector.shape_cast %select_n3A_2437 : vector<16xf32> to vector<1x16xf32>
      tpu.vector_store %arg8[%swap3A_2442, %swap3A_2443], %swap3A_2446 {strides = array<i32>} : memref<16x16xf32, #tpu.memory_space<vmem>>, vector<1x16xf32>,
      %scan3A_2447 = arith.constant 0 : i32
      scf.yield %scan3A_2447 : i32
    }
    %scan3A_29 = arith.constant 4 : i32
    %dma_start3A_30 = arith.constant 0 : i32
    %dma_start3A_31 = tpu.memref_slice %arg5[%multiple_of3A_7, %dma_start3A_30] : memref<512x16xf32, #tpu.memory_space<hbm>> -> memref<16x16xf32, #tpu.memory_space<hbm>>
    %dma_start3A_32 = arith.constant 0 : i32
    %dma_start3A_33 = tpu.memref_slice %arg5[%multiple_of3A_7, %dma_start3A_32] : memref<512x16xf32, #tpu.memory_space<hbm>> -> memref<16x16xf32, #tpu.memory_space<hbm>>
    tpu.enqueue_dma source(%arg8 : memref<16x16xf32, #tpu.memory_space<vmem>>) target(%dma_start3A_33 : memref<16x16xf32, #tpu.memory_space<hbm>>) target_semaphore(%arg12 : memref<!tpu.dma_semaphore, #tpu.memory_space<semaphore_mem>>)
    %dma_wait3A = arith.constant 0 : i32
    %dma_wait3A_34 = tpu.memref_slice %arg5[%multiple_of3A_7, %dma_wait3A] : memref<512x16xf32, #tpu.memory_space<hbm>> -> memref<16x16xf32, #tpu.memory_space<hbm>>
    %dma_wait3A_35 = arith.constant 0 : i32
    %dma_wait3A_36 = tpu.memref_slice %arg5[%multiple_of3A_7, %dma_wait3A_35] : memref<512x16xf32, #tpu.memory_space<hbm>> -> memref<16x16xf32, #tpu.memory_space<hbm>>
    tpu.wait_dma2 semaphore(%arg12 : memref<!tpu.dma_semaphore, #tpu.memory_space<semaphore_mem>>) src(%arg8 : memref<16x16xf32, #tpu.memory_space<vmem>>) dst(%dma_wait3A_36 : memref<16x16xf32, #tpu.memory_space<hbm>>)
    return
  }
}

module attributes {stable_mosaic.version = 14 : i64} {
  func.func @_tc_body(%arg0: i32, %arg1: memref<512x4096xf32, #tpu.memory_space<vmem>>, %arg2: memref<4096x4xbf16, #tpu.memory_space<vmem>>, %arg3: memref<1x4xf32, #tpu.memory_space<vmem>>, %arg4: memref<512x4xf32, #tpu.memory_space<vmem>>) attributes {dimension_semantics = [#tpu.dimension_semantics<arbitrary>], iteration_bounds = array<i64: 28>, scalar_prefetch = 0 : i64, scratch_operands = 0 : i64, tpu.core_type = #tpu.core_type<tc>, window_params = [{transform_indices = @transform_0, window_bounds = array<i64: 512, 4096>}, {pipeline_mode = #tpu.pipeline_mode<synchronous>, transform_indices = @transform_1, window_bounds = array<i64: 4096, 4>}, {pipeline_mode = #tpu.pipeline_mode<synchronous>, transform_indices = @transform_2, window_bounds = array<i64: 1, 4>}, {transform_indices = @transform_3, window_bounds = array<i64: 512, 4>}]} {
    %get3A = arith.constant 0 : index
    %get3A_0 = arith.constant 0 : index
    %get3A_1 = vector.load %arg1[%get3A, %get3A_0] : memref<512x4096xf32, #tpu.memory_space<vmem>>, vector<512x4096xf32>
    %convert_element_type3A = arith.truncf %get3A_1 : vector<512x4096xf32> to vector<512x4096xbf16>
    %get3A_2 = arith.constant 0 : index
    %get3A_3 = arith.constant 0 : index
    %get3A_4 = vector.load %arg2[%get3A_2, %get3A_3] : memref<4096x4xbf16, #tpu.memory_space<vmem>>, vector<4096x4xbf16>
    %dot_general3A = arith.constant dense<0.000000e+00> : vector<512x4xf32>
    %dot_general3A_5 = tpu.matmul %convert_element_type3A, %get3A_4, %dot_general3A {dimension_numbers = #tpu.dot_dimension_numbers<[1], [0], [0], [1], [0, 0, 1, 1], [], []>, transpose_lhs_hint = false} : vector<512x4096xbf16>, vector<4096x4xbf16>, vector<512x4xf32> -> vector<512x4xf32>
    %get3A_6 = arith.constant 0 : index
    %get3A_7 = arith.constant 0 : index
    %get3A_8 = vector.load %arg3[%get3A_6, %get3A_7] : memref<1x4xf32, #tpu.memory_space<vmem>>, vector<1x4xf32>
    %add3A = vector.broadcast %get3A_8 : vector<1x4xf32> to vector<512x4xf32>
    %add3A_9 = arith.addf %dot_general3A_5, %add3A : vector<512x4xf32>
    %swap3A = arith.constant 0 : index
    %swap3A_10 = arith.constant 0 : index
    %swap3A_11 = vector.load %arg4[%swap3A, %swap3A_10] : memref<512x4xf32, #tpu.memory_space<vmem>>, vector<512x4xf32>
    tpu.vector_store %arg4[%swap3A, %swap3A_10], %add3A_9 {strides = array<i32>} : memref<512x4xf32, #tpu.memory_space<vmem>>, vector<512x4xf32>,
    return
  }
  func.func @transform_0(%arg0: i32) -> (i32, i32) {
    %c0_i32 = arith.constant 0 : i32
    %c0_i32_0 = arith.constant 0 : i32
    return %arg0, %c0_i32 : i32, i32
  }
  func.func @transform_1(%arg0: i32) -> (i32, i32) {
    %c0_i32 = arith.constant 0 : i32
    %c0_i32_0 = arith.constant 0 : i32
    %c0_i32_1 = arith.constant 0 : i32
    return %c0_i32, %c0_i32_0 : i32, i32
  }
  func.func @transform_2(%arg0: i32) -> (i32, i32) {
    %c0_i32 = arith.constant 0 : i32
    %c0_i32_0 = arith.constant 0 : i32
    %c0_i32_1 = arith.constant 0 : i32
    return %c0_i32, %c0_i32_0 : i32, i32
  }
  func.func @transform_3(%arg0: i32) -> (i32, i32) {
    %c0_i32 = arith.constant 0 : i32
    %c0_i32_0 = arith.constant 0 : i32
    return %arg0, %c0_i32 : i32, i32
  }
}

</mosaic_0001>

<sc_bundles>
// kernel: kernel.5.cloned.1.call-start
scs
__scs_entry_jumppad:
0x0: {  	(pc) =	sbr.rel $0x88, $3  }
0x1: {  	(tag) =	ssettag $0x0;
	lr =	simm.s32 $0x1  }
0x2: {  	[smem:$0x3F9C] =	sst lr;
	_ =	strace $0xD0000000  }
0x3: {  	_ = 	snop  }
0x4: {  	_ = 	snop  }
0x5: {  	_ = 	snop  }
0x6: {  	_ = 	snop  }
0x7: {  	_ = 	snop  }
__scs_overlays_trampoline_lowered:
0x8: {  	[smem:$0x3FAB] =	sst s0  }
0x9: {  	[smem:$0x3FAC] =	sst s1  }
0xa: {  	[smem:$0x3FAD] =	sst s2  }
0xb: {  	[smem:$0x3FAE] =	sst s3  }
0xc: {  	[smem:$0x3FAF] =	sst s4  }
0xd: {  	[smem:$0x3FB0] =	sst s5  }
0xe: {  	[smem:$0x3FB1] =	sst s6  }
0xf: {  	[smem:$0x3FB2] =	sst s7  }
0x10: {  	[smem:$0x3FB3] =	sst s8  }
0x11: {  	[smem:$0x3FB4] =	sst s9;
	s0 =	simm.s32 @!p0 $0x0  }
0x12: {  	s1 =	sld [smem:$0x3F9A];
	s0 =	simm.s32 @p0 $0x1  }
0x13: {  	[smem:$0x3FB5] =	sst s0;
	s0 =	simm.s32 @!p1 $0x0  }
0x14: {  	s2 =	sld [smem:$0x3F99];
	s0 =	simm.s32 @p1 $0x1  }
0x15: {  	[smem:$0x3FB6] =	sst s0;
	s0 =	simm.s32 @!p2 $0x0  }
0x16: {  	s3 =	sld [smem:$0x3FDB];
	s0 =	simm.s32 @p2 $0x1  }
0x17: {  	s4 =	simm.s32 $0x1BF5;
	[smem:$0x3FB8] =	sst s0  }
0x18: {  	s0 =	sld [smem:$0x3F9B];
	_ =	swait.ge [sflag:s4], $0x0  }
0x19: {  	s7 =	sld [smem:$0x3F9C]  }
0x1a: {  	s8 =	sadd.s32 $0xFFFFE003, lr  }
0x1b: {  	s9 =	sadd.s32 $0xFFFFFEF7, lr;
	s5 =	simm.s32 $0xFFFFFFFF;
	p2 =	slt.u32 s8, $0xFFFFF086  }
0x1c: {  	p1 =	slt.u32 s9, $0xF7A;
	s5 =	simm.s32 @!p2 $0x0  }
0x1d: {  	s5 =	simm.s32 @p1 $0x1;
	p0 =	seq.s32 s7, s2  }
0x1e: {  	s7 =	smul.u32 @!p0 $0xF7A, s2;
	p2 =	seq.s32 @!p0 s5, $0x0  }
0x1f: {  	s9 =	smul.u32 $0xF7A, s1;
	s8 =	simm.s32 @!p0 $0x1BF5;
	p2 =	por !p2, p0  }
0x20: {  	[sflag:s8] =	ssyncset.s32 @!p0 $0xFFFFF086;
	s6 =	sadd.s32 @!p0 s3, s7;
	s7 =	simm.s32 @!p0 $0x108  }
0x21: {  	s3 =	sadd.s32 s3, s9;
	s6 =	sadd.s32 @!p0 $0x88, s6;
	s7 =	simm.s32 @p2 $0x1082  }
0x22: {  	[simem:s7], [sflag:s8] =	dma.local @!p0 [hbm:s6], $0xF7A  }
0x23: {  	s9 =	sor.u32 $0xD0000000, s2;
	s6 =	simm.s32 $0x108;
	_ =	swait.ge @!p0 [sflag:s8], $0x0  }
0x24: {  	s3 =	sadd.s32 $0x88, s3;
	s6 =	simm.s32 @!p1 $0x1082;
	[sflag:s4] =	ssyncset.s32 $0xFFFFF086  }
0x25: {  	[simem:s6], [sflag:s4] =	dma.local [hbm:s3], $0xF7A  }
0x26: {  	[smem:$0x3F9C] =	sst s1;
	(tag) =	ssettag s2;
	_ =	strace s9  }
0x27: {  	s1 =	sld [smem:$0x3FAC]  }
0x28: {  	s2 =	sld [smem:$0x3FAD]  }
0x29: {  	s4 =	sld [smem:$0x3FAF]  }
0x2a: {  	p0 =	seq.s32 s5, $0x0;
	s5 =	sld [smem:$0x3FB0]  }
0x2b: {  	s6 =	sld [smem:$0x3FB1]  }
0x2c: {  	s7 =	sld [smem:$0x3FB2]  }
0x2d: {  	s3 =	simm.s32 $0x108;
	s8 =	sld [smem:$0x3FB3]  }
0x2e: {  	s3 =	simm.s32 @!p0 $0x1082;
	s9 =	sld [smem:$0x3FB4]  }
0x2f: {  	lr =	sadd.s32 s0, s3;
	s0 =	sld [smem:$0x3FAB]  }
0x30: {  	s3 =	sld [smem:$0x3FAE]  }
0x31: {  	[smem:$0x3FB7] =	sst s10  }
0x32: {  	s10 =	sld [smem:$0x3FB5];
	_ =	sdelay $0x3  }
0x33: {  	p0 =	seq.s32 s10, $0x1;
	s10 =	sld [smem:$0x3FB7];
	_ =	sdelay $0x3  }
0x34: {  	[smem:$0x3FB7] =	sst s10  }
0x35: {  	s10 =	sld [smem:$0x3FB6];
	_ =	sdelay $0x3  }
0x36: {  	p1 =	seq.s32 s10, $0x1;
	s10 =	sld [smem:$0x3FB7];
	_ =	sdelay $0x3  }
0x37: {  	[smem:$0x3FB7] =	sst s10  }
0x38: {  	s10 =	sld [smem:$0x3FB8]  }
0x39: {  	_ = 	snop;
	(pc) =	sbr.ind lr, $3  }
0x3a: {  	_ = 	snop  }
0x3b: {  	_ = 	snop  }
0x3c: {  	p2 =	seq.s32 s10, $0x1;
	s10 =	sld [smem:$0x3FB7]  }
0x3d: {  	_ =	shalt  }
0x3e: {  	_ =	shalt  }
0x3f: {  	_ =	shalt  }
0x40: {  	_ =	shalt  }
0x41: {  	_ =	shalt  }
0x42: {  	_ =	shalt  }
0x43: {  	_ =	shalt  }
0x44: {  	_ =	shalt  }
0x45: {  	_ =	shalt  }
0x46: {  	_ =	shalt  }
0x47: {  	_ =	shalt  }
0x48: {  	_ =	shalt  }
0x49: {  	_ =	shalt  }
0x4a: {  	_ =	shalt  }
0x4b: {  	_ =	shalt  }
0x4c: {  	_ =	shalt  }
0x4d: {  	_ =	shalt  }
0x4e: {  	_ =	shalt  }
0x4f: {  	_ =	shalt  }
0x50: {  	_ =	shalt  }
0x51: {  	_ =	shalt  }
0x52: {  	_ =	shalt  }
0x53: {  	_ =	shalt  }
0x54: {  	_ =	shalt  }
0x55: {  	_ =	shalt  }
0x56: {  	_ =	shalt  }
0x57: {  	_ =	shalt  }
0x58: {  	_ =	shalt  }
0x59: {  	_ =	shalt  }
0x5a: {  	_ =	shalt  }
0x5b: {  	_ =	shalt  }
0x5c: {  	_ =	shalt  }
0x5d: {  	_ =	shalt  }
0x5e: {  	_ =	shalt  }
0x5f: {  	_ =	shalt  }
0x60: {  	_ =	shalt  }
0x61: {  	_ =	shalt  }
0x62: {  	_ =	shalt  }
0x63: {  	_ =	shalt  }
0x64: {  	_ =	shalt  }
0x65: {  	_ =	shalt  }
0x66: {  	_ =	shalt  }
0x67: {  	_ =	shalt  }
0x68: {  	_ =	shalt  }
0x69: {  	_ =	shalt  }
0x6a: {  	_ =	shalt  }
0x6b: {  	_ =	shalt  }
0x6c: {  	_ =	shalt  }
0x6d: {  	_ =	shalt  }
0x6e: {  	_ =	shalt  }
0x6f: {  	_ =	shalt  }
0x70: {  	_ =	shalt  }
0x71: {  	_ =	shalt  }
0x72: {  	_ =	shalt  }
0x73: {  	_ =	shalt  }
0x74: {  	_ =	shalt  }
0x75: {  	_ =	shalt  }
0x76: {  	_ =	shalt  }
0x77: {  	_ =	shalt  }
0x78: {  	_ =	shalt  }
0x79: {  	_ =	shalt  }
0x7a: {  	_ =	shalt  }
0x7b: {  	_ =	shalt  }
0x7c: {  	_ =	shalt  }
0x7d: {  	_ =	shalt  }
0x7e: {  	_ =	shalt  }
0x7f: {  	_ =	shalt  }
0x80: {  	_ =	shalt  }
0x81: {  	_ =	shalt  }
0x82: {  	_ =	shalt  }
0x83: {  	_ =	shalt  }
0x84: {  	_ =	shalt  }
0x85: {  	_ =	shalt  }
0x86: {  	_ =	shalt  }
0x87: {  	_ =	shalt  }
.Lfunc_end0:
.L_simem_size_0:
called_computation_lowered:
.L_overlay_start_0:
0x88: {  	s2 =	sld [smem:$0x3FD9]  }
0x89: {  	s3 =	sld [smem:$0x3FFE];
	_ =	sdelay $0x1  }
0x8a: {  	s1 =	srdreg.scid  }
0x8b: {  	s0 =	sand.u32 $0x1, s1  }
0x8c: {  	s17 =	sshll.u32 s0, $0xA;
	s2 =	sadd.s32 s3, s2  }
0x8d: {  	s2 =	sadd.s32 s2, s17  }
0x8e: {  	[smem:$0x3FC3] =	sst s2  }
0x8f: {  	_ = 	snop  }
0x90: {  	s2 =	sld [smem:$0x3FC9]  }
0x91: {  	s18 =	sld [smem:$0x3FC8]  }
0x92: {  	s4 =	sld [smem:$0x3FD0];
	(tm) =	ssettm $0x1  }
0x93: {  	s5 =	sld [smem:$0x3FFB];
	_ =	sdelay $0x3  }
0x94: {  	_ =	strace s5  }
0x95: {  	s5 =	sld [smem:$0x3FFC];
	_ =	sdelay $0x3  }
0x96: {  	_ =	strace s5  }
0x97: {  	s5 =	sld [smem:$0x3FFD];
	_ =	sdelay $0x3  }
0x98: {  	_ =	strace s5  }
0x99: {  	_ =	strace $0x8FFFFFFF  }
0x9a: {  	s19 =	sld [smem:$0x3FDB];
	_ =	sdelay $0x1  }
0x9b: {  	s6 =	simm.s32 $_scs_section_size  }
0x9c: {  	s7 =	simm.s32 $_size__tile_overlayer_lowered;
	s8 =	simm.s32 $_tile_overlayer_lowered  }
0x9d: {  	s22 =	simm.s32 $0x1BFF;
	s21 =	sshll.u32 s8, $0x1;
	s5 =	sadd.s32 s6, s19  }
0x9e: {  	s9 =	simm.s32 $0x0;
	s20 =	sshll.u32 s7, $0x1;
	s7 =	sadd.s32 s21, s5  }
0x9f: {  	[timem:s9], [sflag:s22] =	dma.local [hbm:s7], s20  }
0xa0: {  	_ =	swait.ge [sflag:s22], s20  }
0xa1: {  	s6 =	ssub.s32 $0x0, s20;
	[sflag:s22] =	ssyncset.done $0x0  }
0xa2: {  	[sflag:s22] =	ssyncadd.s32 s6;
	_ =	sdelay $0x1  }
0xa3: {  	s23 =	simm.s32 $0x1B8B  }
0xa4: {  	_ =	swait.ge [sflag:s23], $0x1  }
0xa5: {  	[sflag:s23] =	ssyncset.done $0x0  }
0xa6: {  	s25 =	simm.s32 $0x1B8E;
	s24 =	sld [smem:$0x3FFE];
	[sflag:s23] =	ssyncadd.s32 $0xFFFFFFFF  }
0xa7: {  	s26 =	simm.s32 $execute0_lowered;
	[smem:$0x3FD2] =	sst s25  }
0xa8: {  	s7 =	sshll.u32 s26, $0x1;
	_ =	strace $0x80000046;
	[dreg:$0x1] =	wrdreg $0xFFFFFFFF  }
0xa9: {  	s28 =	simm.s32 $_size_execute0_lowered;
	s5 =	sadd.s32 s5, s7;
	[dreg:$0x0] =	wrdreg $0x0  }
0xaa: {  	s7 =	sshll.u32 s28, $0x1;
	[dreg:$0x2] =	wrdreg s5  }
0xab: {  	[dreg:$0x3] =	wrdreg s7  }
0xac: {  	[dreg:$0x4] =	wrdreg $0xC0  }
0xad: {  	_ =	task [dreg:s9], $0x5FFFF  }
0xae: {  	[dreg:$0x1] =	wrdreg $0xFFFFFFFF  }
0xaf: {  	[dreg:$0x0] =	wrdreg $0x60  }
0xb0: {  	[dreg:$0x2] =	wrdreg s2  }
0xb1: {  	[dreg:$0x3] =	wrdreg s18  }
0xb2: {  	[dreg:$0x4] =	wrdreg s24  }
0xb3: {  	[dreg:$0x5] =	wrdreg s4  }
0xb4: {  	[dreg:$0x6] =	wrdreg $0x9  }
0xb5: {  	_ =	task.clear_ibuf [dreg:s9], $0x7FFFF;
	_ =	strace $0x90000046  }
0xb6: {  	s29 =	simm.s32 $0x9;
	_ =	strace $0x80000048  }
0xb7: {  	_ =	swait.ge [sflag:s29], $0x1  }
0xb8: {  	[sflag:s29] =	ssyncadd.s32 $0xFFFFFFFF  }
0xb9: {  	_ =	strace $0x90000048  }
0xba: {  	_ =	sfence  }
0xbb: {  	s30 =	sld [smem:$0x0];
	_ =	sdelay $0x2  }
0xbc: {  	s31 =	sshll.u32 s1, $0xD;
	s1 =	sshrl.u32 s1, $0x2  }
0xbd: {  	s3 =	sand.u32 $0x4000, s31;
	s1 =	sadd.s32 s1, s30  }
0xbe: {  	s0 =	sor.u32 s3, s0;
	s1 =	sshll.u32 s1, $0x11  }
0xbf: {  	s0 =	sor.u32 s1, s0  }
0xc0: {  	s0 =	sadd.s32 $0x8F2B, s0  }
0xc1: {  	[sflag:s0] =	ssyncadd.remote.s32 $0x1  }
0xc2: {  	_ =	sfence.sel $0xFFFF  }
0xc3: {  	[dreg:$0x0] =	wrdreg $0xFFFFFFFF;
	(pc) =	sbr.abs _section_cstart, $3  }
0xc4: {  	[dreg:$0x1] =	wrdreg $0xFFFFFFFF  }
0xc5: {  	_ =	task.clear_ibuf [dreg:s9], $0x2FFFF;
	_ =	strace $0x9FFFFFFF  }
0xc6: {  	(tm) =	ssettm $0x7FFFFFFF  }
0xc7: {  	_ =	shalt  }
tec
execute0_lowered:
.L_overlay_start_1:
0x0: {  	(tag) =	ssettag $0x1  }
0x1: {  	v0 =	vimm.s32 $0xEFCDAB89;
	v1 =	vimm.s32 $0x67452301  }
0x2: {  	v2 =	vimm.s32 $0xDCFE98BA;
	v3 =	vimm.s32 $0x54761032;
	v4 =	vimm.s32 $0xBA98FEDC  }
0x3: {  	s0 =	rddreg [dreg:$0x0];
	v5 =	vimm.s32 $0x32107654;
	v6 =	vimm.s32 $0xFEDCBA98;
	v7 =	vimm.s32 $0x76543210  }
0x4: {  	s1 =	rddreg [dreg:$0x1];
	vm0 =	vmmov $0x1;
	vm1 =	vmmov $0x3;
	vm2 =	vmmov $0x7  }
0x5: {  	s5 =	rddreg [dreg:$0x2];
	vm3 =	vmmov $0xf;
	vm4 =	vmmov $0x1f;
	vm5 =	vmmov $0x3f  }
0x6: {  	s3 =	srdreg.scid;
	s2 =	stileid.u32;
	vm6 =	vmmov $0x7f;
	vm7 =	vmmov $0xff;
	vm8 =	vmmov $0x1ff  }
0x7: {  	s9 =	rddreg [dreg:$0x3];
	s4 =	simm.s32 $0x0;
	s12 =	simm.s32 $0x4;
	vm9 =	vmmov $0x3ff;
	vm10 =	vmmov $0x7ff;
	vm11 =	vmmov $0xfff  }
0x8: {  	s13 =	simm.s32 $0x14800;
	s14 =	simm.s32 $0x1;
	s15 =	simm.s32 $0x8000;
	vm12 =	vmmov $0x1fff;
	v0 =	vunpack.c.l.s4.s8 v0;
	v1 =	vunpack.c.l.s4.s8 v1  }
0x9: {  	s16 =	simm.s32 $0x2;
	s17 =	simm.s32 $0x14000;
	s18 =	simm.s32 $0x3;
	v2 =	vunpack.c.l.s4.s8 v2;
	v3 =	vunpack.c.l.s4.s8 v3;
	v4 =	vunpack.c.l.s4.s8 v4  }
0xa: {  	s19 =	simm.s32 $0x0;
	v5 =	vunpack.c.l.s4.s8 v5;
	v6 =	vunpack.c.l.s4.s8 v6;
	s6 =	sand.u32 $0x1, s3;
	v7 =	vunpack.c.l.s4.s8 v7;
	s3 =	rddreg [dreg:$0x4]  }
0xb: {  	s7 =	sshll.u32 s2, $0x1;
	[smem:$0x7FF] =	sst s4;
	s5 =	sadd.s32 $0xA00, s5;
	v0 =	vunpack.c.0.s8.s32 v0;
	v1 =	vunpack.c.0.s8.s32 v1;
	v2 =	vunpack.c.0.s8.s32 v2  }
0xc: {  	s8 =	sor.u32 s6, s7;
	s6 =	ssub.s32 $0x2, s6;
	_ =	strace $0x80000047;
	v3 =	vunpack.c.0.s8.s32 v3;
	v4 =	vunpack.c.0.s8.s32 v4;
	v5 =	vunpack.c.0.s8.s32 v5  }
0xd: {  	vm13 =	vmmov $0x3fff;
	s7 =	sshll.u32 s8, $0x6;
	s10 =	sshrl.u32 s6, $0x1;
	s11 =	sshll.u32 s8, $0x8;
	v0 =	vcombine.low v1, v0;
	v1 =	vunpack.c.0.s8.s32 v6  }
0xe: {  	s7 =	sor.u32 $0x3800, s7;
	s10 =	ssub.s32 s6, s10;
	s9 =	sadd.s32 s9, s11;
	v2 =	vcombine.low v3, v2;
	v3 =	vcombine.low v5, v4;
	v4 =	vunpack.c.0.s8.s32 v7  }
0xf: {  	vm14 =	vmmov $0x7fff;
	s11 =	simm.s32 $0x10000;
	s31 =	sshll.u32 s7, $0x9;
	s7 =	sshrl.u32 s7, $0x3;
	v0 =	vand.u32 $0xF, v0;
	v5 =	vand.u32 $0xF, v1  }
0x10: {  	s10 =	smax.u32 s10, $0x1;
	s6 =	sadd.s32 s0, s31;
	s8 =	sor.u32 $0x2, s7;
	v1 =	vand.u32 $0xF, v2;
	v2 =	vand.u32 $0xF, v3;
	v3 =	vcombine.low v5, v4  }
.LBB2_1:
0x11: {  	[tilespmem:s11], [sflag:$0x4] =	stream.linear.gather [hbm4b:s1+s4], $0x4000, $0x38;
	[tilespmem:$0x14880] =	vst v63  }
0x12: {  	_ =	swait.ge [sflag:s12], $0x4000  }
0x13: {  	[sflag:s12] =	ssyncset.done $0x0  }
0x14: {  	[sflag:s12] =	ssyncadd.s32 $0xFFFFC000  }
0x15: {  	[tilespmem:s13], [sflag:$0x4] =	stream.linear.gather [hbm4b:s5+s4], $0x80, $0x38;
	[tilespmem:$0x14880] =	vst v63  }
0x16: {  	_ =	swait.ge [sflag:s12], $0x80  }
0x17: {  	[sflag:s12] =	ssyncset.done $0x0  }
0x18: {  	s20 =	simm.s32 $0x0;
	[sflag:s12] =	ssyncadd.s32 $0xFFFFFF80  }
0x19: {  	[tilespmem:s4], [sflag:$0x1] =	stream.linear.gather [hbm4b:s6+s4], $0x8000, $0x38;
	[tilespmem:$0x14880] =	vst v63  }
.LBB2_2:
0x1a: {  	s21 =	sshllo.u32 s20, $0x1  }
0x1b: {  	v8 =	vld [tilespmem:$0x14800];
	_ =	swait.ge [sflag:s14], $0x8000;
	s22 =	sadd.s32 s7, s21  }
0x1c: {  	s23 =	simm.s32 $0x0;
	[sflag:s14] =	ssyncset.done $0x0;
	s22 =	sshll.u32 s22, $0xC  }
0x1d: {  	s31 =	simm.s32 $0x0;
	[sflag:s14] =	ssyncadd.s32 $0xFFFF8000;
	s22 =	sadd.s32 s0, s22  }
0x1e: {  	[tilespmem:s15], [sflag:$0x2] =	stream.linear.gather [hbm4b:s22+s23], $0x8000, $0x38;
	[tilespmem:$0x14880] =	vst v63  }
0x1f: {  	s23 =	sand.u32 $0x70, s23;
	s22 =	sand.u32 $0x3FFFFC00, s31  }
0x20: {  	s22 =	sor.u32 s23, s22  }
0x21: {  	s24 =	simm.s32 $0x0;
	v14 =	vld [tilespmem:s22+$0x300]  }
0x22: {  	s24 =	sand.u32 $0x3FFFFE00, s24;
	v51 =	vld [tilespmem:s22+$0x80]  }
0x23: {  	s23 =	sor.u32 s23, s24;
	v12 =	vld [tilespmem:s22+$0x280]  }
0x24: {  	v10 =	vimm.f32 $0.0e+00;
	v49 =	vimm.f32 $0.0e+00;
	v50 =	vimm.f32 $0.0e+00;
	v30 =	vld [tilespmem:s23+$0x10000]  }
0x25: {  	v48 =	vimm.f32 $0.0e+00;
	v47 =	vimm.f32 $0.0e+00;
	v43 =	vimm.f32 $0.0e+00;
	v4 =	vld [tilespmem:s22+$0x0]  }
0x26: {  	v44 =	vimm.f32 $0.0e+00;
	v45 =	vimm.f32 $0.0e+00;
	v42 =	vimm.f32 $0.0e+00;
	s24 =	sadd.s32 $0x10000, s23;
	v15 =	vld [tilespmem:s22+$0x380]  }
0x27: {  	v41 =	vimm.f32 $0.0e+00;
	v40 =	vimm.f32 $0.0e+00;
	v39 =	vimm.f32 $0.0e+00;
	v7 =	vld [tilespmem:s24+$0x80]  }
0x28: {  	v37 =	vimm.f32 $0.0e+00;
	v38 =	vimm.f32 $0.0e+00;
	v36 =	vimm.f32 $0.0e+00;
	v22 =	vld [tilespmem:s24+$0x100]  }
0x29: {  	v35 =	vimm.f32 $0.0e+00;
	v34 =	vimm.f32 $0.0e+00;
	v24 =	vld [tilespmem:s22+$0x180];
	v5 =	vmul.f32 v51, v30  }
0x2a: {  	v32 =	vimm.f32 $0.0e+00;
	v6 =	vmul.f32 v14, v30;
	v20 =	vmul.f32 v12, v30  }
0x2b: {  	v33 =	vimm.f32 $0.0e+00;
	v21 =	vld [tilespmem:s22+$0x200];
	v11 =	vmul.f32 v4, v30;
	v16 =	vmul.f32 v15, v30  }
0x2c: {  	v31 =	vimm.f32 $0.0e+00;
	v17 =	vld [tilespmem:s22+$0x100];
	v19 =	vmul.f32 v51, v7;
	v18 =	vmul.f32 v4, v7  }
0x2d: {  	v26 =	vimm.f32 $0.0e+00;
	v54 =	vmul.f32 v4, v22;
	v25 =	vmul.f32 v51, v22  }
0x2e: {  	v28 =	vimm.f32 $0.0e+00;
	v23 =	vmul.f32 v24, v22;
	v53 =	vmul.f32 v14, v22  }
0x2f: {  	v29 =	vimm.f32 $0.0e+00;
	v46 =	vmul.f32 v12, v7;
	v55 =	vmul.f32 v12, v22  }
0x30: {  	v27 =	vimm.f32 $0.0e+00;
	v52 =	vld [tilespmem:s24+$0x180];
	v57 =	vmul.f32 v21, v22;
	v56 =	vmul.f32 v15, v22  }
0x31: {  	v5 =	vadd.f32 v5, v10;
	v9 =	vadd.f32 v6, v10;
	v6 =	vmul.f32 v17, v22  }
0x32: {  	v13 =	vadd.f32 v11, v10;
	v22 =	vimm.f32 $0.0e+00;
	v18 =	vadd.f32 v18, v10  }
0x33: {  	s26 =	simm.s32 $0x1;
	s22 =	sshll.u32 s20, $0x1;
	s23 =	simm.s32 $0x10;
	v11 =	vadd.f32 v6, v10;
	v6 =	vadd.f32 v25, v10;
	v25 =	vimm.f32 $0.0e+00  }
.LBB2_3:
0x34: {  	s25 =	sand.u32 $0x70, s23  }
0x35: {  	s24 =	sshll.u32 s26, $0x6;
	s28 =	sshll.u32 s26, $0x7;
	v51 =	vmul.f32 v51, v52;
	v58 =	vmul.f32 v17, v30;
	v10 =	vadd.f32 v23, v10;
	s29 =	smov.u32 s26  }
0x36: {  	v23 =	vmul.f32 v17, v7;
	s29 =	sand.u32 $0x3FFFFE00, s24;
	s28 =	sand.u32 $0x3FFFFC00, s28;
	s24 =	sadd.s32 $0x1, s26;
	v22 =	vadd.f32 v57, v22;
	v49 =	vadd.f32 v56, v49  }
0x37: {  	p0 =	sne.s32 s26, $0xFF;
	v56 =	vmul.f32 v17, v52;
	v57 =	vmul.f32 v24, v30;
	s29 =	sor.u32 s25, s29;
	s25 =	sor.u32 s25, s28;
	v50 =	vadd.f32 v58, v50  }
0x38: {  	v30 =	vmul.f32 v21, v30;
	v48 =	vadd.f32 v23, v48;
	v23 =	vmul.f32 v24, v7;
	s26 =	sadd.s32 $0x10000, s29;
	v58 =	vld [tilespmem:s25+$0x180]  }
0x39: {  	v43 =	vadd.f32 v55, v43;
	v47 =	vadd.f32 v51, v47;
	v24 =	vmul.f32 v24, v52;
	v59 =	vld [tilespmem:s25+$0x300]  }
0x3a: {  	v44 =	vadd.f32 v54, v44;
	v54 =	vmul.f32 v21, v52;
	v45 =	vadd.f32 v30, v45;
	v17 =	vld [tilespmem:s25+$0x100]  }
0x3b: {  	v42 =	vadd.f32 v57, v42;
	v57 =	vmul.f32 v12, v52;
	v30 =	vmul.f32 v14, v52;
	v55 =	vld [tilespmem:s25+$0x380]  }
0x3c: {  	v41 =	vadd.f32 v23, v41;
	v40 =	vadd.f32 v24, v40;
	v23 =	vmul.f32 v15, v52;
	v51 =	vld [tilespmem:s25+$0x80]  }
0x3d: {  	v60 =	vmul.f32 v14, v7;
	v39 =	vadd.f32 v53, v39;
	v37 =	vadd.f32 v30, v37;
	v12 =	vld [tilespmem:s25+$0x280];
	v24 =	vmovc v58  }
0x3e: {  	v36 =	vadd.f32 v20, v36;
	v20 =	vmul.f32 v15, v7;
	v38 =	vadd.f32 v56, v38;
	v30 =	vld [tilespmem:s29+$0x10000];
	v14 =	vmovc v59  }
0x3f: {  	v35 =	vadd.f32 v19, v35;
	v19 =	vmul.f32 v21, v7;
	v34 =	vadd.f32 v57, v34;
	v7 =	vld [tilespmem:s26+$0x80]  }
0x40: {  	v33 =	vadd.f32 v46, v33;
	v21 =	vmul.f32 v4, v52;
	v32 =	vadd.f32 v54, v32;
	v4 =	vld [tilespmem:s25+$0x0];
	v15 =	vmovc v55  }
0x41: {  	v26 =	vadd.f32 v16, v26;
	v31 =	vadd.f32 v60, v31;
	v56 =	vld [tilespmem:s26+$0x100]  }
0x42: {  	v25 =	vadd.f32 v19, v25;
	v28 =	vadd.f32 v20, v28  }
0x43: {  	v29 =	vadd.f32 v21, v29;
	v16 =	vmul.f32 v51, v30;
	v46 =	vmul.f32 v14, v30  }
0x44: {  	v27 =	vadd.f32 v23, v27;
	v20 =	vmul.f32 v12, v30;
	v19 =	vmul.f32 v51, v7  }
0x45: {  	v23 =	vmul.f32 v4, v30;
	v5 =	vadd.f32 v16, v5;
	v21 =	vld [tilespmem:s25+$0x200];
	v16 =	vmul.f32 v15, v30  }
.Ltmp0:
0x46: {  	v53 =	vmul.f32 v4, v7;
	v9 =	vadd.f32 v46, v9;
	v52 =	vld [tilespmem:s26+$0x180];
	v54 =	vmul.f32 v4, v56;
	(pc) =	sbr.rel @p0 .LBB2_3-.Ltmp0, $4  }
0x47: {  	v57 =	vmul.f32 v51, v56;
	v46 =	vmul.f32 v17, v56;
	v13 =	vadd.f32 v23, v13  }
0x48: {  	v18 =	vadd.f32 v53, v18;
	v23 =	vmul.f32 v24, v56;
	v53 =	vmul.f32 v14, v56  }
0x49: {  	v55 =	vmul.f32 v12, v56;
	v11 =	vadd.f32 v46, v11;
	v46 =	vmul.f32 v12, v7  }
0x4a: {  	s23 =	sadd.s32 $0x10, s23;
	s26 =	smov.u32 s24;
	v6 =	vadd.f32 v57, v6;
	v57 =	vmul.f32 v21, v56;
	v56 =	vmul.f32 v15, v56  }
0x4b: {  	v58 =	vmul.f32 v17, v30;
	v59 =	vmul.f32 v17, v7  }
0x4c: {  	v51 =	vmul.f32 v51, v52;
	v61 =	vmul.f32 v17, v52  }
0x4d: {  	v62 =	vmul.f32 v24, v30;
	v63 =	vmul.f32 v24, v7  }
0x4e: {  	v23 =	vadd.f32 v23, v10;
	v30 =	vmul.f32 v21, v30;
	v24 =	vmul.f32 v24, v52  }
0x4f: {  	v17 =	vadd.f32 v55, v43;
	v43 =	vadd.f32 v54, v44;
	v54 =	vmul.f32 v21, v52  }
0x50: {  	v55 =	vperm.xlane v13, v0;
	v35 =	vadd.f32 v19, v35;
	v22 =	vadd.f32 v57, v22  }
0x51: {  	v4 =	vmul.f32 v4, v52;
	v10 =	vadd.f32 v56, v49;
	v49 =	vadd.f32 v58, v50  }
0x52: {  	v56 =	vmul.f32 v12, v52;
	v48 =	vadd.f32 v59, v48;
	v47 =	vadd.f32 v51, v47  }
0x53: {  	v12 =	vmul.f32 v14, v52;
	v30 =	vadd.f32 v30, v45;
	v42 =	vadd.f32 v62, v42  }
0x54: {  	v14 =	vmul.f32 v14, v7;
	v41 =	vadd.f32 v63, v41;
	v24 =	vadd.f32 v24, v40  }
0x55: {  	v57 =	vadd.f32 v55, v13;
	v58 =	vmul.f32 v15, v52;
	v59 =	vperm.xlane v18, v0  }
0x56: {  	v13 =	vadd.f32 v53, v39;
	v62 =	vmul.f32 v15, v7;
	v12 =	vadd.f32 v12, v37  }
0x57: {  	v7 =	vmul.f32 v21, v7;
	v37 =	vadd.f32 v61, v38;
	v61 =	vadd.f32 v59, v18  }
0x58: {  	v32 =	vadd.f32 v54, v32;
	v21 =	vadd.f32 v46, v33;
	v60 =	vperm.xlane v57, v1  }
0x59: {  	v46 =	vperm.xlane v6, v0;
	v18 =	vadd.f32 v14, v31;
	v15 =	vperm.xlane v61, v1  }
0x5a: {  	v14 =	vperm.xlane v43, v0;
	v25 =	vadd.f32 v7, v25;
	v38 =	vadd.f32 v60, v57  }
0x5b: {  	v51 =	vadd.f32 v46, v6;
	v52 =	vperm.xlane v47, v0;
	v31 =	vadd.f32 v15, v61  }
0x5c: {  	v40 =	vadd.f32 v14, v43;
	v14 =	vadd.f32 v58, v27;
	v63 =	vperm.xlane v38, v2  }
0x5d: {  	v15 =	vadd.f32 v16, v26;
	v16 =	vadd.f32 v62, v28;
	v7 =	vperm.xlane v31, v2  }
0x5e: {  	v43 =	vperm.xlane v5, v0;
	v28 =	vadd.f32 v4, v29;
	v26 =	vadd.f32 v63, v38  }
0x5f: {  	v54 =	vperm.xlane v51, v1;
	v27 =	vperm.xlane v40, v1;
	v7 =	vadd.f32 v7, v31  }
0x60: {  	v19 =	vadd.f32 v56, v34;
	v29 =	vperm.xlane v28, v0;
	v4 =	vperm.xlane v26, v3  }
0x61: {  	v33 =	vadd.f32 v43, v5;
	v27 =	vadd.f32 v27, v40;
	v31 =	vperm.xlane v7, v3  }
0x62: {  	v28 =	vadd.f32 v29, v28;
	v29 =	vperm.xlane v35, v0;
	v26 =	vadd.f32 v4, v26  }
0x63: {  	v5 =	vbroadcast v8, $0x1;
	v7 =	vadd.f32 v31, v7;
	v31 =	vperm.xlane v27, v2  }
0x64: {  	v44 =	vperm.xlane v28, v1;
	v29 =	vadd.f32 v29, v35;
	v26 =	vadd.f32 v26, v8  }
0x65: {  	v7 =	vadd.f32 v7, v8;
	v27 =	vadd.f32 v31, v27;
	v31 =	vperm.xlane v33, v1  }
0x66: {  	v40 =	vperm.xlane v11, v0;
	v28 =	vadd.f32 v44, v28;
	v45 =	vperm.xlane v29, v1  }
0x67: {  	v7 =	vsel vm0, v26, v7;
	v26 =	vperm.xlane v27, v3;
	v31 =	vadd.f32 v31, v33  }
0x68: {  	v56 =	vadd.f32 v54, v51;
	v50 =	vperm.xlane v28, v2;
	v29 =	vadd.f32 v45, v29  }
0x69: {  	v11 =	vadd.f32 v40, v11;
	v26 =	vadd.f32 v26, v27;
	v27 =	vperm.xlane v31, v2  }
0x6a: {  	v62 =	vperm.xlane v49, v0;
	v28 =	vadd.f32 v50, v28;
	v53 =	vperm.xlane v29, v2  }
0x6b: {  	v46 =	vperm.xlane v11, v1;
	v27 =	vadd.f32 v27, v31;
	v31 =	vadd.f32 v52, v47  }
0x6c: {  	v60 =	vperm.xlane v56, v2;
	v38 =	vperm.xlane v48, v0;
	v29 =	vadd.f32 v53, v29  }
0x6d: {  	v11 =	vadd.f32 v46, v11;
	v55 =	vperm.xlane v28, v3;
	v58 =	vperm.xlane v31, v1  }
0x6e: {  	v26 =	vadd.f32 v26, v8;
	v59 =	vperm.xlane v29, v3;
	v57 =	vperm.xlane v27, v3  }
0x6f: {  	v4 =	vbroadcast v8, $0x0;
	v28 =	vadd.f32 v55, v28;
	v31 =	vadd.f32 v58, v31  }
0x70: {  	v44 =	vperm.xlane v42, v0;
	v29 =	vadd.f32 v59, v29;
	v27 =	vadd.f32 v57, v27  }
0x71: {  	v33 =	vadd.f32 v60, v56;
	v28 =	vadd.f32 v28, v8;
	v61 =	vperm.xlane v31, v2  }
0x72: {  	v26 =	vsel vm1, v7, v26;
	v29 =	vadd.f32 v29, v5;
	v27 =	vadd.f32 v27, v4  }
0x73: {  	v26 =	vsel vm2, v26, v28;
	v28 =	vadd.f32 v61, v31;
	v31 =	vadd.f32 v62, v49  }
0x74: {  	v35 =	vadd.f32 v44, v42;
	v63 =	vperm.xlane v33, v3;
	v26 =	vsel vm3, v26, v27  }
0x75: {  	v26 =	vsel vm4, v26, v29;
	v29 =	vperm.xlane v28, v3;
	v39 =	vperm.xlane v31, v1  }
0x76: {  	v50 =	vperm.xlane v35, v1;
	v27 =	vadd.f32 v63, v33;
	v33 =	vadd.f32 v38, v48  }
0x77: {  	v28 =	vadd.f32 v29, v28;
	v29 =	vadd.f32 v39, v31;
	v31 =	vperm.xlane v37, v0  }
0x78: {  	v34 =	vadd.f32 v50, v35;
	v43 =	vperm.xlane v33, v1  }
0x79: {  	v53 =	vperm.xlane v11, v2;
	v31 =	vadd.f32 v31, v37  }
0x7a: {  	v6 =	vbroadcast v8, $0x2;
	v57 =	vperm.xlane v34, v2;
	v33 =	vadd.f32 v43, v33  }
0x7b: {  	v11 =	vadd.f32 v53, v11;
	v48 =	vperm.xlane v41, v0;
	v47 =	vperm.xlane v31, v1  }
0x7c: {  	v34 =	vadd.f32 v57, v34;
	v45 =	vperm.xlane v29, v2;
	v49 =	vperm.xlane v33, v2  }
0x7d: {  	v7 =	vbroadcast v8, $0x3;
	v52 =	vadd.f32 v48, v41;
	v31 =	vadd.f32 v47, v31  }
0x7e: {  	v58 =	vperm.xlane v11, v3;
	v29 =	vadd.f32 v45, v29;
	v33 =	vadd.f32 v49, v33  }
0x7f: {  	v27 =	vadd.f32 v27, v6;
	v55 =	vperm.xlane v52, v1;
	v54 =	vperm.xlane v31, v2  }
0x80: {  	v11 =	vadd.f32 v58, v11;
	v51 =	vperm.xlane v29, v3;
	v56 =	vperm.xlane v33, v3  }
0x81: {  	v26 =	vsel vm5, v26, v27;
	v27 =	vadd.f32 v54, v31;
	v31 =	vadd.f32 v55, v52  }
0x82: {  	v29 =	vadd.f32 v51, v29;
	v33 =	vadd.f32 v56, v33  }
0x83: {  	v28 =	vadd.f32 v28, v7;
	v59 =	vperm.xlane v27, v3;
	v60 =	vperm.xlane v31, v2  }
0x84: {  	v61 =	vperm.xlane v34, v3;
	v29 =	vadd.f32 v29, v4;
	v33 =	vadd.f32 v33, v5  }
0x85: {  	v26 =	vsel vm6, v26, v28;
	v27 =	vadd.f32 v59, v27;
	v28 =	vadd.f32 v60, v31  }
0x86: {  	v11 =	vadd.f32 v11, v6;
	v26 =	vsel vm7, v26, v29;
	v29 =	vadd.f32 v61, v34  }
0x87: {  	v26 =	vsel vm8, v26, v33;
	v27 =	vadd.f32 v27, v7;
	v31 =	vperm.xlane v28, v3  }
0x88: {  	v20 =	vadd.f32 v20, v36;
	v11 =	vsel vm9, v26, v11;
	v26 =	vadd.f32 v29, v4  }
0x89: {  	v29 =	vperm.xlane v23, v0;
	v11 =	vsel vm10, v11, v27;
	v27 =	vadd.f32 v31, v28  }
0x8a: {  	v28 =	vperm.xlane v30, v0;
	v31 =	vperm.xlane v24, v0;
	v26 =	vsel vm11, v11, v26  }
0x8b: {  	v11 =	vadd.f32 v29, v23;
	v23 =	vperm.xlane v25, v0;
	v27 =	vadd.f32 v27, v5  }
0x8c: {  	v29 =	vperm.xlane v22, v0;
	v28 =	vadd.f32 v28, v30;
	v24 =	vadd.f32 v31, v24  }
0x8d: {  	v30 =	vperm.xlane v11, v1;
	v23 =	vadd.f32 v23, v25;
	v25 =	vperm.xlane v32, v0  }
0x8e: {  	v22 =	vadd.f32 v29, v22;
	v62 =	vperm.xlane v28, v1;
	v63 =	vperm.xlane v24, v1  }
0x8f: {  	v26 =	vsel vm12, v26, v27;
	v29 =	vperm.xlane v23, v1;
	v25 =	vadd.f32 v25, v32  }
0x90: {  	v11 =	vadd.f32 v30, v11;
	v30 =	vperm.xlane v22, v1;
	v28 =	vadd.f32 v62, v28  }
0x91: {  	v27 =	vperm.xlane v20, v0;
	v23 =	vadd.f32 v29, v23;
	v29 =	vperm.xlane v25, v1  }
0x92: {  	v24 =	vadd.f32 v63, v24;
	v22 =	vadd.f32 v30, v22;
	v33 =	vperm.xlane v28, v2  }
0x93: {  	v31 =	vperm.xlane v11, v2;
	v30 =	vperm.xlane v23, v2;
	v25 =	vadd.f32 v29, v25  }
0x94: {  	v20 =	vadd.f32 v27, v20;
	v29 =	vperm.xlane v22, v2;
	v28 =	vadd.f32 v33, v28  }
0x95: {  	v11 =	vadd.f32 v31, v11;
	v23 =	vadd.f32 v30, v23;
	v30 =	vperm.xlane v25, v2  }
0x96: {  	v32 =	vperm.xlane v24, v2;
	v22 =	vadd.f32 v29, v22;
	v33 =	vperm.xlane v28, v3  }
0x97: {  	v31 =	vperm.xlane v11, v3;
	v29 =	vperm.xlane v23, v3;
	v25 =	vadd.f32 v30, v25  }
0x98: {  	v24 =	vadd.f32 v32, v24;
	v30 =	vperm.xlane v22, v3;
	v28 =	vadd.f32 v33, v28  }
0x99: {  	v11 =	vadd.f32 v31, v11;
	v23 =	vadd.f32 v29, v23;
	v29 =	vperm.xlane v25, v3  }
0x9a: {  	v22 =	vadd.f32 v30, v22;
	v28 =	vadd.f32 v28, v8  }
0x9b: {  	v23 =	vadd.f32 v23, v8;
	v25 =	vadd.f32 v29, v25  }
0x9c: {  	v31 =	vperm.xlane v24, v3;
	v11 =	vadd.f32 v11, v6;
	v22 =	vadd.f32 v22, v8  }
0x9d: {  	v23 =	vsel vm0, v28, v23;
	v8 =	vadd.f32 v25, v8;
	v25 =	vperm.xlane v21, v0  }
0x9e: {  	v24 =	vadd.f32 v31, v24;
	v22 =	vsel vm1, v23, v22;
	v23 =	vperm.xlane v17, v0  }
0x9f: {  	v8 =	vsel vm2, v22, v8;
	v21 =	vadd.f32 v25, v21;
	v22 =	vperm.xlane v19, v0  }
0xa0: {  	v25 =	vperm.xlane v20, v1;
	v17 =	vadd.f32 v23, v17;
	v23 =	vperm.xlane v9, v0  }
0xa1: {  	v27 =	vperm.xlane v21, v1;
	v19 =	vadd.f32 v22, v19;
	v22 =	vperm.xlane v18, v0  }
0xa2: {  	v20 =	vadd.f32 v25, v20;
	v25 =	vperm.xlane v17, v1;
	v9 =	vadd.f32 v23, v9  }
0xa3: {  	v21 =	vadd.f32 v27, v21;
	v23 =	vperm.xlane v19, v1;
	v18 =	vadd.f32 v22, v18  }
0xa4: {  	v22 =	vperm.xlane v20, v2;
	v17 =	vadd.f32 v25, v17;
	v25 =	vperm.xlane v9, v1  }
0xa5: {  	v27 =	vperm.xlane v21, v2;
	v19 =	vadd.f32 v23, v19;
	v23 =	vperm.xlane v18, v1  }
0xa6: {  	v20 =	vadd.f32 v22, v20;
	v22 =	vperm.xlane v17, v2;
	v9 =	vadd.f32 v25, v9  }
0xa7: {  	v21 =	vadd.f32 v27, v21;
	v25 =	vperm.xlane v19, v2;
	v18 =	vadd.f32 v23, v18  }
0xa8: {  	v23 =	vperm.xlane v20, v3;
	v17 =	vadd.f32 v22, v17;
	v22 =	vperm.xlane v9, v2  }
0xa9: {  	v27 =	vperm.xlane v21, v3;
	v19 =	vadd.f32 v25, v19;
	v25 =	vperm.xlane v18, v2  }
0xaa: {  	v20 =	vadd.f32 v23, v20;
	v23 =	vperm.xlane v17, v3;
	v9 =	vadd.f32 v22, v9  }
0xab: {  	v21 =	vadd.f32 v27, v21;
	v22 =	vperm.xlane v19, v3;
	v18 =	vadd.f32 v25, v18  }
0xac: {  	v20 =	vadd.f32 v20, v4;
	v17 =	vadd.f32 v23, v17;
	v23 =	vperm.xlane v9, v3  }
0xad: {  	v21 =	vadd.f32 v21, v5;
	v19 =	vadd.f32 v22, v19;
	v22 =	vperm.xlane v18, v3  }
0xae: {  	v8 =	vsel vm3, v8, v20;
	v17 =	vadd.f32 v17, v6;
	v9 =	vadd.f32 v23, v9  }
0xaf: {  	v8 =	vsel vm4, v8, v21;
	v19 =	vadd.f32 v19, v7;
	v18 =	vadd.f32 v22, v18  }
0xb0: {  	v8 =	vsel vm5, v8, v17;
	v9 =	vadd.f32 v9, v4;
	v17 =	vperm.xlane v13, v0  }
0xb1: {  	v8 =	vsel vm6, v8, v19;
	v18 =	vadd.f32 v18, v5;
	v19 =	vperm.xlane v12, v0  }
0xb2: {  	v8 =	vsel vm7, v8, v9;
	v9 =	vadd.f32 v17, v13;
	v13 =	vperm.xlane v15, v0  }
0xb3: {  	v17 =	vperm.xlane v16, v0;
	v8 =	vsel vm8, v8, v18;
	v12 =	vadd.f32 v19, v12  }
0xb4: {  	v18 =	vperm.xlane v9, v1;
	v13 =	vadd.f32 v13, v15;
	v15 =	vperm.xlane v10, v0  }
0xb5: {  	v16 =	vadd.f32 v17, v16;
	v17 =	vperm.xlane v14, v0;
	v19 =	vperm.xlane v12, v1  }
0xb6: {  	v9 =	vadd.f32 v18, v9;
	v18 =	vperm.xlane v13, v1;
	v10 =	vadd.f32 v15, v10  }
0xb7: {  	v15 =	vperm.xlane v16, v1;
	v14 =	vadd.f32 v17, v14;
	v12 =	vadd.f32 v19, v12  }
0xb8: {  	v17 =	vperm.xlane v9, v2;
	v13 =	vadd.f32 v18, v13;
	v18 =	vperm.xlane v10, v1  }
0xb9: {  	v15 =	vadd.f32 v15, v16;
	v16 =	vperm.xlane v14, v1;
	v19 =	vperm.xlane v12, v2  }
0xba: {  	v9 =	vadd.f32 v17, v9;
	v17 =	vperm.xlane v13, v2;
	v10 =	vadd.f32 v18, v10  }
0xbb: {  	v18 =	vperm.xlane v15, v2;
	v14 =	vadd.f32 v16, v14;
	v12 =	vadd.f32 v19, v12  }
0xbc: {  	v16 =	vperm.xlane v9, v3;
	v13 =	vadd.f32 v17, v13;
	v17 =	vperm.xlane v10, v2  }
0xbd: {  	v15 =	vadd.f32 v18, v15;
	v18 =	vperm.xlane v14, v2;
	v19 =	vperm.xlane v12, v3  }
0xbe: {  	v9 =	vadd.f32 v16, v9;
	v16 =	vperm.xlane v13, v3;
	v10 =	vadd.f32 v17, v10  }
0xbf: {  	v17 =	vperm.xlane v15, v3;
	v14 =	vadd.f32 v18, v14;
	v12 =	vadd.f32 v19, v12  }
0xc0: {  	v9 =	vadd.f32 v9, v6;
	v13 =	vadd.f32 v16, v13;
	v16 =	vperm.xlane v10, v3  }
0xc1: {  	v15 =	vadd.f32 v17, v15;
	v17 =	vperm.xlane v14, v3;
	v12 =	vadd.f32 v12, v7  }
0xc2: {  	v8 =	vsel vm9, v8, v9;
	v9 =	vadd.f32 v13, v4;
	v10 =	vadd.f32 v16, v10  }
0xc3: {  	v13 =	vadd.f32 v17, v14;
	v8 =	vsel vm10, v8, v12;
	v12 =	vadd.f32 v15, v5  }
0xc4: {  	v14 =	vadd.f32 v24, v7;
	v8 =	vsel vm11, v8, v9;
	v9 =	vadd.f32 v10, v6  }
0xc5: {  	s23 =	sshll.u32 s20, $0x9;
	v10 =	vsel vm13, v26, v11;
	v11 =	vadd.f32 v13, v7;
	v8 =	vsel vm12, v8, v12  }
0xc6: {  	s23 =	sand.u32 $0x3FFFFE00, s23;
	v10 =	vsel vm14, v10, v14;
	v8 =	vsel vm13, v8, v9  }
0xc7: {  	p0 =	seq.s32 s20, $0x3;
	[tilespmem:s23+$0x14000] =	vst v10;
	v8 =	vsel vm14, v8, v11  }
0xc8: {  	s22 =	sadd.s32 @!p0 s22, s8;
	[tilespmem:s23+$0x14080] =	vst v8  }
0xc9: {  	s30 =	simm.s32 $0x0;
	s22 =	sshll.u32 @!p0 s22, $0xC;
	_ =	swait.ge [sflag:s16], $0x8000  }
0xca: {  	s31 =	simm.s32 $0x0;
	s22 =	sand.u32 @!p0 $0x1FFFE000, s22;
	[sflag:s16] =	ssyncset.done $0x0  }
0xcb: {  	s22 =	sadd.s32 @!p0 s0, s22;
	s23 =	simm.s32 @!p0 $0x0;
	[sflag:s16] =	ssyncadd.s32 $0xFFFF8000  }
0xcc: {  	[tilespmem:s23], [sflag:$0x1] =	stream.linear.gather @!p0 [hbm4b:s22+s23], $0x8000, $0x38;
	[tilespmem:$0x14880] =	vst v63  }
0xcd: {  	s22 =	sand.u32 $0x70, s30;
	s23 =	sand.u32 $0x3FFFFC00, s31  }
0xce: {  	s23 =	sor.u32 s22, s23  }
0xcf: {  	s24 =	simm.s32 $0x0;
	v11 =	vld [tilespmem:s23+$0x8300]  }
0xd0: {  	s24 =	sand.u32 $0x3FFFFE00, s24;
	v55 =	vld [tilespmem:s23+$0x8080]  }
0xd1: {  	s22 =	sor.u32 s22, s24;
	v12 =	vld [tilespmem:s23+$0x8280]  }
0xd2: {  	v36 =	vimm.f32 $0.0e+00;
	v40 =	vimm.f32 $0.0e+00;
	v46 =	vimm.f32 $0.0e+00;
	v33 =	vld [tilespmem:s22+$0x10000]  }
0xd3: {  	v44 =	vimm.f32 $0.0e+00;
	v42 =	vimm.f32 $0.0e+00;
	v50 =	vimm.f32 $0.0e+00;
	v13 =	vld [tilespmem:s23+$0x8000]  }
0xd4: {  	v35 =	vimm.f32 $0.0e+00;
	v53 =	vimm.f32 $0.0e+00;
	v38 =	vimm.f32 $0.0e+00;
	v15 =	vld [tilespmem:s23+$0x8380]  }
0xd5: {  	v48 =	vimm.f32 $0.0e+00;
	v41 =	vimm.f32 $0.0e+00;
	v43 =	vimm.f32 $0.0e+00;
	s24 =	sadd.s32 $0x10000, s22;
	v28 =	vld [tilespmem:s23+$0x8180]  }
0xd6: {  	v39 =	vimm.f32 $0.0e+00;
	v37 =	vimm.f32 $0.0e+00;
	v49 =	vimm.f32 $0.0e+00;
	v14 =	vld [tilespmem:s24+$0x80]  }
0xd7: {  	v45 =	vimm.f32 $0.0e+00;
	v47 =	vimm.f32 $0.0e+00;
	v52 =	vimm.f32 $0.0e+00;
	v24 =	vld [tilespmem:s24+$0x100]  }
0xd8: {  	v34 =	vimm.f32 $0.0e+00;
	v32 =	vimm.f32 $0.0e+00;
	v8 =	vmul.f32 v55, v33  }
0xd9: {  	v31 =	vimm.f32 $0.0e+00;
	v10 =	vmul.f32 v11, v33;
	v21 =	vmul.f32 v12, v33  }
0xda: {  	v30 =	vimm.f32 $0.0e+00;
	v16 =	vld [tilespmem:s23+$0x8100];
	v18 =	vmul.f32 v13, v33;
	v23 =	vmul.f32 v15, v33  }
0xdb: {  	v27 =	vimm.f32 $0.0e+00;
	v29 =	vld [tilespmem:s23+$0x8200];
	v22 =	vmul.f32 v55, v14;
	v20 =	vmul.f32 v13, v14  }
0xdc: {  	v26 =	vimm.f32 $0.0e+00;
	v57 =	vmul.f32 v13, v24;
	v25 =	vmul.f32 v28, v24  }
0xdd: {  	v9 =	vimm.f32 $0.0e+00;
	v56 =	vmul.f32 v11, v24;
	v51 =	vmul.f32 v12, v14  }
0xde: {  	v54 =	vld [tilespmem:s24+$0x180];
	v58 =	vmul.f32 v12, v24;
	v17 =	vadd.f32 v8, v9;
	v8 =	vadd.f32 v10, v9  }
0xdf: {  	v10 =	vmul.f32 v16, v24;
	v19 =	vadd.f32 v18, v9;
	v18 =	vmul.f32 v55, v24  }
0xe0: {  	v60 =	vmul.f32 v29, v24;
	v59 =	vmul.f32 v15, v24;
	v20 =	vadd.f32 v20, v9  }
0xe1: {  	s25 =	simm.s32 $0x1;
	s22 =	simm.s32 $0x10;
	v24 =	vimm.f32 $0.0e+00;
	v10 =	vadd.f32 v10, v9;
	v18 =	vadd.f32 v18, v9  }
.LBB2_5:
0xe2: {  	s24 =	sand.u32 $0x70, s22  }
0xe3: {  	s23 =	sshll.u32 s25, $0x6;
	s26 =	sshll.u32 s25, $0x7;
	v55 =	vmul.f32 v55, v54;
	v61 =	vmul.f32 v16, v33;
	v9 =	vadd.f32 v25, v9;
	s28 =	smov.u32 s25  }
0xe4: {  	v25 =	vmul.f32 v16, v14;
	s28 =	sand.u32 $0x3FFFFE00, s23;
	s26 =	sand.u32 $0x3FFFFC00, s26;
	s23 =	sadd.s32 $0x1, s25;
	v24 =	vadd.f32 v60, v24;
	v52 =	vadd.f32 v59, v52  }
0xe5: {  	p0 =	sne.s32 s25, $0xFF;
	v59 =	vmul.f32 v16, v54;
	v60 =	vmul.f32 v28, v33;
	s28 =	sor.u32 s24, s28;
	s24 =	sor.u32 s24, s26;
	v53 =	vadd.f32 v61, v53  }
0xe6: {  	v33 =	vmul.f32 v29, v33;
	v50 =	vadd.f32 v25, v50;
	v25 =	vmul.f32 v28, v14;
	s25 =	sadd.s32 $0x10000, s28;
	v61 =	vld [tilespmem:s24+$0x8180]  }
0xe7: {  	v46 =	vadd.f32 v58, v46;
	v49 =	vadd.f32 v55, v49;
	v28 =	vmul.f32 v28, v54;
	v62 =	vld [tilespmem:s24+$0x8300]  }
0xe8: {  	v47 =	vadd.f32 v57, v47;
	v57 =	vmul.f32 v29, v54;
	v48 =	vadd.f32 v33, v48;
	v16 =	vld [tilespmem:s24+$0x8100]  }
0xe9: {  	v45 =	vadd.f32 v60, v45;
	v60 =	vmul.f32 v12, v54;
	v33 =	vmul.f32 v11, v54;
	v58 =	vld [tilespmem:s24+$0x8380]  }
0xea: {  	v44 =	vadd.f32 v25, v44;
	v42 =	vadd.f32 v28, v42;
	v25 =	vmul.f32 v15, v54;
	v55 =	vld [tilespmem:s24+$0x8080]  }
0xeb: {  	v63 =	vmul.f32 v11, v14;
	v43 =	vadd.f32 v56, v43;
	v41 =	vadd.f32 v33, v41;
	v12 =	vld [tilespmem:s24+$0x8280];
	v28 =	vmovc v61  }
0xec: {  	v40 =	vadd.f32 v21, v40;
	v21 =	vmul.f32 v15, v14;
	v39 =	vadd.f32 v59, v39;
	v33 =	vld [tilespmem:s28+$0x10000];
	v11 =	vmovc v62  }
0xed: {  	v37 =	vadd.f32 v22, v37;
	v22 =	vmul.f32 v29, v14;
	v38 =	vadd.f32 v60, v38;
	v14 =	vld [tilespmem:s25+$0x80]  }
0xee: {  	v35 =	vadd.f32 v51, v35;
	v29 =	vmul.f32 v13, v54;
	v36 =	vadd.f32 v57, v36;
	v13 =	vld [tilespmem:s24+$0x8000];
	v15 =	vmovc v58  }
0xef: {  	v31 =	vadd.f32 v23, v31;
	v34 =	vadd.f32 v63, v34;
	v59 =	vld [tilespmem:s25+$0x100]  }
0xf0: {  	v32 =	vadd.f32 v22, v32;
	v27 =	vadd.f32 v21, v27  }
0xf1: {  	v30 =	vadd.f32 v29, v30;
	v23 =	vmul.f32 v55, v33;
	v51 =	vmul.f32 v11, v33  }
0xf2: {  	v26 =	vadd.f32 v25, v26;
	v21 =	vmul.f32 v12, v33;
	v22 =	vmul.f32 v55, v14  }
0xf3: {  	v25 =	vmul.f32 v13, v33;
	v17 =	vadd.f32 v23, v17;
	v29 =	vld [tilespmem:s24+$0x8200];
	v23 =	vmul.f32 v15, v33  }
.Ltmp1:
0xf4: {  	v56 =	vmul.f32 v13, v14;
	v8 =	vadd.f32 v51, v8;
	v54 =	vld [tilespmem:s25+$0x180];
	v57 =	vmul.f32 v13, v59;
	(pc) =	sbr.rel @p0 .LBB2_5-.Ltmp1, $4  }
0xf5: {  	v60 =	vmul.f32 v55, v59;
	v51 =	vmul.f32 v16, v59;
	v19 =	vadd.f32 v25, v19  }
0xf6: {  	v20 =	vadd.f32 v56, v20;
	v25 =	vmul.f32 v28, v59;
	v56 =	vmul.f32 v11, v59  }
0xf7: {  	v58 =	vmul.f32 v12, v59;
	v10 =	vadd.f32 v51, v10;
	v51 =	vmul.f32 v12, v14  }
0xf8: {  	s22 =	sadd.s32 $0x10, s22;
	s25 =	smov.u32 s23;
	v18 =	vadd.f32 v60, v18;
	v60 =	vmul.f32 v29, v59;
	v59 =	vmul.f32 v15, v59  }
0xf9: {  	v61 =	vmul.f32 v16, v33;
	v25 =	vadd.f32 v25, v9;
	v62 =	vmul.f32 v16, v14  }
0xfa: {  	v55 =	vmul.f32 v55, v54;
	v63 =	vmul.f32 v29, v33;
	v21 =	vadd.f32 v21, v40  }
0xfb: {  	v37 =	vadd.f32 v22, v37;
	v22 =	vadd.f32 v51, v35;
	v40 =	vperm.xlane v17, v0  }
0xfc: {  	v24 =	vadd.f32 v60, v24;
	v9 =	vadd.f32 v59, v52;
	v59 =	vmul.f32 v28, v33  }
0xfd: {  	v60 =	vmul.f32 v28, v14;
	v28 =	vmul.f32 v28, v54;
	v52 =	vadd.f32 v61, v53  }
0xfe: {  	v53 =	vmul.f32 v16, v54;
	v50 =	vadd.f32 v62, v50;
	v49 =	vadd.f32 v55, v49  }
0xff: {  	v16 =	vadd.f32 v58, v46;
	v46 =	vadd.f32 v57, v47;
	v47 =	vmul.f32 v29, v54  }
0x100: {  	v33 =	vadd.f32 v63, v48;
	v61 =	vmul.f32 v11, v54;
	v62 =	vperm.xlane v19, v0  }
0x101: {  	v63 =	vmul.f32 v12, v54;
	v12 =	vadd.f32 v56, v43;
	v17 =	vadd.f32 v40, v17  }
0x102: {  	v56 =	vmul.f32 v11, v14;
	v45 =	vadd.f32 v59, v45;
	v44 =	vadd.f32 v60, v44  }
0x103: {  	v55 =	vmul.f32 v15, v14;
	v28 =	vadd.f32 v28, v42;
	v11 =	vadd.f32 v61, v41  }
0x104: {  	v59 =	vperm.xlane v20, v0;
	v58 =	vadd.f32 v62, v19;
	v39 =	vadd.f32 v53, v39  }
0x105: {  	v19 =	vadd.f32 v63, v38;
	v61 =	vmul.f32 v29, v14;
	v29 =	vadd.f32 v47, v36  }
0x106: {  	v63 =	vmul.f32 v13, v54;
	v51 =	vperm.xlane v46, v0;
	v13 =	vadd.f32 v23, v31  }
0x107: {  	v41 =	vperm.xlane v37, v0;
	v62 =	vadd.f32 v59, v20;
	v20 =	vadd.f32 v56, v34  }
0x108: {  	v60 =	vperm.xlane v58, v1;
	v23 =	vadd.f32 v61, v32;
	v57 =	vadd.f32 v51, v46  }
0x109: {  	v30 =	vadd.f32 v63, v30;
	v51 =	vperm.xlane v18, v0;
	v48 =	vperm.xlane v62, v1  }
0x10a: {  	v47 =	vadd.f32 v60, v58;
	v58 =	vmul.f32 v15, v54;
	v60 =	vperm.xlane v57, v1  }
0x10b: {  	v18 =	vadd.f32 v51, v18;
	v56 =	vadd.f32 v48, v62;
	v62 =	vperm.xlane v30, v0  }
0x10c: {  	v15 =	vadd.f32 v55, v27;
	v53 =	vperm.xlane v47, v2;
	v63 =	vadd.f32 v60, v57  }
0x10d: {  	v14 =	vadd.f32 v58, v26;
	v58 =	vperm.xlane v18, v1;
	v30 =	vadd.f32 v62, v30  }
0x10e: {  	v59 =	vperm.xlane v56, v2;
	v31 =	vadd.f32 v53, v47;
	v43 =	vperm.xlane v63, v2  }
0x10f: {  	v47 =	vperm.xlane v17, v1;
	v18 =	vadd.f32 v58, v18;
	v46 =	vperm.xlane v30, v1  }
0x110: {  	v27 =	vadd.f32 v59, v56;
	v56 =	vperm.xlane v49, v0;
	v61 =	vperm.xlane v31, v3  }
0x111: {  	v32 =	vadd.f32 v43, v63;
	v17 =	vadd.f32 v47, v17;
	v40 =	vperm.xlane v18, v2  }
0x112: {  	v43 =	vperm.xlane v52, v0;
	v30 =	vadd.f32 v46, v30;
	v59 =	vadd.f32 v56, v49  }
0x113: {  	v42 =	vperm.xlane v27, v3;
	v26 =	vadd.f32 v61, v31;
	v31 =	vadd.f32 v41, v37  }
0x114: {  	v53 =	vperm.xlane v32, v3;
	v55 =	vperm.xlane v17, v2;
	v18 =	vadd.f32 v40, v18  }
0x115: {  	v47 =	vadd.f32 v43, v52;
	v52 =	vperm.xlane v10, v0;
	v27 =	vadd.f32 v42, v27  }
0x116: {  	v54 =	vperm.xlane v30, v2;
	v62 =	vperm.xlane v59, v1;
	v26 =	vadd.f32 v26, v4  }
0x117: {  	v48 =	vperm.xlane v31, v1;
	v32 =	vadd.f32 v53, v32;
	v46 =	vperm.xlane v18, v3  }
0x118: {  	v17 =	vadd.f32 v55, v17;
	v51 =	vperm.xlane v47, v1;
	v53 =	vperm.xlane v39, v0  }
0x119: {  	v10 =	vadd.f32 v52, v10;
	v55 =	vperm.xlane v45, v0;
	v27 =	vadd.f32 v27, v5  }
0x11a: {  	v30 =	vadd.f32 v54, v30;
	v41 =	vadd.f32 v62, v59;
	v59 =	vperm.xlane v44, v0  }
0x11b: {  	v31 =	vadd.f32 v48, v31;
	v32 =	vadd.f32 v32, v6;
	v61 =	vperm.xlane v17, v3  }
0x11c: {  	v18 =	vadd.f32 v46, v18;
	v48 =	vperm.xlane v50, v0;
	v34 =	vadd.f32 v55, v45  }
0x11d: {  	v55 =	vperm.xlane v25, v0;
	v60 =	vperm.xlane v30, v3;
	v26 =	vsel vm0, v26, v27  }
0x11e: {  	v42 =	vperm.xlane v41, v2;
	v57 =	vperm.xlane v31, v2;
	v17 =	vadd.f32 v61, v17  }
0x11f: {  	v18 =	vadd.f32 v18, v6;
	v61 =	vperm.xlane v34, v1;
	v30 =	vadd.f32 v60, v30  }
0x120: {  	v26 =	vsel vm1, v26, v32;
	v27 =	vadd.f32 v42, v41;
	v31 =	vadd.f32 v57, v31  }
0x121: {  	v17 =	vadd.f32 v17, v4;
	v57 =	vperm.xlane v10, v1;
	v32 =	vadd.f32 v61, v34  }
0x122: {  	v61 =	vperm.xlane v29, v0;
	v30 =	vadd.f32 v30, v7;
	v49 =	vperm.xlane v27, v3  }
0x123: {  	v63 =	vperm.xlane v31, v3;
	v10 =	vadd.f32 v57, v10;
	v57 =	vperm.xlane v33, v0  }
0x124: {  	v26 =	vsel vm2, v26, v30;
	v27 =	vadd.f32 v49, v27;
	v30 =	vadd.f32 v51, v47  }
0x125: {  	v31 =	vadd.f32 v63, v31;
	v17 =	vsel vm3, v26, v17;
	v26 =	vadd.f32 v48, v50  }
0x126: {  	v63 =	vadd.f32 v59, v44;
	v40 =	vperm.xlane v10, v2;
	v44 =	vperm.xlane v32, v2  }
0x127: {  	v59 =	vperm.xlane v23, v0;
	v27 =	vadd.f32 v27, v7;
	v56 =	vperm.xlane v30, v2  }
0x128: {  	v31 =	vadd.f32 v31, v5;
	v54 =	vperm.xlane v26, v1;
	v10 =	vadd.f32 v40, v10  }
0x129: {  	v42 =	vperm.xlane v63, v1;
	v32 =	vadd.f32 v44, v32;
	v23 =	vadd.f32 v59, v23  }
0x12a: {  	v30 =	vadd.f32 v56, v30;
	v17 =	vsel vm4, v17, v31;
	v31 =	vadd.f32 v53, v39  }
0x12b: {  	v26 =	vadd.f32 v54, v26;
	v47 =	vperm.xlane v10, v3;
	v50 =	vperm.xlane v32, v3  }
0x12c: {  	v46 =	vadd.f32 v42, v63;
	v36 =	vperm.xlane v23, v1;
	v62 =	vperm.xlane v30, v3  }
0x12d: {  	v17 =	vsel vm5, v17, v18;
	v58 =	vperm.xlane v31, v1;
	v60 =	vperm.xlane v26, v2  }
0x12e: {  	v49 =	vperm.xlane v46, v2;
	v10 =	vadd.f32 v47, v10;
	v52 =	vadd.f32 v50, v32  }
0x12f: {  	v17 =	vsel vm6, v17, v27;
	v23 =	vadd.f32 v36, v23;
	v30 =	vadd.f32 v62, v30  }
0x130: {  	v50 =	vperm.xlane v22, v0;
	v31 =	vadd.f32 v58, v31;
	v26 =	vadd.f32 v60, v26  }
0x131: {  	v62 =	vperm.xlane v28, v0;
	v51 =	vadd.f32 v49, v46;
	v10 =	vadd.f32 v10, v6  }
0x132: {  	v54 =	vadd.f32 v52, v4;
	v58 =	vadd.f32 v55, v25;
	v60 =	vperm.xlane v24, v0  }
0x133: {  	v25 =	vadd.f32 v61, v29;
	v39 =	vperm.xlane v23, v2;
	v49 =	vperm.xlane v21, v0  }
0x134: {  	v22 =	vadd.f32 v50, v22;
	v52 =	vperm.xlane v19, v0;
	v30 =	vadd.f32 v30, v4  }
0x135: {  	v28 =	vadd.f32 v62, v28;
	v41 =	vperm.xlane v31, v2;
	v43 =	vperm.xlane v26, v3  }
0x136: {  	v53 =	vperm.xlane v51, v3;
	v24 =	vadd.f32 v60, v24;
	v38 =	vperm.xlane v25, v1  }
0x137: {  	v23 =	vadd.f32 v39, v23;
	v21 =	vadd.f32 v49, v21;
	v55 =	vperm.xlane v22, v1  }
0x138: {  	v19 =	vadd.f32 v52, v19;
	v39 =	vperm.xlane v11, v0;
	v17 =	vsel vm7, v17, v30  }
0x139: {  	v30 =	vperm.xlane v58, v1;
	v45 =	vadd.f32 v41, v31;
	v26 =	vadd.f32 v43, v26  }
0x13a: {  	v56 =	vadd.f32 v53, v51;
	v37 =	vperm.xlane v24, v1;
	v31 =	vperm.xlane v28, v1  }
0x13b: {  	v25 =	vadd.f32 v38, v25;
	v43 =	vperm.xlane v23, v3;
	v51 =	vperm.xlane v16, v0  }
0x13c: {  	v53 =	vperm.xlane v21, v1;
	v22 =	vadd.f32 v55, v22;
	v11 =	vadd.f32 v39, v11  }
0x13d: {  	v48 =	vperm.xlane v45, v3;
	v26 =	vadd.f32 v26, v5;
	v24 =	vadd.f32 v37, v24  }
0x13e: {  	v40 =	vadd.f32 v31, v28;
	v42 =	vperm.xlane v25, v2;
	v23 =	vadd.f32 v43, v23  }
0x13f: {  	v16 =	vadd.f32 v51, v16;
	v21 =	vadd.f32 v53, v21;
	v37 =	vperm.xlane v12, v0  }
0x140: {  	v43 =	vperm.xlane v9, v0;
	v18 =	vadd.f32 v48, v45;
	v17 =	vsel vm8, v17, v26  }
0x141: {  	v26 =	vadd.f32 v57, v33;
	v41 =	vperm.xlane v24, v2;
	v31 =	vperm.xlane v40, v2  }
0x142: {  	v25 =	vadd.f32 v42, v25;
	v47 =	vadd.f32 v23, v5;
	v57 =	vperm.xlane v16, v1  }
0x143: {  	v59 =	vperm.xlane v21, v2;
	v12 =	vadd.f32 v37, v12;
	v9 =	vadd.f32 v43, v9  }
0x144: {  	v10 =	vsel vm9, v17, v10;
	v18 =	vadd.f32 v18, v7;
	v63 =	vperm.xlane v26, v1  }
0x145: {  	v24 =	vadd.f32 v41, v24;
	v27 =	vadd.f32 v31, v40;
	v45 =	vperm.xlane v25, v3  }
0x146: {  	v16 =	vadd.f32 v57, v16;
	v21 =	vadd.f32 v59, v21;
	v40 =	vperm.xlane v13, v0  }
0x147: {  	v41 =	vperm.xlane v15, v0;
	v42 =	vperm.xlane v12, v1;
	v10 =	vsel vm10, v10, v18  }
0x148: {  	v18 =	vadd.f32 v56, v5;
	v26 =	vadd.f32 v63, v26;
	v44 =	vperm.xlane v24, v3  }
0x149: {  	v46 =	vperm.xlane v27, v3;
	v48 =	vadd.f32 v45, v25;
	v56 =	vperm.xlane v20, v0  }
0x14a: {  	v62 =	vperm.xlane v16, v2;
	v13 =	vadd.f32 v40, v13;
	v15 =	vadd.f32 v41, v15  }
0x14b: {  	v12 =	vadd.f32 v42, v12;
	v17 =	vsel vm11, v10, v54;
	v10 =	vadd.f32 v30, v58  }
0x14c: {  	v54 =	vperm.xlane v8, v0;
	v58 =	vperm.xlane v19, v1;
	v24 =	vadd.f32 v44, v24  }
0x14d: {  	v32 =	vperm.xlane v26, v2;
	v25 =	vadd.f32 v46, v27;
	v23 =	vadd.f32 v48, v7  }
0x14e: {  	v20 =	vadd.f32 v56, v20;
	v27 =	vperm.xlane v22, v2;
	v44 =	vperm.xlane v14, v0  }
0x14f: {  	v16 =	vadd.f32 v62, v16;
	v45 =	vperm.xlane v13, v1;
	v46 =	vperm.xlane v15, v1  }
0x150: {  	v48 =	vperm.xlane v9, v1;
	v8 =	vadd.f32 v54, v8;
	v19 =	vadd.f32 v58, v19  }
0x151: {  	v30 =	vperm.xlane v10, v2;
	v26 =	vadd.f32 v32, v26;
	v24 =	vadd.f32 v24, v6  }
0x152: {  	v61 =	vperm.xlane v20, v1;
	v22 =	vadd.f32 v27, v22;
	v14 =	vadd.f32 v44, v14  }
0x153: {  	v33 =	vperm.xlane v16, v3;
	v13 =	vadd.f32 v45, v13;
	v15 =	vadd.f32 v46, v15  }
0x154: {  	v9 =	vadd.f32 v48, v9;
	v10 =	vadd.f32 v30, v10;
	v60 =	vperm.xlane v8, v1  }
0x155: {  	v63 =	vperm.xlane v19, v2;
	v32 =	vperm.xlane v26, v3;
	v20 =	vadd.f32 v61, v20  }
0x156: {  	v27 =	vperm.xlane v22, v3;
	v16 =	vadd.f32 v33, v16;
	v49 =	vperm.xlane v14, v1  }
0x157: {  	v50 =	vperm.xlane v13, v2;
	v26 =	vadd.f32 v32, v26;
	v32 =	vperm.xlane v20, v2  }
0x158: {  	v51 =	vperm.xlane v15, v2;
	v8 =	vadd.f32 v60, v8;
	v19 =	vadd.f32 v63, v19  }
0x159: {  	v53 =	vperm.xlane v9, v2;
	v22 =	vadd.f32 v27, v22;
	v20 =	vadd.f32 v32, v20  }
0x15a: {  	v30 =	vperm.xlane v10, v3;
	v16 =	vadd.f32 v16, v6;
	v14 =	vadd.f32 v49, v14  }
0x15b: {  	v13 =	vadd.f32 v50, v13;
	v15 =	vadd.f32 v51, v15;
	v36 =	vperm.xlane v20, v3  }
0x15c: {  	v17 =	vsel vm12, v17, v18;
	v9 =	vadd.f32 v53, v9;
	v10 =	vadd.f32 v30, v10  }
0x15d: {  	v30 =	vperm.xlane v21, v3;
	v31 =	vperm.xlane v8, v2;
	v20 =	vadd.f32 v36, v20  }
0x15e: {  	v34 =	vperm.xlane v19, v3;
	v26 =	vadd.f32 v26, v4;
	v22 =	vadd.f32 v22, v5  }
0x15f: {  	v54 =	vperm.xlane v14, v2;
	v38 =	vadd.f32 v20, v5;
	v20 =	vperm.xlane v11, v1  }
0x160: {  	v55 =	vperm.xlane v13, v3;
	v56 =	vperm.xlane v15, v3;
	v10 =	vadd.f32 v10, v6  }
0x161: {  	v57 =	vperm.xlane v9, v3;
	v21 =	vadd.f32 v30, v21;
	v11 =	vadd.f32 v20, v11  }
0x162: {  	v8 =	vadd.f32 v31, v8;
	v18 =	vsel vm0, v26, v47;
	v47 =	vperm.xlane v12, v2  }
0x163: {  	v19 =	vadd.f32 v34, v19;
	v18 =	vsel vm1, v18, v24;
	v20 =	vperm.xlane v11, v2  }
0x164: {  	v21 =	vadd.f32 v21, v4;
	v35 =	vperm.xlane v8, v3;
	v12 =	vadd.f32 v47, v12  }
0x165: {  	v14 =	vadd.f32 v54, v14;
	v18 =	vsel vm2, v18, v23;
	v11 =	vadd.f32 v20, v11  }
0x166: {  	v18 =	vsel vm3, v18, v21;
	v8 =	vadd.f32 v35, v8;
	v52 =	vperm.xlane v12, v3  }
0x167: {  	v19 =	vadd.f32 v19, v7;
	v18 =	vsel vm4, v18, v22;
	v20 =	vperm.xlane v11, v3  }
0x168: {  	v16 =	vsel vm5, v18, v16;
	v8 =	vadd.f32 v8, v4;
	v12 =	vadd.f32 v52, v12  }
0x169: {  	v13 =	vadd.f32 v55, v13;
	v16 =	vsel vm6, v16, v19;
	v11 =	vadd.f32 v20, v11  }
0x16a: {  	v15 =	vadd.f32 v56, v15;
	v8 =	vsel vm7, v16, v8;
	v12 =	vadd.f32 v12, v6  }
0x16b: {  	v58 =	vperm.xlane v14, v3;
	v8 =	vsel vm8, v8, v38;
	v11 =	vadd.f32 v11, v7  }
0x16c: {  	s20 =	sadd.s32 $0x1, s20;
	v9 =	vadd.f32 v57, v9;
	v4 =	vadd.f32 v13, v4;
	v8 =	vsel vm9, v8, v12  }
0x16d: {  	p0 =	sne.s32 s20, $0x4;
	v5 =	vadd.f32 v15, v5;
	v59 =	vadd.f32 v58, v14;
	v8 =	vsel vm10, v8, v11  }
.Ltmp2:
0x16e: {  	v60 =	vadd.f32 v25, v7;
	v61 =	vadd.f32 v9, v6;
	v4 =	vsel vm11, v8, v4;
	(pc) =	sbr.rel @p0 .LBB2_2-.Ltmp2, $4  }
0x16f: {  	s21 =	sshll.u32 s21, $0x8;
	v62 =	vsel vm13, v17, v10;
	v4 =	vsel vm12, v4, v5;
	v5 =	vadd.f32 v59, v7  }
0x170: {  	s21 =	sand.u32 $0x3FFFFF00, s21;
	v63 =	vsel vm14, v62, v60;
	v4 =	vsel vm13, v4, v61  }
0x171: {  	[tilespmem:s21+$0x14000] =	vst v63;
	v4 =	vsel vm14, v4, v5  }
0x172: {  	[tilespmem:s21+$0x14080] =	vst v4  }
0x173: {  	s19 =	sadd.s32 $0x1, s19  }
0x174: {  	p0 =	sne.s32 s19, s10  }
.Ltmp3:
0x175: {  	_ = 	snop;
	(pc) =	sbr.rel @p0 .LBB2_1-.Ltmp3, $4  }
0x176: {  	[hbm4b:s9+s4] =	stream.linear.scatter [tilespmem:s17], [sflag:$0x3], $0x800, $0x38;
	[tilespmem:$0x14880] =	vst v63  }
0x177: {  	_ =	swait.ge [sflag:s18], $0x800  }
0x178: {  	[sflag:s18] =	ssyncset.done $0x0  }
0x179: {  	[sflag:s18] =	ssyncadd.s32 $0xFFFFF800  }
0x17a: {  	_ =	sfence.sel $0x180000  }
0x17b: {  	[bflag:$0x0] =	sbarrier.arrive $0xFFFF  }
0x17c: {  	p0 =	sne.s32 s2, $0x0;
	_ =	strace $0x90000047  }
0x17d: {  	s0 =	sadd.s32 @!p0 $0x100000, s3;
	[bflag:$0x2] =	sbarrier.arrive $0xFFFF  }
0x17e: {  	[sflag:s0] =	ssyncadd.tile.s32 @!p0 $0x1;
	_ =	shalt  }
.Lfunc_end2:
_tile_overlayer_lowered:
.L_overlay_start_2:
0x17f: {  	(tag) =	ssettag $0x2  }
0x180: {  	s0 =	rddreg [dreg:$0x0];
	s2 =	stileid.u32  }
0x181: {  	s1 =	rddreg [dreg:$0x1];
	p0 =	sne.s32 s2, $0x0  }
0x182: {  	s3 =	rddreg [dreg:$0x2];
	[bflag:$0x3] =	sbarrier.arrive $0xFFFF;
	s2 =	simm.s32 @!p0 $0x1C04  }
0x183: {  	[timem:s3], [sflag:s2] =	dma.local @!p0 [hbm:s0], s1  }
0x184: {  	s0 =	simm.s32 @!p0 $0x4  }
0x185: {  	_ =	swait.ge @!p0 [sflag:s0], s1  }
0x186: {  	s1 =	ssub.s32 @!p0 $0x0, s1;
	[sflag:s0] =	ssyncset.done @!p0 $0x0  }
0x187: {  	[sflag:s0] =	ssyncadd.s32 @!p0 s1  }
0x188: {  	[bflag:$0x3] =	sbarrier.arrive $0xFFFF  }
0x189: {  	_ =	shalt  }

</sc_bundles>
